<compile_context>
chip_gen: v7x
topology: tpu7x:2x2x1
jax: 0.10.2.dev20260603
libtpu: 0.0.44.dev20260713+nightly
codegen_flags: <defaults>
</compile_context>

<pallas_src>
import functools

import jax
import jax.numpy as jnp
from jax import lax
from jax.experimental import pallas as pl
from jax.experimental.pallas import tpu as pltpu
from jax.experimental.pallas import tpu_sc as plsc

D = 32
NTAB = 6
RCH = 4

REP_CAT = 16
REP_HOUR = 512
REP_DAY = 1024


def _build_sc_kernel(B: int, L: int, r_per_w: int, num_cores: int):
    n_ch = r_per_w // RCH
    assert r_per_w % RCH == 0 and n_ch % 2 == 0
    mesh = plsc.VectorSubcoreMesh(core_axis_name="c", subcore_axis_name="s")

    @functools.partial(
        pl.kernel,
        mesh=mesh,
        out_type=jax.ShapeDtypeStruct((B, L, NTAB * D), jnp.float32),
        compiler_params=pltpu.CompilerParams(use_tc_tiling_on_sc=False),
        scratch_types=[
            pltpu.VMEM((NTAB, r_per_w, L), jnp.int32),
            pltpu.VMEM((2, NTAB, RCH, L, D), jnp.float32),
            pltpu.SemaphoreType.DMA,
            pltpu.SemaphoreType.DMA,
            pltpu.SemaphoreType.DMA,
            pltpu.SemaphoreType.DMA,
        ],
    )
    def sc_kernel(u_t, p_t, c_t, h_t, d_t, q_t,
                  u_i, p_i, c_i, h_i, d_i, q_i,
                  out, idx_all, rows, sg0, sg1, sw0, sw1):
        wid = lax.axis_index("s") * num_cores + lax.axis_index("c")
        rbase = wid * r_per_w
        tabs = [u_t, p_t, c_t, h_t, d_t, q_t]
        idxs = [u_i, p_i, c_i, h_i, d_i, q_i]
        sg = [sg0, sg1]
        sw = [sw0, sw1]

        for t in range(NTAB):
            pltpu.sync_copy(idxs[t].at[pl.ds(rbase, r_per_w), :], idx_all.at[t])

        def gathers(ci, b):
            off = ci * RCH
            for t in range(NTAB):
                for r in range(RCH):
                    pltpu.async_copy(
                        tabs[t].at[idx_all.at[t, off + r]],
                        rows.at[b, t, r], sg[b])

        def wait_g(b):
            for t in range(NTAB):
                pltpu.make_async_copy(
                    out.at[pl.ds(0, RCH), :, pl.ds(0, D)],
                    rows.at[b, t], sg[b]).wait()

        def writes(ci, b):
            off = rbase + ci * RCH
            for t in range(NTAB):
                pltpu.async_copy(
                    rows.at[b, t],
                    out.at[pl.ds(off, RCH), :, pl.ds(t * D, D)], sw[b])

        def wait_w(b):
            for t in range(NTAB):
                pltpu.make_async_copy(
                    rows.at[b, t],
                    out.at[pl.ds(0, RCH), :, pl.ds(0, D)], sw[b]).wait()

        gathers(0, 0)

        def body(i, carry):
            for k in range(2):
                ci = i * 2 + k
                b = k
                wait_g(b)
                writes(ci, b)

                @pl.when(ci + 1 < n_ch)
                def _issue_next():
                    @pl.when(ci > 0)
                    def _drain_writes():
                        wait_w(1 - b)
                    gathers(ci + 1, 1 - b)
            return carry

        lax.fori_loop(0, n_ch // 2, body, 0)
        wait_w(0)
        wait_w(1)

    return sc_kernel


def kernel(user_table, poi_table, cat_table, hour_table, day_table, qk_table,
           user_idx, poi_idx, category_idx, hour_idx, day_idx, quadkey_idx):
    B, L = user_idx.shape
    info = plsc.get_sparse_core_info()
    num_workers = info.num_cores * info.num_subcores
    r_per_w = B // num_workers

    spread = lax.broadcasted_iota(jnp.int32, (B, L), 1) + \
        lax.broadcasted_iota(jnp.int32, (B, L), 0)
    cat_rep = jnp.tile(cat_table, (REP_CAT, 1))
    hour_rep = jnp.tile(hour_table, (REP_HOUR, 1))
    day_rep = jnp.tile(day_table, (REP_DAY, 1))
    cat_i = category_idx + (spread % REP_CAT) * cat_table.shape[0]
    hour_i = hour_idx + (spread % REP_HOUR) * hour_table.shape[0]
    day_i = day_idx + (spread % REP_DAY) * day_table.shape[0]

    user_i = jnp.minimum(user_idx, user_table.shape[0] - 1)
    poi_i = jnp.minimum(poi_idx, poi_table.shape[0] - 1)
    qk_i = jnp.minimum(quadkey_idx, qk_table.shape[0] - 1)

    sc = _build_sc_kernel(B, L, r_per_w, info.num_cores)
    return sc(user_table, poi_table, cat_rep, hour_rep, day_rep, qk_table,
              user_i, poi_i, cat_i, hour_i, day_i, qk_i)

# --- scband reference (transcript-rebuilt; emitter-appended) ---
"""Pipeline reference for scband-embedding-layer-90177133347073 (READ-ONLY COPY).

The authoritative reference and input builder live on the scoring server;
editing this copy changes nothing except your own understanding.
"""

import jax, jax.numpy as jnp
import numpy as np

N_USERS = 100000
N_POIS = 1000000
N_CATS = 1000
N_QKS = 100000
N_HOURS = 24
N_DAYS = 7
D_ID = 32
B, L = 4096, 50


def setup_inputs(seed: int = 0) -> dict:
    key = jax.random.key(seed)
    ks = jax.random.split(key, 12)
    return {
        "user_table": jax.random.normal(ks[0], (N_USERS, D_ID), dtype=jnp.float32),
        "poi_table": jax.random.normal(ks[1], (N_POIS, D_ID), dtype=jnp.float32),
        "cat_table": jax.random.normal(ks[2], (N_CATS, D_ID), dtype=jnp.float32),
        "hour_table": jax.random.normal(ks[3], (N_HOURS, D_ID), dtype=jnp.float32),
        "day_table": jax.random.normal(ks[4], (N_DAYS, D_ID), dtype=jnp.float32),
        "qk_table": jax.random.normal(ks[5], (N_QKS, D_ID), dtype=jnp.float32),
        "user_idx": jax.random.randint(ks[6], (B, L), 0, N_USERS, dtype=jnp.int32),
        "poi_idx": jax.random.randint(ks[7], (B, L), 0, N_POIS, dtype=jnp.int32),
        "category_idx": jax.random.randint(ks[8], (B, L), 0, N_CATS, dtype=jnp.int32),
        "hour_idx": jax.random.randint(ks[9], (B, L), 0, N_HOURS, dtype=jnp.int32),
        "day_idx": jax.random.randint(ks[10], (B, L), 0, N_DAYS, dtype=jnp.int32),
        "quadkey_idx": jax.random.randint(ks[11], (B, L), 0, N_QKS, dtype=jnp.int32),
    }


def reference(user_table, poi_table, cat_table, hour_table, day_table, qk_table,
              user_idx, poi_idx, category_idx, hour_idx, day_idx, quadkey_idx):
    # Six embedding gathers, concatenated along the feature axis (d_model = 6*d_id).
    u = jnp.take(user_table, user_idx, axis=0)
    p = jnp.take(poi_table, poi_idx, axis=0)
    c = jnp.take(cat_table, category_idx, axis=0)
    h = jnp.take(hour_table, hour_idx, axis=0)
    d = jnp.take(day_table, day_idx, axis=0)
    q = jnp.take(qk_table, quadkey_idx, axis=0)
    return jnp.concatenate([u, p, c, h, d, q], axis=-1)

if __name__ == "__main__":
    import jax
    _d = setup_inputs()
    print(jax.jit(kernel)(*tuple(_d.values())))

</pallas_src>

<mosaic_0001>
#map = affine_map<(d0, d1) -> (0, 0)>
#map1 = affine_map<(d0, d1) -> (0, 0, 0)>
module attributes {stable_mosaic.version = 14 : i64} {
  func.func @sc_kernel(%arg0: i32, %arg1: i32, %arg2: memref<100000x32xf32, #tpu.memory_space<hbm>>, %arg3: memref<1000000x32xf32, #tpu.memory_space<hbm>>, %arg4: memref<16000x32xf32, #tpu.memory_space<hbm>>, %arg5: memref<12288x32xf32, #tpu.memory_space<hbm>>, %arg6: memref<7168x32xf32, #tpu.memory_space<hbm>>, %arg7: memref<100000x32xf32, #tpu.memory_space<hbm>>, %arg8: memref<4096x50xi32, #tpu.memory_space<hbm>>, %arg9: memref<4096x50xi32, #tpu.memory_space<hbm>>, %arg10: memref<4096x50xi32, #tpu.memory_space<hbm>>, %arg11: memref<4096x50xi32, #tpu.memory_space<hbm>>, %arg12: memref<4096x50xi32, #tpu.memory_space<hbm>>, %arg13: memref<4096x50xi32, #tpu.memory_space<hbm>>, %arg14: memref<4096x50x192xf32, #tpu.memory_space<hbm>>, %arg15: memref<6x128x50xi32, #tpu.memory_space<vmem>>, %arg16: memref<2x6x4x50x32xf32, #tpu.memory_space<vmem>>, %arg17: memref<!tpu.dma_semaphore, #tpu.memory_space<semaphore_mem>>, %arg18: memref<!tpu.dma_semaphore, #tpu.memory_space<semaphore_mem>>, %arg19: memref<!tpu.dma_semaphore, #tpu.memory_space<semaphore_mem>>, %arg20: memref<!tpu.dma_semaphore, #tpu.memory_space<semaphore_mem>>) attributes {dimension_semantics = [#tpu.dimension_semantics<core_parallel>, #tpu.dimension_semantics<subcore_parallel>], iteration_bounds = array<i64: 2, 16>, scalar_prefetch = 0 : i64, scratch_operands = 6 : i64, tpu.core_type = #tpu.core_type<sc_vector_subcore>, window_params = [{transform_indices = #map}, {transform_indices = #map}, {transform_indices = #map}, {transform_indices = #map}, {transform_indices = #map}, {transform_indices = #map}, {transform_indices = #map}, {transform_indices = #map}, {transform_indices = #map}, {transform_indices = #map}, {transform_indices = #map}, {transform_indices = #map}, {transform_indices = #map1}]} {
    %mul3A = arith.constant 2 : i32
    %mul3A_0 = arith.muli %arg1, %mul3A : i32
    %add3A = arith.addi %mul3A_0, %arg0 : i32
    %mul3A_1 = arith.constant 128 : i32
    %mul3A_2 = arith.muli %add3A, %mul3A_1 : i32
    %run_scoped3A = arith.constant 0 : i32
    "tpu.region"() ({
      %run_scoped3A_611 = tpu.sem_alloc : memref<!tpu.dma_semaphore, #tpu.memory_space<semaphore_mem>>
      %dma_start3A_612 = arith.constant 0 : i32
      %dma_start3A_613 = arith.constant 0 : i32
      %dma_start3A_614 = tpu.memref_slice %arg15[%run_scoped3A, %dma_start3A_612, %dma_start3A_613] : memref<6x128x50xi32, #tpu.memory_space<vmem>> -> memref<1x128x50xi32, #tpu.memory_space<vmem>>
      %dma_start3A_615 = tpu.memref_squeeze %dma_start3A_614 : memref<1x128x50xi32, #tpu.memory_space<vmem>> -> memref<128x50xi32, #tpu.memory_space<vmem>>
      %dma_start3A_616 = arith.constant 0 : i32
      %dma_start3A_617 = tpu.memref_slice %arg8[%mul3A_2, %dma_start3A_616] : memref<4096x50xi32, #tpu.memory_space<hbm>> -> memref<128x50xi32, #tpu.memory_space<hbm>>
      %dma_start3A_618 = arith.constant 0 : i32
      %dma_start3A_619 = arith.constant 0 : i32
      %dma_start3A_620 = tpu.memref_slice %arg15[%run_scoped3A, %dma_start3A_618, %dma_start3A_619] : memref<6x128x50xi32, #tpu.memory_space<vmem>> -> memref<1x128x50xi32, #tpu.memory_space<vmem>>
      %dma_start3A_621 = tpu.memref_squeeze %dma_start3A_620 : memref<1x128x50xi32, #tpu.memory_space<vmem>> -> memref<128x50xi32, #tpu.memory_space<vmem>>
      %dma_start3A_622 = arith.constant 0 : i32
      %dma_start3A_623 = tpu.memref_slice %arg8[%mul3A_2, %dma_start3A_622] : memref<4096x50xi32, #tpu.memory_space<hbm>> -> memref<128x50xi32, #tpu.memory_space<hbm>>
      tpu.enqueue_dma source(%dma_start3A_623 : memref<128x50xi32, #tpu.memory_space<hbm>>) target(%dma_start3A_621 : memref<128x50xi32, #tpu.memory_space<vmem>>) target_semaphore(%run_scoped3A_611 : memref<!tpu.dma_semaphore, #tpu.memory_space<semaphore_mem>>)
      %dma_wait3A_624 = arith.constant 0 : i32
      %dma_wait3A_625 = arith.constant 0 : i32
      %dma_wait3A_626 = tpu.memref_slice %arg15[%run_scoped3A, %dma_wait3A_624, %dma_wait3A_625] : memref<6x128x50xi32, #tpu.memory_space<vmem>> -> memref<1x128x50xi32, #tpu.memory_space<vmem>>
      %dma_wait3A_627 = tpu.memref_squeeze %dma_wait3A_626 : memref<1x128x50xi32, #tpu.memory_space<vmem>> -> memref<128x50xi32, #tpu.memory_space<vmem>>
      %dma_wait3A_628 = arith.constant 0 : i32
      %dma_wait3A_629 = tpu.memref_slice %arg8[%mul3A_2, %dma_wait3A_628] : memref<4096x50xi32, #tpu.memory_space<hbm>> -> memref<128x50xi32, #tpu.memory_space<hbm>>
      %dma_wait3A_630 = arith.constant 0 : i32
      %dma_wait3A_631 = arith.constant 0 : i32
      %dma_wait3A_632 = tpu.memref_slice %arg15[%run_scoped3A, %dma_wait3A_630, %dma_wait3A_631] : memref<6x128x50xi32, #tpu.memory_space<vmem>> -> memref<1x128x50xi32, #tpu.memory_space<vmem>>
      %dma_wait3A_633 = tpu.memref_squeeze %dma_wait3A_632 : memref<1x128x50xi32, #tpu.memory_space<vmem>> -> memref<128x50xi32, #tpu.memory_space<vmem>>
      %dma_wait3A_634 = arith.constant 0 : i32
      %dma_wait3A_635 = tpu.memref_slice %arg8[%mul3A_2, %dma_wait3A_634] : memref<4096x50xi32, #tpu.memory_space<hbm>> -> memref<128x50xi32, #tpu.memory_space<hbm>>
      tpu.wait_dma2 semaphore(%run_scoped3A_611 : memref<!tpu.dma_semaphore, #tpu.memory_space<semaphore_mem>>) src(%dma_wait3A_635 : memref<128x50xi32, #tpu.memory_space<hbm>>) dst(%dma_wait3A_633 : memref<128x50xi32, #tpu.memory_space<vmem>>)
      tpu.yield
    }) : () -> ()
    %run_scoped3A_3 = arith.constant 1 : i32
    "tpu.region"() ({
      %run_scoped3A_611 = tpu.sem_alloc : memref<!tpu.dma_semaphore, #tpu.memory_space<semaphore_mem>>
      %dma_start3A_612 = arith.constant 0 : i32
      %dma_start3A_613 = arith.constant 0 : i32
      %dma_start3A_614 = tpu.memref_slice %arg15[%run_scoped3A_3, %dma_start3A_612, %dma_start3A_613] : memref<6x128x50xi32, #tpu.memory_space<vmem>> -> memref<1x128x50xi32, #tpu.memory_space<vmem>>
      %dma_start3A_615 = tpu.memref_squeeze %dma_start3A_614 : memref<1x128x50xi32, #tpu.memory_space<vmem>> -> memref<128x50xi32, #tpu.memory_space<vmem>>
      %dma_start3A_616 = arith.constant 0 : i32
      %dma_start3A_617 = tpu.memref_slice %arg9[%mul3A_2, %dma_start3A_616] : memref<4096x50xi32, #tpu.memory_space<hbm>> -> memref<128x50xi32, #tpu.memory_space<hbm>>
      %dma_start3A_618 = arith.constant 0 : i32
      %dma_start3A_619 = arith.constant 0 : i32
      %dma_start3A_620 = tpu.memref_slice %arg15[%run_scoped3A_3, %dma_start3A_618, %dma_start3A_619] : memref<6x128x50xi32, #tpu.memory_space<vmem>> -> memref<1x128x50xi32, #tpu.memory_space<vmem>>
      %dma_start3A_621 = tpu.memref_squeeze %dma_start3A_620 : memref<1x128x50xi32, #tpu.memory_space<vmem>> -> memref<128x50xi32, #tpu.memory_space<vmem>>
      %dma_start3A_622 = arith.constant 0 : i32
      %dma_start3A_623 = tpu.memref_slice %arg9[%mul3A_2, %dma_start3A_622] : memref<4096x50xi32, #tpu.memory_space<hbm>> -> memref<128x50xi32, #tpu.memory_space<hbm>>
      tpu.enqueue_dma source(%dma_start3A_623 : memref<128x50xi32, #tpu.memory_space<hbm>>) target(%dma_start3A_621 : memref<128x50xi32, #tpu.memory_space<vmem>>) target_semaphore(%run_scoped3A_611 : memref<!tpu.dma_semaphore, #tpu.memory_space<semaphore_mem>>)
      %dma_wait3A_624 = arith.constant 0 : i32
      %dma_wait3A_625 = arith.constant 0 : i32
      %dma_wait3A_626 = tpu.memref_slice %arg15[%run_scoped3A_3, %dma_wait3A_624, %dma_wait3A_625] : memref<6x128x50xi32, #tpu.memory_space<vmem>> -> memref<1x128x50xi32, #tpu.memory_space<vmem>>
      %dma_wait3A_627 = tpu.memref_squeeze %dma_wait3A_626 : memref<1x128x50xi32, #tpu.memory_space<vmem>> -> memref<128x50xi32, #tpu.memory_space<vmem>>
      %dma_wait3A_628 = arith.constant 0 : i32
      %dma_wait3A_629 = tpu.memref_slice %arg9[%mul3A_2, %dma_wait3A_628] : memref<4096x50xi32, #tpu.memory_space<hbm>> -> memref<128x50xi32, #tpu.memory_space<hbm>>
      %dma_wait3A_630 = arith.constant 0 : i32
      %dma_wait3A_631 = arith.constant 0 : i32
      %dma_wait3A_632 = tpu.memref_slice %arg15[%run_scoped3A_3, %dma_wait3A_630, %dma_wait3A_631] : memref<6x128x50xi32, #tpu.memory_space<vmem>> -> memref<1x128x50xi32, #tpu.memory_space<vmem>>
      %dma_wait3A_633 = tpu.memref_squeeze %dma_wait3A_632 : memref<1x128x50xi32, #tpu.memory_space<vmem>> -> memref<128x50xi32, #tpu.memory_space<vmem>>
      %dma_wait3A_634 = arith.constant 0 : i32
      %dma_wait3A_635 = tpu.memref_slice %arg9[%mul3A_2, %dma_wait3A_634] : memref<4096x50xi32, #tpu.memory_space<hbm>> -> memref<128x50xi32, #tpu.memory_space<hbm>>
      tpu.wait_dma2 semaphore(%run_scoped3A_611 : memref<!tpu.dma_semaphore, #tpu.memory_space<semaphore_mem>>) src(%dma_wait3A_635 : memref<128x50xi32, #tpu.memory_space<hbm>>) dst(%dma_wait3A_633 : memref<128x50xi32, #tpu.memory_space<vmem>>)
      tpu.yield
    }) : () -> ()
    %run_scoped3A_4 = arith.constant 2 : i32
    "tpu.region"() ({
      %run_scoped3A_611 = tpu.sem_alloc : memref<!tpu.dma_semaphore, #tpu.memory_space<semaphore_mem>>
      %dma_start3A_612 = arith.constant 0 : i32
      %dma_start3A_613 = arith.constant 0 : i32
      %dma_start3A_614 = tpu.memref_slice %arg15[%run_scoped3A_4, %dma_start3A_612, %dma_start3A_613] : memref<6x128x50xi32, #tpu.memory_space<vmem>> -> memref<1x128x50xi32, #tpu.memory_space<vmem>>
      %dma_start3A_615 = tpu.memref_squeeze %dma_start3A_614 : memref<1x128x50xi32, #tpu.memory_space<vmem>> -> memref<128x50xi32, #tpu.memory_space<vmem>>
      %dma_start3A_616 = arith.constant 0 : i32
      %dma_start3A_617 = tpu.memref_slice %arg10[%mul3A_2, %dma_start3A_616] : memref<4096x50xi32, #tpu.memory_space<hbm>> -> memref<128x50xi32, #tpu.memory_space<hbm>>
      %dma_start3A_618 = arith.constant 0 : i32
      %dma_start3A_619 = arith.constant 0 : i32
      %dma_start3A_620 = tpu.memref_slice %arg15[%run_scoped3A_4, %dma_start3A_618, %dma_start3A_619] : memref<6x128x50xi32, #tpu.memory_space<vmem>> -> memref<1x128x50xi32, #tpu.memory_space<vmem>>
      %dma_start3A_621 = tpu.memref_squeeze %dma_start3A_620 : memref<1x128x50xi32, #tpu.memory_space<vmem>> -> memref<128x50xi32, #tpu.memory_space<vmem>>
      %dma_start3A_622 = arith.constant 0 : i32
      %dma_start3A_623 = tpu.memref_slice %arg10[%mul3A_2, %dma_start3A_622] : memref<4096x50xi32, #tpu.memory_space<hbm>> -> memref<128x50xi32, #tpu.memory_space<hbm>>
      tpu.enqueue_dma source(%dma_start3A_623 : memref<128x50xi32, #tpu.memory_space<hbm>>) target(%dma_start3A_621 : memref<128x50xi32, #tpu.memory_space<vmem>>) target_semaphore(%run_scoped3A_611 : memref<!tpu.dma_semaphore, #tpu.memory_space<semaphore_mem>>)
      %dma_wait3A_624 = arith.constant 0 : i32
      %dma_wait3A_625 = arith.constant 0 : i32
      %dma_wait3A_626 = tpu.memref_slice %arg15[%run_scoped3A_4, %dma_wait3A_624, %dma_wait3A_625] : memref<6x128x50xi32, #tpu.memory_space<vmem>> -> memref<1x128x50xi32, #tpu.memory_space<vmem>>
      %dma_wait3A_627 = tpu.memref_squeeze %dma_wait3A_626 : memref<1x128x50xi32, #tpu.memory_space<vmem>> -> memref<128x50xi32, #tpu.memory_space<vmem>>
      %dma_wait3A_628 = arith.constant 0 : i32
      %dma_wait3A_629 = tpu.memref_slice %arg10[%mul3A_2, %dma_wait3A_628] : memref<4096x50xi32, #tpu.memory_space<hbm>> -> memref<128x50xi32, #tpu.memory_space<hbm>>
      %dma_wait3A_630 = arith.constant 0 : i32
      %dma_wait3A_631 = arith.constant 0 : i32
      %dma_wait3A_632 = tpu.memref_slice %arg15[%run_scoped3A_4, %dma_wait3A_630, %dma_wait3A_631] : memref<6x128x50xi32, #tpu.memory_space<vmem>> -> memref<1x128x50xi32, #tpu.memory_space<vmem>>
      %dma_wait3A_633 = tpu.memref_squeeze %dma_wait3A_632 : memref<1x128x50xi32, #tpu.memory_space<vmem>> -> memref<128x50xi32, #tpu.memory_space<vmem>>
      %dma_wait3A_634 = arith.constant 0 : i32
      %dma_wait3A_635 = tpu.memref_slice %arg10[%mul3A_2, %dma_wait3A_634] : memref<4096x50xi32, #tpu.memory_space<hbm>> -> memref<128x50xi32, #tpu.memory_space<hbm>>
      tpu.wait_dma2 semaphore(%run_scoped3A_611 : memref<!tpu.dma_semaphore, #tpu.memory_space<semaphore_mem>>) src(%dma_wait3A_635 : memref<128x50xi32, #tpu.memory_space<hbm>>) dst(%dma_wait3A_633 : memref<128x50xi32, #tpu.memory_space<vmem>>)
      tpu.yield
    }) : () -> ()
    %run_scoped3A_5 = arith.constant 3 : i32
    "tpu.region"() ({
      %run_scoped3A_611 = tpu.sem_alloc : memref<!tpu.dma_semaphore, #tpu.memory_space<semaphore_mem>>
      %dma_start3A_612 = arith.constant 0 : i32
      %dma_start3A_613 = arith.constant 0 : i32
      %dma_start3A_614 = tpu.memref_slice %arg15[%run_scoped3A_5, %dma_start3A_612, %dma_start3A_613] : memref<6x128x50xi32, #tpu.memory_space<vmem>> -> memref<1x128x50xi32, #tpu.memory_space<vmem>>
      %dma_start3A_615 = tpu.memref_squeeze %dma_start3A_614 : memref<1x128x50xi32, #tpu.memory_space<vmem>> -> memref<128x50xi32, #tpu.memory_space<vmem>>
      %dma_start3A_616 = arith.constant 0 : i32
      %dma_start3A_617 = tpu.memref_slice %arg11[%mul3A_2, %dma_start3A_616] : memref<4096x50xi32, #tpu.memory_space<hbm>> -> memref<128x50xi32, #tpu.memory_space<hbm>>
      %dma_start3A_618 = arith.constant 0 : i32
      %dma_start3A_619 = arith.constant 0 : i32
      %dma_start3A_620 = tpu.memref_slice %arg15[%run_scoped3A_5, %dma_start3A_618, %dma_start3A_619] : memref<6x128x50xi32, #tpu.memory_space<vmem>> -> memref<1x128x50xi32, #tpu.memory_space<vmem>>
      %dma_start3A_621 = tpu.memref_squeeze %dma_start3A_620 : memref<1x128x50xi32, #tpu.memory_space<vmem>> -> memref<128x50xi32, #tpu.memory_space<vmem>>
      %dma_start3A_622 = arith.constant 0 : i32
      %dma_start3A_623 = tpu.memref_slice %arg11[%mul3A_2, %dma_start3A_622] : memref<4096x50xi32, #tpu.memory_space<hbm>> -> memref<128x50xi32, #tpu.memory_space<hbm>>
      tpu.enqueue_dma source(%dma_start3A_623 : memref<128x50xi32, #tpu.memory_space<hbm>>) target(%dma_start3A_621 : memref<128x50xi32, #tpu.memory_space<vmem>>) target_semaphore(%run_scoped3A_611 : memref<!tpu.dma_semaphore, #tpu.memory_space<semaphore_mem>>)
      %dma_wait3A_624 = arith.constant 0 : i32
      %dma_wait3A_625 = arith.constant 0 : i32
      %dma_wait3A_626 = tpu.memref_slice %arg15[%run_scoped3A_5, %dma_wait3A_624, %dma_wait3A_625] : memref<6x128x50xi32, #tpu.memory_space<vmem>> -> memref<1x128x50xi32, #tpu.memory_space<vmem>>
      %dma_wait3A_627 = tpu.memref_squeeze %dma_wait3A_626 : memref<1x128x50xi32, #tpu.memory_space<vmem>> -> memref<128x50xi32, #tpu.memory_space<vmem>>
      %dma_wait3A_628 = arith.constant 0 : i32
      %dma_wait3A_629 = tpu.memref_slice %arg11[%mul3A_2, %dma_wait3A_628] : memref<4096x50xi32, #tpu.memory_space<hbm>> -> memref<128x50xi32, #tpu.memory_space<hbm>>
      %dma_wait3A_630 = arith.constant 0 : i32
      %dma_wait3A_631 = arith.constant 0 : i32
      %dma_wait3A_632 = tpu.memref_slice %arg15[%run_scoped3A_5, %dma_wait3A_630, %dma_wait3A_631] : memref<6x128x50xi32, #tpu.memory_space<vmem>> -> memref<1x128x50xi32, #tpu.memory_space<vmem>>
      %dma_wait3A_633 = tpu.memref_squeeze %dma_wait3A_632 : memref<1x128x50xi32, #tpu.memory_space<vmem>> -> memref<128x50xi32, #tpu.memory_space<vmem>>
      %dma_wait3A_634 = arith.constant 0 : i32
      %dma_wait3A_635 = tpu.memref_slice %arg11[%mul3A_2, %dma_wait3A_634] : memref<4096x50xi32, #tpu.memory_space<hbm>> -> memref<128x50xi32, #tpu.memory_space<hbm>>
      tpu.wait_dma2 semaphore(%run_scoped3A_611 : memref<!tpu.dma_semaphore, #tpu.memory_space<semaphore_mem>>) src(%dma_wait3A_635 : memref<128x50xi32, #tpu.memory_space<hbm>>) dst(%dma_wait3A_633 : memref<128x50xi32, #tpu.memory_space<vmem>>)
      tpu.yield
    }) : () -> ()
    %run_scoped3A_6 = arith.constant 4 : i32
    "tpu.region"() ({
      %run_scoped3A_611 = tpu.sem_alloc : memref<!tpu.dma_semaphore, #tpu.memory_space<semaphore_mem>>
      %dma_start3A_612 = arith.constant 0 : i32
      %dma_start3A_613 = arith.constant 0 : i32
      %dma_start3A_614 = tpu.memref_slice %arg15[%run_scoped3A_6, %dma_start3A_612, %dma_start3A_613] : memref<6x128x50xi32, #tpu.memory_space<vmem>> -> memref<1x128x50xi32, #tpu.memory_space<vmem>>
      %dma_start3A_615 = tpu.memref_squeeze %dma_start3A_614 : memref<1x128x50xi32, #tpu.memory_space<vmem>> -> memref<128x50xi32, #tpu.memory_space<vmem>>
      %dma_start3A_616 = arith.constant 0 : i32
      %dma_start3A_617 = tpu.memref_slice %arg12[%mul3A_2, %dma_start3A_616] : memref<4096x50xi32, #tpu.memory_space<hbm>> -> memref<128x50xi32, #tpu.memory_space<hbm>>
      %dma_start3A_618 = arith.constant 0 : i32
      %dma_start3A_619 = arith.constant 0 : i32
      %dma_start3A_620 = tpu.memref_slice %arg15[%run_scoped3A_6, %dma_start3A_618, %dma_start3A_619] : memref<6x128x50xi32, #tpu.memory_space<vmem>> -> memref<1x128x50xi32, #tpu.memory_space<vmem>>
      %dma_start3A_621 = tpu.memref_squeeze %dma_start3A_620 : memref<1x128x50xi32, #tpu.memory_space<vmem>> -> memref<128x50xi32, #tpu.memory_space<vmem>>
      %dma_start3A_622 = arith.constant 0 : i32
      %dma_start3A_623 = tpu.memref_slice %arg12[%mul3A_2, %dma_start3A_622] : memref<4096x50xi32, #tpu.memory_space<hbm>> -> memref<128x50xi32, #tpu.memory_space<hbm>>
      tpu.enqueue_dma source(%dma_start3A_623 : memref<128x50xi32, #tpu.memory_space<hbm>>) target(%dma_start3A_621 : memref<128x50xi32, #tpu.memory_space<vmem>>) target_semaphore(%run_scoped3A_611 : memref<!tpu.dma_semaphore, #tpu.memory_space<semaphore_mem>>)
      %dma_wait3A_624 = arith.constant 0 : i32
      %dma_wait3A_625 = arith.constant 0 : i32
      %dma_wait3A_626 = tpu.memref_slice %arg15[%run_scoped3A_6, %dma_wait3A_624, %dma_wait3A_625] : memref<6x128x50xi32, #tpu.memory_space<vmem>> -> memref<1x128x50xi32, #tpu.memory_space<vmem>>
      %dma_wait3A_627 = tpu.memref_squeeze %dma_wait3A_626 : memref<1x128x50xi32, #tpu.memory_space<vmem>> -> memref<128x50xi32, #tpu.memory_space<vmem>>
      %dma_wait3A_628 = arith.constant 0 : i32
      %dma_wait3A_629 = tpu.memref_slice %arg12[%mul3A_2, %dma_wait3A_628] : memref<4096x50xi32, #tpu.memory_space<hbm>> -> memref<128x50xi32, #tpu.memory_space<hbm>>
      %dma_wait3A_630 = arith.constant 0 : i32
      %dma_wait3A_631 = arith.constant 0 : i32
      %dma_wait3A_632 = tpu.memref_slice %arg15[%run_scoped3A_6, %dma_wait3A_630, %dma_wait3A_631] : memref<6x128x50xi32, #tpu.memory_space<vmem>> -> memref<1x128x50xi32, #tpu.memory_space<vmem>>
      %dma_wait3A_633 = tpu.memref_squeeze %dma_wait3A_632 : memref<1x128x50xi32, #tpu.memory_space<vmem>> -> memref<128x50xi32, #tpu.memory_space<vmem>>
      %dma_wait3A_634 = arith.constant 0 : i32
      %dma_wait3A_635 = tpu.memref_slice %arg12[%mul3A_2, %dma_wait3A_634] : memref<4096x50xi32, #tpu.memory_space<hbm>> -> memref<128x50xi32, #tpu.memory_space<hbm>>
      tpu.wait_dma2 semaphore(%run_scoped3A_611 : memref<!tpu.dma_semaphore, #tpu.memory_space<semaphore_mem>>) src(%dma_wait3A_635 : memref<128x50xi32, #tpu.memory_space<hbm>>) dst(%dma_wait3A_633 : memref<128x50xi32, #tpu.memory_space<vmem>>)
      tpu.yield
    }) : () -> ()
    %run_scoped3A_7 = arith.constant 5 : i32
    "tpu.region"() ({
      %run_scoped3A_611 = tpu.sem_alloc : memref<!tpu.dma_semaphore, #tpu.memory_space<semaphore_mem>>
      %dma_start3A_612 = arith.constant 0 : i32
      %dma_start3A_613 = arith.constant 0 : i32
      %dma_start3A_614 = tpu.memref_slice %arg15[%run_scoped3A_7, %dma_start3A_612, %dma_start3A_613] : memref<6x128x50xi32, #tpu.memory_space<vmem>> -> memref<1x128x50xi32, #tpu.memory_space<vmem>>
      %dma_start3A_615 = tpu.memref_squeeze %dma_start3A_614 : memref<1x128x50xi32, #tpu.memory_space<vmem>> -> memref<128x50xi32, #tpu.memory_space<vmem>>
      %dma_start3A_616 = arith.constant 0 : i32
      %dma_start3A_617 = tpu.memref_slice %arg13[%mul3A_2, %dma_start3A_616] : memref<4096x50xi32, #tpu.memory_space<hbm>> -> memref<128x50xi32, #tpu.memory_space<hbm>>
      %dma_start3A_618 = arith.constant 0 : i32
      %dma_start3A_619 = arith.constant 0 : i32
      %dma_start3A_620 = tpu.memref_slice %arg15[%run_scoped3A_7, %dma_start3A_618, %dma_start3A_619] : memref<6x128x50xi32, #tpu.memory_space<vmem>> -> memref<1x128x50xi32, #tpu.memory_space<vmem>>
      %dma_start3A_621 = tpu.memref_squeeze %dma_start3A_620 : memref<1x128x50xi32, #tpu.memory_space<vmem>> -> memref<128x50xi32, #tpu.memory_space<vmem>>
      %dma_start3A_622 = arith.constant 0 : i32
      %dma_start3A_623 = tpu.memref_slice %arg13[%mul3A_2, %dma_start3A_622] : memref<4096x50xi32, #tpu.memory_space<hbm>> -> memref<128x50xi32, #tpu.memory_space<hbm>>
      tpu.enqueue_dma source(%dma_start3A_623 : memref<128x50xi32, #tpu.memory_space<hbm>>) target(%dma_start3A_621 : memref<128x50xi32, #tpu.memory_space<vmem>>) target_semaphore(%run_scoped3A_611 : memref<!tpu.dma_semaphore, #tpu.memory_space<semaphore_mem>>)
      %dma_wait3A_624 = arith.constant 0 : i32
      %dma_wait3A_625 = arith.constant 0 : i32
      %dma_wait3A_626 = tpu.memref_slice %arg15[%run_scoped3A_7, %dma_wait3A_624, %dma_wait3A_625] : memref<6x128x50xi32, #tpu.memory_space<vmem>> -> memref<1x128x50xi32, #tpu.memory_space<vmem>>
      %dma_wait3A_627 = tpu.memref_squeeze %dma_wait3A_626 : memref<1x128x50xi32, #tpu.memory_space<vmem>> -> memref<128x50xi32, #tpu.memory_space<vmem>>
      %dma_wait3A_628 = arith.constant 0 : i32
      %dma_wait3A_629 = tpu.memref_slice %arg13[%mul3A_2, %dma_wait3A_628] : memref<4096x50xi32, #tpu.memory_space<hbm>> -> memref<128x50xi32, #tpu.memory_space<hbm>>
      %dma_wait3A_630 = arith.constant 0 : i32
      %dma_wait3A_631 = arith.constant 0 : i32
      %dma_wait3A_632 = tpu.memref_slice %arg15[%run_scoped3A_7, %dma_wait3A_630, %dma_wait3A_631] : memref<6x128x50xi32, #tpu.memory_space<vmem>> -> memref<1x128x50xi32, #tpu.memory_space<vmem>>
      %dma_wait3A_633 = tpu.memref_squeeze %dma_wait3A_632 : memref<1x128x50xi32, #tpu.memory_space<vmem>> -> memref<128x50xi32, #tpu.memory_space<vmem>>
      %dma_wait3A_634 = arith.constant 0 : i32
      %dma_wait3A_635 = tpu.memref_slice %arg13[%mul3A_2, %dma_wait3A_634] : memref<4096x50xi32, #tpu.memory_space<hbm>> -> memref<128x50xi32, #tpu.memory_space<hbm>>
      tpu.wait_dma2 semaphore(%run_scoped3A_611 : memref<!tpu.dma_semaphore, #tpu.memory_space<semaphore_mem>>) src(%dma_wait3A_635 : memref<128x50xi32, #tpu.memory_space<hbm>>) dst(%dma_wait3A_633 : memref<128x50xi32, #tpu.memory_space<vmem>>)
      tpu.yield
    }) : () -> ()
    %dma_start3A = arith.constant 0 : i32
    %dma_start3A_8 = arith.constant 0 : i32
    %dma_start3A_9 = arith.constant 0 : i32
    %dma_start3A_10 = arith.constant 0 : i32
    %dma_start3A_11 = arith.constant 0 : i32
    %dma_start3A_12 = arith.constant 0 : i32
    %dma_start3A_13 = arith.constant 0 : i32
    %dma_start3A_14 = tpu.memref_slice %arg16[%dma_start3A_9, %dma_start3A_10, %dma_start3A_11, %dma_start3A_12, %dma_start3A_13] : memref<2x6x4x50x32xf32, #tpu.memory_space<vmem>> -> memref<1x1x1x50x32xf32, #tpu.memory_space<vmem>>
    %dma_start3A_15 = tpu.memref_squeeze %dma_start3A_14 : memref<1x1x1x50x32xf32, #tpu.memory_space<vmem>> -> memref<50x32xf32, #tpu.memory_space<vmem>>
    %dma_start3A_16 = arith.constant 0 : i32
    %dma_start3A_17 = tpu.memref_slice %arg15[%dma_start3A, %dma_start3A_8, %dma_start3A_16] : memref<6x128x50xi32, #tpu.memory_space<vmem>> -> memref<1x1x50xi32, #tpu.memory_space<vmem>>
    %dma_start3A_18 = tpu.memref_squeeze %dma_start3A_17 : memref<1x1x50xi32, #tpu.memory_space<vmem>> -> memref<50xi32, #tpu.memory_space<vmem>>
    %dma_start3A_19 = arith.constant 0 : i32
    %dma_start3A_20 = arith.constant 0 : i32
    %dma_start3A_21 = tpu.memref_slice %arg2[%dma_start3A_19, %dma_start3A_20] : memref<100000x32xf32, #tpu.memory_space<hbm>> -> memref<100000x32xf32, #tpu.memory_space<hbm>>
    tpu.enqueue_indirect_dma source(%dma_start3A_21 : memref<100000x32xf32, #tpu.memory_space<hbm>>) target(%dma_start3A_15 : memref<50x32xf32, #tpu.memory_space<vmem>>) offsets(%dma_start3A_18 : memref<50xi32, #tpu.memory_space<vmem>>) semaphore(%arg17 : memref<!tpu.dma_semaphore, #tpu.memory_space<semaphore_mem>>)
    %dma_start3A_22 = arith.constant 0 : i32
    %dma_start3A_23 = arith.constant 1 : i32
    %dma_start3A_24 = arith.constant 0 : i32
    %dma_start3A_25 = arith.constant 0 : i32
    %dma_start3A_26 = arith.constant 1 : i32
    %dma_start3A_27 = arith.constant 0 : i32
    %dma_start3A_28 = arith.constant 0 : i32
    %dma_start3A_29 = tpu.memref_slice %arg16[%dma_start3A_24, %dma_start3A_25, %dma_start3A_26, %dma_start3A_27, %dma_start3A_28] : memref<2x6x4x50x32xf32, #tpu.memory_space<vmem>> -> memref<1x1x1x50x32xf32, #tpu.memory_space<vmem>>
    %dma_start3A_30 = tpu.memref_squeeze %dma_start3A_29 : memref<1x1x1x50x32xf32, #tpu.memory_space<vmem>> -> memref<50x32xf32, #tpu.memory_space<vmem>>
    %dma_start3A_31 = arith.constant 0 : i32
    %dma_start3A_32 = tpu.memref_slice %arg15[%dma_start3A_22, %dma_start3A_23, %dma_start3A_31] : memref<6x128x50xi32, #tpu.memory_space<vmem>> -> memref<1x1x50xi32, #tpu.memory_space<vmem>>
    %dma_start3A_33 = tpu.memref_squeeze %dma_start3A_32 : memref<1x1x50xi32, #tpu.memory_space<vmem>> -> memref<50xi32, #tpu.memory_space<vmem>>
    %dma_start3A_34 = arith.constant 0 : i32
    %dma_start3A_35 = arith.constant 0 : i32
    %dma_start3A_36 = tpu.memref_slice %arg2[%dma_start3A_34, %dma_start3A_35] : memref<100000x32xf32, #tpu.memory_space<hbm>> -> memref<100000x32xf32, #tpu.memory_space<hbm>>
    tpu.enqueue_indirect_dma source(%dma_start3A_36 : memref<100000x32xf32, #tpu.memory_space<hbm>>) target(%dma_start3A_30 : memref<50x32xf32, #tpu.memory_space<vmem>>) offsets(%dma_start3A_33 : memref<50xi32, #tpu.memory_space<vmem>>) semaphore(%arg17 : memref<!tpu.dma_semaphore, #tpu.memory_space<semaphore_mem>>)
    %dma_start3A_37 = arith.constant 0 : i32
    %dma_start3A_38 = arith.constant 2 : i32
    %dma_start3A_39 = arith.constant 0 : i32
    %dma_start3A_40 = arith.constant 0 : i32
    %dma_start3A_41 = arith.constant 2 : i32
    %dma_start3A_42 = arith.constant 0 : i32
    %dma_start3A_43 = arith.constant 0 : i32
    %dma_start3A_44 = tpu.memref_slice %arg16[%dma_start3A_39, %dma_start3A_40, %dma_start3A_41, %dma_start3A_42, %dma_start3A_43] : memref<2x6x4x50x32xf32, #tpu.memory_space<vmem>> -> memref<1x1x1x50x32xf32, #tpu.memory_space<vmem>>
    %dma_start3A_45 = tpu.memref_squeeze %dma_start3A_44 : memref<1x1x1x50x32xf32, #tpu.memory_space<vmem>> -> memref<50x32xf32, #tpu.memory_space<vmem>>
    %dma_start3A_46 = arith.constant 0 : i32
    %dma_start3A_47 = tpu.memref_slice %arg15[%dma_start3A_37, %dma_start3A_38, %dma_start3A_46] : memref<6x128x50xi32, #tpu.memory_space<vmem>> -> memref<1x1x50xi32, #tpu.memory_space<vmem>>
    %dma_start3A_48 = tpu.memref_squeeze %dma_start3A_47 : memref<1x1x50xi32, #tpu.memory_space<vmem>> -> memref<50xi32, #tpu.memory_space<vmem>>
    %dma_start3A_49 = arith.constant 0 : i32
    %dma_start3A_50 = arith.constant 0 : i32
    %dma_start3A_51 = tpu.memref_slice %arg2[%dma_start3A_49, %dma_start3A_50] : memref<100000x32xf32, #tpu.memory_space<hbm>> -> memref<100000x32xf32, #tpu.memory_space<hbm>>
    tpu.enqueue_indirect_dma source(%dma_start3A_51 : memref<100000x32xf32, #tpu.memory_space<hbm>>) target(%dma_start3A_45 : memref<50x32xf32, #tpu.memory_space<vmem>>) offsets(%dma_start3A_48 : memref<50xi32, #tpu.memory_space<vmem>>) semaphore(%arg17 : memref<!tpu.dma_semaphore, #tpu.memory_space<semaphore_mem>>)
    %dma_start3A_52 = arith.constant 0 : i32
    %dma_start3A_53 = arith.constant 3 : i32
    %dma_start3A_54 = arith.constant 0 : i32
    %dma_start3A_55 = arith.constant 0 : i32
    %dma_start3A_56 = arith.constant 3 : i32
    %dma_start3A_57 = arith.constant 0 : i32
    %dma_start3A_58 = arith.constant 0 : i32
    %dma_start3A_59 = tpu.memref_slice %arg16[%dma_start3A_54, %dma_start3A_55, %dma_start3A_56, %dma_start3A_57, %dma_start3A_58] : memref<2x6x4x50x32xf32, #tpu.memory_space<vmem>> -> memref<1x1x1x50x32xf32, #tpu.memory_space<vmem>>
    %dma_start3A_60 = tpu.memref_squeeze %dma_start3A_59 : memref<1x1x1x50x32xf32, #tpu.memory_space<vmem>> -> memref<50x32xf32, #tpu.memory_space<vmem>>
    %dma_start3A_61 = arith.constant 0 : i32
    %dma_start3A_62 = tpu.memref_slice %arg15[%dma_start3A_52, %dma_start3A_53, %dma_start3A_61] : memref<6x128x50xi32, #tpu.memory_space<vmem>> -> memref<1x1x50xi32, #tpu.memory_space<vmem>>
    %dma_start3A_63 = tpu.memref_squeeze %dma_start3A_62 : memref<1x1x50xi32, #tpu.memory_space<vmem>> -> memref<50xi32, #tpu.memory_space<vmem>>
    %dma_start3A_64 = arith.constant 0 : i32
    %dma_start3A_65 = arith.constant 0 : i32
    %dma_start3A_66 = tpu.memref_slice %arg2[%dma_start3A_64, %dma_start3A_65] : memref<100000x32xf32, #tpu.memory_space<hbm>> -> memref<100000x32xf32, #tpu.memory_space<hbm>>
    tpu.enqueue_indirect_dma source(%dma_start3A_66 : memref<100000x32xf32, #tpu.memory_space<hbm>>) target(%dma_start3A_60 : memref<50x32xf32, #tpu.memory_space<vmem>>) offsets(%dma_start3A_63 : memref<50xi32, #tpu.memory_space<vmem>>) semaphore(%arg17 : memref<!tpu.dma_semaphore, #tpu.memory_space<semaphore_mem>>)
    %dma_start3A_67 = arith.constant 1 : i32
    %dma_start3A_68 = arith.constant 0 : i32
    %dma_start3A_69 = arith.constant 0 : i32
    %dma_start3A_70 = arith.constant 1 : i32
    %dma_start3A_71 = arith.constant 0 : i32
    %dma_start3A_72 = arith.constant 0 : i32
    %dma_start3A_73 = arith.constant 0 : i32
    %dma_start3A_74 = tpu.memref_slice %arg16[%dma_start3A_69, %dma_start3A_70, %dma_start3A_71, %dma_start3A_72, %dma_start3A_73] : memref<2x6x4x50x32xf32, #tpu.memory_space<vmem>> -> memref<1x1x1x50x32xf32, #tpu.memory_space<vmem>>
    %dma_start3A_75 = tpu.memref_squeeze %dma_start3A_74 : memref<1x1x1x50x32xf32, #tpu.memory_space<vmem>> -> memref<50x32xf32, #tpu.memory_space<vmem>>
    %dma_start3A_76 = arith.constant 0 : i32
    %dma_start3A_77 = tpu.memref_slice %arg15[%dma_start3A_67, %dma_start3A_68, %dma_start3A_76] : memref<6x128x50xi32, #tpu.memory_space<vmem>> -> memref<1x1x50xi32, #tpu.memory_space<vmem>>
    %dma_start3A_78 = tpu.memref_squeeze %dma_start3A_77 : memref<1x1x50xi32, #tpu.memory_space<vmem>> -> memref<50xi32, #tpu.memory_space<vmem>>
    %dma_start3A_79 = arith.constant 0 : i32
    %dma_start3A_80 = arith.constant 0 : i32
    %dma_start3A_81 = tpu.memref_slice %arg3[%dma_start3A_79, %dma_start3A_80] : memref<1000000x32xf32, #tpu.memory_space<hbm>> -> memref<1000000x32xf32, #tpu.memory_space<hbm>>
    tpu.enqueue_indirect_dma source(%dma_start3A_81 : memref<1000000x32xf32, #tpu.memory_space<hbm>>) target(%dma_start3A_75 : memref<50x32xf32, #tpu.memory_space<vmem>>) offsets(%dma_start3A_78 : memref<50xi32, #tpu.memory_space<vmem>>) semaphore(%arg17 : memref<!tpu.dma_semaphore, #tpu.memory_space<semaphore_mem>>)
    %dma_start3A_82 = arith.constant 1 : i32
    %dma_start3A_83 = arith.constant 1 : i32
    %dma_start3A_84 = arith.constant 0 : i32
    %dma_start3A_85 = arith.constant 1 : i32
    %dma_start3A_86 = arith.constant 1 : i32
    %dma_start3A_87 = arith.constant 0 : i32
    %dma_start3A_88 = arith.constant 0 : i32
    %dma_start3A_89 = tpu.memref_slice %arg16[%dma_start3A_84, %dma_start3A_85, %dma_start3A_86, %dma_start3A_87, %dma_start3A_88] : memref<2x6x4x50x32xf32, #tpu.memory_space<vmem>> -> memref<1x1x1x50x32xf32, #tpu.memory_space<vmem>>
    %dma_start3A_90 = tpu.memref_squeeze %dma_start3A_89 : memref<1x1x1x50x32xf32, #tpu.memory_space<vmem>> -> memref<50x32xf32, #tpu.memory_space<vmem>>
    %dma_start3A_91 = arith.constant 0 : i32
    %dma_start3A_92 = tpu.memref_slice %arg15[%dma_start3A_82, %dma_start3A_83, %dma_start3A_91] : memref<6x128x50xi32, #tpu.memory_space<vmem>> -> memref<1x1x50xi32, #tpu.memory_space<vmem>>
    %dma_start3A_93 = tpu.memref_squeeze %dma_start3A_92 : memref<1x1x50xi32, #tpu.memory_space<vmem>> -> memref<50xi32, #tpu.memory_space<vmem>>
    %dma_start3A_94 = arith.constant 0 : i32
    %dma_start3A_95 = arith.constant 0 : i32
    %dma_start3A_96 = tpu.memref_slice %arg3[%dma_start3A_94, %dma_start3A_95] : memref<1000000x32xf32, #tpu.memory_space<hbm>> -> memref<1000000x32xf32, #tpu.memory_space<hbm>>
    tpu.enqueue_indirect_dma source(%dma_start3A_96 : memref<1000000x32xf32, #tpu.memory_space<hbm>>) target(%dma_start3A_90 : memref<50x32xf32, #tpu.memory_space<vmem>>) offsets(%dma_start3A_93 : memref<50xi32, #tpu.memory_space<vmem>>) semaphore(%arg17 : memref<!tpu.dma_semaphore, #tpu.memory_space<semaphore_mem>>)
    %dma_start3A_97 = arith.constant 1 : i32
    %dma_start3A_98 = arith.constant 2 : i32
    %dma_start3A_99 = arith.constant 0 : i32
    %dma_start3A_100 = arith.constant 1 : i32
    %dma_start3A_101 = arith.constant 2 : i32
    %dma_start3A_102 = arith.constant 0 : i32
    %dma_start3A_103 = arith.constant 0 : i32
    %dma_start3A_104 = tpu.memref_slice %arg16[%dma_start3A_99, %dma_start3A_100, %dma_start3A_101, %dma_start3A_102, %dma_start3A_103] : memref<2x6x4x50x32xf32, #tpu.memory_space<vmem>> -> memref<1x1x1x50x32xf32, #tpu.memory_space<vmem>>
    %dma_start3A_105 = tpu.memref_squeeze %dma_start3A_104 : memref<1x1x1x50x32xf32, #tpu.memory_space<vmem>> -> memref<50x32xf32, #tpu.memory_space<vmem>>
    %dma_start3A_106 = arith.constant 0 : i32
    %dma_start3A_107 = tpu.memref_slice %arg15[%dma_start3A_97, %dma_start3A_98, %dma_start3A_106] : memref<6x128x50xi32, #tpu.memory_space<vmem>> -> memref<1x1x50xi32, #tpu.memory_space<vmem>>
    %dma_start3A_108 = tpu.memref_squeeze %dma_start3A_107 : memref<1x1x50xi32, #tpu.memory_space<vmem>> -> memref<50xi32, #tpu.memory_space<vmem>>
    %dma_start3A_109 = arith.constant 0 : i32
    %dma_start3A_110 = arith.constant 0 : i32
    %dma_start3A_111 = tpu.memref_slice %arg3[%dma_start3A_109, %dma_start3A_110] : memref<1000000x32xf32, #tpu.memory_space<hbm>> -> memref<1000000x32xf32, #tpu.memory_space<hbm>>
    tpu.enqueue_indirect_dma source(%dma_start3A_111 : memref<1000000x32xf32, #tpu.memory_space<hbm>>) target(%dma_start3A_105 : memref<50x32xf32, #tpu.memory_space<vmem>>) offsets(%dma_start3A_108 : memref<50xi32, #tpu.memory_space<vmem>>) semaphore(%arg17 : memref<!tpu.dma_semaphore, #tpu.memory_space<semaphore_mem>>)
    %dma_start3A_112 = arith.constant 1 : i32
    %dma_start3A_113 = arith.constant 3 : i32
    %dma_start3A_114 = arith.constant 0 : i32
    %dma_start3A_115 = arith.constant 1 : i32
    %dma_start3A_116 = arith.constant 3 : i32
    %dma_start3A_117 = arith.constant 0 : i32
    %dma_start3A_118 = arith.constant 0 : i32
    %dma_start3A_119 = tpu.memref_slice %arg16[%dma_start3A_114, %dma_start3A_115, %dma_start3A_116, %dma_start3A_117, %dma_start3A_118] : memref<2x6x4x50x32xf32, #tpu.memory_space<vmem>> -> memref<1x1x1x50x32xf32, #tpu.memory_space<vmem>>
    %dma_start3A_120 = tpu.memref_squeeze %dma_start3A_119 : memref<1x1x1x50x32xf32, #tpu.memory_space<vmem>> -> memref<50x32xf32, #tpu.memory_space<vmem>>
    %dma_start3A_121 = arith.constant 0 : i32
    %dma_start3A_122 = tpu.memref_slice %arg15[%dma_start3A_112, %dma_start3A_113, %dma_start3A_121] : memref<6x128x50xi32, #tpu.memory_space<vmem>> -> memref<1x1x50xi32, #tpu.memory_space<vmem>>
    %dma_start3A_123 = tpu.memref_squeeze %dma_start3A_122 : memref<1x1x50xi32, #tpu.memory_space<vmem>> -> memref<50xi32, #tpu.memory_space<vmem>>
    %dma_start3A_124 = arith.constant 0 : i32
    %dma_start3A_125 = arith.constant 0 : i32
    %dma_start3A_126 = tpu.memref_slice %arg3[%dma_start3A_124, %dma_start3A_125] : memref<1000000x32xf32, #tpu.memory_space<hbm>> -> memref<1000000x32xf32, #tpu.memory_space<hbm>>
    tpu.enqueue_indirect_dma source(%dma_start3A_126 : memref<1000000x32xf32, #tpu.memory_space<hbm>>) target(%dma_start3A_120 : memref<50x32xf32, #tpu.memory_space<vmem>>) offsets(%dma_start3A_123 : memref<50xi32, #tpu.memory_space<vmem>>) semaphore(%arg17 : memref<!tpu.dma_semaphore, #tpu.memory_space<semaphore_mem>>)
    %dma_start3A_127 = arith.constant 2 : i32
    %dma_start3A_128 = arith.constant 0 : i32
    %dma_start3A_129 = arith.constant 0 : i32
    %dma_start3A_130 = arith.constant 2 : i32
    %dma_start3A_131 = arith.constant 0 : i32
    %dma_start3A_132 = arith.constant 0 : i32
    %dma_start3A_133 = arith.constant 0 : i32
    %dma_start3A_134 = tpu.memref_slice %arg16[%dma_start3A_129, %dma_start3A_130, %dma_start3A_131, %dma_start3A_132, %dma_start3A_133] : memref<2x6x4x50x32xf32, #tpu.memory_space<vmem>> -> memref<1x1x1x50x32xf32, #tpu.memory_space<vmem>>
    %dma_start3A_135 = tpu.memref_squeeze %dma_start3A_134 : memref<1x1x1x50x32xf32, #tpu.memory_space<vmem>> -> memref<50x32xf32, #tpu.memory_space<vmem>>
    %dma_start3A_136 = arith.constant 0 : i32
    %dma_start3A_137 = tpu.memref_slice %arg15[%dma_start3A_127, %dma_start3A_128, %dma_start3A_136] : memref<6x128x50xi32, #tpu.memory_space<vmem>> -> memref<1x1x50xi32, #tpu.memory_space<vmem>>
    %dma_start3A_138 = tpu.memref_squeeze %dma_start3A_137 : memref<1x1x50xi32, #tpu.memory_space<vmem>> -> memref<50xi32, #tpu.memory_space<vmem>>
    %dma_start3A_139 = arith.constant 0 : i32
    %dma_start3A_140 = arith.constant 0 : i32
    %dma_start3A_141 = tpu.memref_slice %arg4[%dma_start3A_139, %dma_start3A_140] : memref<16000x32xf32, #tpu.memory_space<hbm>> -> memref<16000x32xf32, #tpu.memory_space<hbm>>
    tpu.enqueue_indirect_dma source(%dma_start3A_141 : memref<16000x32xf32, #tpu.memory_space<hbm>>) target(%dma_start3A_135 : memref<50x32xf32, #tpu.memory_space<vmem>>) offsets(%dma_start3A_138 : memref<50xi32, #tpu.memory_space<vmem>>) semaphore(%arg17 : memref<!tpu.dma_semaphore, #tpu.memory_space<semaphore_mem>>)
    %dma_start3A_142 = arith.constant 2 : i32
    %dma_start3A_143 = arith.constant 1 : i32
    %dma_start3A_144 = arith.constant 0 : i32
    %dma_start3A_145 = arith.constant 2 : i32
    %dma_start3A_146 = arith.constant 1 : i32
    %dma_start3A_147 = arith.constant 0 : i32
    %dma_start3A_148 = arith.constant 0 : i32
    %dma_start3A_149 = tpu.memref_slice %arg16[%dma_start3A_144, %dma_start3A_145, %dma_start3A_146, %dma_start3A_147, %dma_start3A_148] : memref<2x6x4x50x32xf32, #tpu.memory_space<vmem>> -> memref<1x1x1x50x32xf32, #tpu.memory_space<vmem>>
    %dma_start3A_150 = tpu.memref_squeeze %dma_start3A_149 : memref<1x1x1x50x32xf32, #tpu.memory_space<vmem>> -> memref<50x32xf32, #tpu.memory_space<vmem>>
    %dma_start3A_151 = arith.constant 0 : i32
    %dma_start3A_152 = tpu.memref_slice %arg15[%dma_start3A_142, %dma_start3A_143, %dma_start3A_151] : memref<6x128x50xi32, #tpu.memory_space<vmem>> -> memref<1x1x50xi32, #tpu.memory_space<vmem>>
    %dma_start3A_153 = tpu.memref_squeeze %dma_start3A_152 : memref<1x1x50xi32, #tpu.memory_space<vmem>> -> memref<50xi32, #tpu.memory_space<vmem>>
    %dma_start3A_154 = arith.constant 0 : i32
    %dma_start3A_155 = arith.constant 0 : i32
    %dma_start3A_156 = tpu.memref_slice %arg4[%dma_start3A_154, %dma_start3A_155] : memref<16000x32xf32, #tpu.memory_space<hbm>> -> memref<16000x32xf32, #tpu.memory_space<hbm>>
    tpu.enqueue_indirect_dma source(%dma_start3A_156 : memref<16000x32xf32, #tpu.memory_space<hbm>>) target(%dma_start3A_150 : memref<50x32xf32, #tpu.memory_space<vmem>>) offsets(%dma_start3A_153 : memref<50xi32, #tpu.memory_space<vmem>>) semaphore(%arg17 : memref<!tpu.dma_semaphore, #tpu.memory_space<semaphore_mem>>)
    %dma_start3A_157 = arith.constant 2 : i32
    %dma_start3A_158 = arith.constant 2 : i32
    %dma_start3A_159 = arith.constant 0 : i32
    %dma_start3A_160 = arith.constant 2 : i32
    %dma_start3A_161 = arith.constant 2 : i32
    %dma_start3A_162 = arith.constant 0 : i32
    %dma_start3A_163 = arith.constant 0 : i32
    %dma_start3A_164 = tpu.memref_slice %arg16[%dma_start3A_159, %dma_start3A_160, %dma_start3A_161, %dma_start3A_162, %dma_start3A_163] : memref<2x6x4x50x32xf32, #tpu.memory_space<vmem>> -> memref<1x1x1x50x32xf32, #tpu.memory_space<vmem>>
    %dma_start3A_165 = tpu.memref_squeeze %dma_start3A_164 : memref<1x1x1x50x32xf32, #tpu.memory_space<vmem>> -> memref<50x32xf32, #tpu.memory_space<vmem>>
    %dma_start3A_166 = arith.constant 0 : i32
    %dma_start3A_167 = tpu.memref_slice %arg15[%dma_start3A_157, %dma_start3A_158, %dma_start3A_166] : memref<6x128x50xi32, #tpu.memory_space<vmem>> -> memref<1x1x50xi32, #tpu.memory_space<vmem>>
    %dma_start3A_168 = tpu.memref_squeeze %dma_start3A_167 : memref<1x1x50xi32, #tpu.memory_space<vmem>> -> memref<50xi32, #tpu.memory_space<vmem>>
    %dma_start3A_169 = arith.constant 0 : i32
    %dma_start3A_170 = arith.constant 0 : i32
    %dma_start3A_171 = tpu.memref_slice %arg4[%dma_start3A_169, %dma_start3A_170] : memref<16000x32xf32, #tpu.memory_space<hbm>> -> memref<16000x32xf32, #tpu.memory_space<hbm>>
    tpu.enqueue_indirect_dma source(%dma_start3A_171 : memref<16000x32xf32, #tpu.memory_space<hbm>>) target(%dma_start3A_165 : memref<50x32xf32, #tpu.memory_space<vmem>>) offsets(%dma_start3A_168 : memref<50xi32, #tpu.memory_space<vmem>>) semaphore(%arg17 : memref<!tpu.dma_semaphore, #tpu.memory_space<semaphore_mem>>)
    %dma_start3A_172 = arith.constant 2 : i32
    %dma_start3A_173 = arith.constant 3 : i32
    %dma_start3A_174 = arith.constant 0 : i32
    %dma_start3A_175 = arith.constant 2 : i32
    %dma_start3A_176 = arith.constant 3 : i32
    %dma_start3A_177 = arith.constant 0 : i32
    %dma_start3A_178 = arith.constant 0 : i32
    %dma_start3A_179 = tpu.memref_slice %arg16[%dma_start3A_174, %dma_start3A_175, %dma_start3A_176, %dma_start3A_177, %dma_start3A_178] : memref<2x6x4x50x32xf32, #tpu.memory_space<vmem>> -> memref<1x1x1x50x32xf32, #tpu.memory_space<vmem>>
    %dma_start3A_180 = tpu.memref_squeeze %dma_start3A_179 : memref<1x1x1x50x32xf32, #tpu.memory_space<vmem>> -> memref<50x32xf32, #tpu.memory_space<vmem>>
    %dma_start3A_181 = arith.constant 0 : i32
    %dma_start3A_182 = tpu.memref_slice %arg15[%dma_start3A_172, %dma_start3A_173, %dma_start3A_181] : memref<6x128x50xi32, #tpu.memory_space<vmem>> -> memref<1x1x50xi32, #tpu.memory_space<vmem>>
    %dma_start3A_183 = tpu.memref_squeeze %dma_start3A_182 : memref<1x1x50xi32, #tpu.memory_space<vmem>> -> memref<50xi32, #tpu.memory_space<vmem>>
    %dma_start3A_184 = arith.constant 0 : i32
    %dma_start3A_185 = arith.constant 0 : i32
    %dma_start3A_186 = tpu.memref_slice %arg4[%dma_start3A_184, %dma_start3A_185] : memref<16000x32xf32, #tpu.memory_space<hbm>> -> memref<16000x32xf32, #tpu.memory_space<hbm>>
    tpu.enqueue_indirect_dma source(%dma_start3A_186 : memref<16000x32xf32, #tpu.memory_space<hbm>>) target(%dma_start3A_180 : memref<50x32xf32, #tpu.memory_space<vmem>>) offsets(%dma_start3A_183 : memref<50xi32, #tpu.memory_space<vmem>>) semaphore(%arg17 : memref<!tpu.dma_semaphore, #tpu.memory_space<semaphore_mem>>)
    %dma_start3A_187 = arith.constant 3 : i32
    %dma_start3A_188 = arith.constant 0 : i32
    %dma_start3A_189 = arith.constant 0 : i32
    %dma_start3A_190 = arith.constant 3 : i32
    %dma_start3A_191 = arith.constant 0 : i32
    %dma_start3A_192 = arith.constant 0 : i32
    %dma_start3A_193 = arith.constant 0 : i32
    %dma_start3A_194 = tpu.memref_slice %arg16[%dma_start3A_189, %dma_start3A_190, %dma_start3A_191, %dma_start3A_192, %dma_start3A_193] : memref<2x6x4x50x32xf32, #tpu.memory_space<vmem>> -> memref<1x1x1x50x32xf32, #tpu.memory_space<vmem>>
    %dma_start3A_195 = tpu.memref_squeeze %dma_start3A_194 : memref<1x1x1x50x32xf32, #tpu.memory_space<vmem>> -> memref<50x32xf32, #tpu.memory_space<vmem>>
    %dma_start3A_196 = arith.constant 0 : i32
    %dma_start3A_197 = tpu.memref_slice %arg15[%dma_start3A_187, %dma_start3A_188, %dma_start3A_196] : memref<6x128x50xi32, #tpu.memory_space<vmem>> -> memref<1x1x50xi32, #tpu.memory_space<vmem>>
    %dma_start3A_198 = tpu.memref_squeeze %dma_start3A_197 : memref<1x1x50xi32, #tpu.memory_space<vmem>> -> memref<50xi32, #tpu.memory_space<vmem>>
    %dma_start3A_199 = arith.constant 0 : i32
    %dma_start3A_200 = arith.constant 0 : i32
    %dma_start3A_201 = tpu.memref_slice %arg5[%dma_start3A_199, %dma_start3A_200] : memref<12288x32xf32, #tpu.memory_space<hbm>> -> memref<12288x32xf32, #tpu.memory_space<hbm>>
    tpu.enqueue_indirect_dma source(%dma_start3A_201 : memref<12288x32xf32, #tpu.memory_space<hbm>>) target(%dma_start3A_195 : memref<50x32xf32, #tpu.memory_space<vmem>>) offsets(%dma_start3A_198 : memref<50xi32, #tpu.memory_space<vmem>>) semaphore(%arg17 : memref<!tpu.dma_semaphore, #tpu.memory_space<semaphore_mem>>)
    %dma_start3A_202 = arith.constant 3 : i32
    %dma_start3A_203 = arith.constant 1 : i32
    %dma_start3A_204 = arith.constant 0 : i32
    %dma_start3A_205 = arith.constant 3 : i32
    %dma_start3A_206 = arith.constant 1 : i32
    %dma_start3A_207 = arith.constant 0 : i32
    %dma_start3A_208 = arith.constant 0 : i32
    %dma_start3A_209 = tpu.memref_slice %arg16[%dma_start3A_204, %dma_start3A_205, %dma_start3A_206, %dma_start3A_207, %dma_start3A_208] : memref<2x6x4x50x32xf32, #tpu.memory_space<vmem>> -> memref<1x1x1x50x32xf32, #tpu.memory_space<vmem>>
    %dma_start3A_210 = tpu.memref_squeeze %dma_start3A_209 : memref<1x1x1x50x32xf32, #tpu.memory_space<vmem>> -> memref<50x32xf32, #tpu.memory_space<vmem>>
    %dma_start3A_211 = arith.constant 0 : i32
    %dma_start3A_212 = tpu.memref_slice %arg15[%dma_start3A_202, %dma_start3A_203, %dma_start3A_211] : memref<6x128x50xi32, #tpu.memory_space<vmem>> -> memref<1x1x50xi32, #tpu.memory_space<vmem>>
    %dma_start3A_213 = tpu.memref_squeeze %dma_start3A_212 : memref<1x1x50xi32, #tpu.memory_space<vmem>> -> memref<50xi32, #tpu.memory_space<vmem>>
    %dma_start3A_214 = arith.constant 0 : i32
    %dma_start3A_215 = arith.constant 0 : i32
    %dma_start3A_216 = tpu.memref_slice %arg5[%dma_start3A_214, %dma_start3A_215] : memref<12288x32xf32, #tpu.memory_space<hbm>> -> memref<12288x32xf32, #tpu.memory_space<hbm>>
    tpu.enqueue_indirect_dma source(%dma_start3A_216 : memref<12288x32xf32, #tpu.memory_space<hbm>>) target(%dma_start3A_210 : memref<50x32xf32, #tpu.memory_space<vmem>>) offsets(%dma_start3A_213 : memref<50xi32, #tpu.memory_space<vmem>>) semaphore(%arg17 : memref<!tpu.dma_semaphore, #tpu.memory_space<semaphore_mem>>)
    %dma_start3A_217 = arith.constant 3 : i32
    %dma_start3A_218 = arith.constant 2 : i32
    %dma_start3A_219 = arith.constant 0 : i32
    %dma_start3A_220 = arith.constant 3 : i32
    %dma_start3A_221 = arith.constant 2 : i32
    %dma_start3A_222 = arith.constant 0 : i32
    %dma_start3A_223 = arith.constant 0 : i32
    %dma_start3A_224 = tpu.memref_slice %arg16[%dma_start3A_219, %dma_start3A_220, %dma_start3A_221, %dma_start3A_222, %dma_start3A_223] : memref<2x6x4x50x32xf32, #tpu.memory_space<vmem>> -> memref<1x1x1x50x32xf32, #tpu.memory_space<vmem>>
    %dma_start3A_225 = tpu.memref_squeeze %dma_start3A_224 : memref<1x1x1x50x32xf32, #tpu.memory_space<vmem>> -> memref<50x32xf32, #tpu.memory_space<vmem>>
    %dma_start3A_226 = arith.constant 0 : i32
    %dma_start3A_227 = tpu.memref_slice %arg15[%dma_start3A_217, %dma_start3A_218, %dma_start3A_226] : memref<6x128x50xi32, #tpu.memory_space<vmem>> -> memref<1x1x50xi32, #tpu.memory_space<vmem>>
    %dma_start3A_228 = tpu.memref_squeeze %dma_start3A_227 : memref<1x1x50xi32, #tpu.memory_space<vmem>> -> memref<50xi32, #tpu.memory_space<vmem>>
    %dma_start3A_229 = arith.constant 0 : i32
    %dma_start3A_230 = arith.constant 0 : i32
    %dma_start3A_231 = tpu.memref_slice %arg5[%dma_start3A_229, %dma_start3A_230] : memref<12288x32xf32, #tpu.memory_space<hbm>> -> memref<12288x32xf32, #tpu.memory_space<hbm>>
    tpu.enqueue_indirect_dma source(%dma_start3A_231 : memref<12288x32xf32, #tpu.memory_space<hbm>>) target(%dma_start3A_225 : memref<50x32xf32, #tpu.memory_space<vmem>>) offsets(%dma_start3A_228 : memref<50xi32, #tpu.memory_space<vmem>>) semaphore(%arg17 : memref<!tpu.dma_semaphore, #tpu.memory_space<semaphore_mem>>)
    %dma_start3A_232 = arith.constant 3 : i32
    %dma_start3A_233 = arith.constant 3 : i32
    %dma_start3A_234 = arith.constant 0 : i32
    %dma_start3A_235 = arith.constant 3 : i32
    %dma_start3A_236 = arith.constant 3 : i32
    %dma_start3A_237 = arith.constant 0 : i32
    %dma_start3A_238 = arith.constant 0 : i32
    %dma_start3A_239 = tpu.memref_slice %arg16[%dma_start3A_234, %dma_start3A_235, %dma_start3A_236, %dma_start3A_237, %dma_start3A_238] : memref<2x6x4x50x32xf32, #tpu.memory_space<vmem>> -> memref<1x1x1x50x32xf32, #tpu.memory_space<vmem>>
    %dma_start3A_240 = tpu.memref_squeeze %dma_start3A_239 : memref<1x1x1x50x32xf32, #tpu.memory_space<vmem>> -> memref<50x32xf32, #tpu.memory_space<vmem>>
    %dma_start3A_241 = arith.constant 0 : i32
    %dma_start3A_242 = tpu.memref_slice %arg15[%dma_start3A_232, %dma_start3A_233, %dma_start3A_241] : memref<6x128x50xi32, #tpu.memory_space<vmem>> -> memref<1x1x50xi32, #tpu.memory_space<vmem>>
    %dma_start3A_243 = tpu.memref_squeeze %dma_start3A_242 : memref<1x1x50xi32, #tpu.memory_space<vmem>> -> memref<50xi32, #tpu.memory_space<vmem>>
    %dma_start3A_244 = arith.constant 0 : i32
    %dma_start3A_245 = arith.constant 0 : i32
    %dma_start3A_246 = tpu.memref_slice %arg5[%dma_start3A_244, %dma_start3A_245] : memref<12288x32xf32, #tpu.memory_space<hbm>> -> memref<12288x32xf32, #tpu.memory_space<hbm>>
    tpu.enqueue_indirect_dma source(%dma_start3A_246 : memref<12288x32xf32, #tpu.memory_space<hbm>>) target(%dma_start3A_240 : memref<50x32xf32, #tpu.memory_space<vmem>>) offsets(%dma_start3A_243 : memref<50xi32, #tpu.memory_space<vmem>>) semaphore(%arg17 : memref<!tpu.dma_semaphore, #tpu.memory_space<semaphore_mem>>)
    %dma_start3A_247 = arith.constant 4 : i32
    %dma_start3A_248 = arith.constant 0 : i32
    %dma_start3A_249 = arith.constant 0 : i32
    %dma_start3A_250 = arith.constant 4 : i32
    %dma_start3A_251 = arith.constant 0 : i32
    %dma_start3A_252 = arith.constant 0 : i32
    %dma_start3A_253 = arith.constant 0 : i32
    %dma_start3A_254 = tpu.memref_slice %arg16[%dma_start3A_249, %dma_start3A_250, %dma_start3A_251, %dma_start3A_252, %dma_start3A_253] : memref<2x6x4x50x32xf32, #tpu.memory_space<vmem>> -> memref<1x1x1x50x32xf32, #tpu.memory_space<vmem>>
    %dma_start3A_255 = tpu.memref_squeeze %dma_start3A_254 : memref<1x1x1x50x32xf32, #tpu.memory_space<vmem>> -> memref<50x32xf32, #tpu.memory_space<vmem>>
    %dma_start3A_256 = arith.constant 0 : i32
    %dma_start3A_257 = tpu.memref_slice %arg15[%dma_start3A_247, %dma_start3A_248, %dma_start3A_256] : memref<6x128x50xi32, #tpu.memory_space<vmem>> -> memref<1x1x50xi32, #tpu.memory_space<vmem>>
    %dma_start3A_258 = tpu.memref_squeeze %dma_start3A_257 : memref<1x1x50xi32, #tpu.memory_space<vmem>> -> memref<50xi32, #tpu.memory_space<vmem>>
    %dma_start3A_259 = arith.constant 0 : i32
    %dma_start3A_260 = arith.constant 0 : i32
    %dma_start3A_261 = tpu.memref_slice %arg6[%dma_start3A_259, %dma_start3A_260] : memref<7168x32xf32, #tpu.memory_space<hbm>> -> memref<7168x32xf32, #tpu.memory_space<hbm>>
    tpu.enqueue_indirect_dma source(%dma_start3A_261 : memref<7168x32xf32, #tpu.memory_space<hbm>>) target(%dma_start3A_255 : memref<50x32xf32, #tpu.memory_space<vmem>>) offsets(%dma_start3A_258 : memref<50xi32, #tpu.memory_space<vmem>>) semaphore(%arg17 : memref<!tpu.dma_semaphore, #tpu.memory_space<semaphore_mem>>)
    %dma_start3A_262 = arith.constant 4 : i32
    %dma_start3A_263 = arith.constant 1 : i32
    %dma_start3A_264 = arith.constant 0 : i32
    %dma_start3A_265 = arith.constant 4 : i32
    %dma_start3A_266 = arith.constant 1 : i32
    %dma_start3A_267 = arith.constant 0 : i32
    %dma_start3A_268 = arith.constant 0 : i32
    %dma_start3A_269 = tpu.memref_slice %arg16[%dma_start3A_264, %dma_start3A_265, %dma_start3A_266, %dma_start3A_267, %dma_start3A_268] : memref<2x6x4x50x32xf32, #tpu.memory_space<vmem>> -> memref<1x1x1x50x32xf32, #tpu.memory_space<vmem>>
    %dma_start3A_270 = tpu.memref_squeeze %dma_start3A_269 : memref<1x1x1x50x32xf32, #tpu.memory_space<vmem>> -> memref<50x32xf32, #tpu.memory_space<vmem>>
    %dma_start3A_271 = arith.constant 0 : i32
    %dma_start3A_272 = tpu.memref_slice %arg15[%dma_start3A_262, %dma_start3A_263, %dma_start3A_271] : memref<6x128x50xi32, #tpu.memory_space<vmem>> -> memref<1x1x50xi32, #tpu.memory_space<vmem>>
    %dma_start3A_273 = tpu.memref_squeeze %dma_start3A_272 : memref<1x1x50xi32, #tpu.memory_space<vmem>> -> memref<50xi32, #tpu.memory_space<vmem>>
    %dma_start3A_274 = arith.constant 0 : i32
    %dma_start3A_275 = arith.constant 0 : i32
    %dma_start3A_276 = tpu.memref_slice %arg6[%dma_start3A_274, %dma_start3A_275] : memref<7168x32xf32, #tpu.memory_space<hbm>> -> memref<7168x32xf32, #tpu.memory_space<hbm>>
    tpu.enqueue_indirect_dma source(%dma_start3A_276 : memref<7168x32xf32, #tpu.memory_space<hbm>>) target(%dma_start3A_270 : memref<50x32xf32, #tpu.memory_space<vmem>>) offsets(%dma_start3A_273 : memref<50xi32, #tpu.memory_space<vmem>>) semaphore(%arg17 : memref<!tpu.dma_semaphore, #tpu.memory_space<semaphore_mem>>)
    %dma_start3A_277 = arith.constant 4 : i32
    %dma_start3A_278 = arith.constant 2 : i32
    %dma_start3A_279 = arith.constant 0 : i32
    %dma_start3A_280 = arith.constant 4 : i32
    %dma_start3A_281 = arith.constant 2 : i32
    %dma_start3A_282 = arith.constant 0 : i32
    %dma_start3A_283 = arith.constant 0 : i32
    %dma_start3A_284 = tpu.memref_slice %arg16[%dma_start3A_279, %dma_start3A_280, %dma_start3A_281, %dma_start3A_282, %dma_start3A_283] : memref<2x6x4x50x32xf32, #tpu.memory_space<vmem>> -> memref<1x1x1x50x32xf32, #tpu.memory_space<vmem>>
    %dma_start3A_285 = tpu.memref_squeeze %dma_start3A_284 : memref<1x1x1x50x32xf32, #tpu.memory_space<vmem>> -> memref<50x32xf32, #tpu.memory_space<vmem>>
    %dma_start3A_286 = arith.constant 0 : i32
    %dma_start3A_287 = tpu.memref_slice %arg15[%dma_start3A_277, %dma_start3A_278, %dma_start3A_286] : memref<6x128x50xi32, #tpu.memory_space<vmem>> -> memref<1x1x50xi32, #tpu.memory_space<vmem>>
    %dma_start3A_288 = tpu.memref_squeeze %dma_start3A_287 : memref<1x1x50xi32, #tpu.memory_space<vmem>> -> memref<50xi32, #tpu.memory_space<vmem>>
    %dma_start3A_289 = arith.constant 0 : i32
    %dma_start3A_290 = arith.constant 0 : i32
    %dma_start3A_291 = tpu.memref_slice %arg6[%dma_start3A_289, %dma_start3A_290] : memref<7168x32xf32, #tpu.memory_space<hbm>> -> memref<7168x32xf32, #tpu.memory_space<hbm>>
    tpu.enqueue_indirect_dma source(%dma_start3A_291 : memref<7168x32xf32, #tpu.memory_space<hbm>>) target(%dma_start3A_285 : memref<50x32xf32, #tpu.memory_space<vmem>>) offsets(%dma_start3A_288 : memref<50xi32, #tpu.memory_space<vmem>>) semaphore(%arg17 : memref<!tpu.dma_semaphore, #tpu.memory_space<semaphore_mem>>)
    %dma_start3A_292 = arith.constant 4 : i32
    %dma_start3A_293 = arith.constant 3 : i32
    %dma_start3A_294 = arith.constant 0 : i32
    %dma_start3A_295 = arith.constant 4 : i32
    %dma_start3A_296 = arith.constant 3 : i32
    %dma_start3A_297 = arith.constant 0 : i32
    %dma_start3A_298 = arith.constant 0 : i32
    %dma_start3A_299 = tpu.memref_slice %arg16[%dma_start3A_294, %dma_start3A_295, %dma_start3A_296, %dma_start3A_297, %dma_start3A_298] : memref<2x6x4x50x32xf32, #tpu.memory_space<vmem>> -> memref<1x1x1x50x32xf32, #tpu.memory_space<vmem>>
    %dma_start3A_300 = tpu.memref_squeeze %dma_start3A_299 : memref<1x1x1x50x32xf32, #tpu.memory_space<vmem>> -> memref<50x32xf32, #tpu.memory_space<vmem>>
    %dma_start3A_301 = arith.constant 0 : i32
    %dma_start3A_302 = tpu.memref_slice %arg15[%dma_start3A_292, %dma_start3A_293, %dma_start3A_301] : memref<6x128x50xi32, #tpu.memory_space<vmem>> -> memref<1x1x50xi32, #tpu.memory_space<vmem>>
    %dma_start3A_303 = tpu.memref_squeeze %dma_start3A_302 : memref<1x1x50xi32, #tpu.memory_space<vmem>> -> memref<50xi32, #tpu.memory_space<vmem>>
    %dma_start3A_304 = arith.constant 0 : i32
    %dma_start3A_305 = arith.constant 0 : i32
    %dma_start3A_306 = tpu.memref_slice %arg6[%dma_start3A_304, %dma_start3A_305] : memref<7168x32xf32, #tpu.memory_space<hbm>> -> memref<7168x32xf32, #tpu.memory_space<hbm>>
    tpu.enqueue_indirect_dma source(%dma_start3A_306 : memref<7168x32xf32, #tpu.memory_space<hbm>>) target(%dma_start3A_300 : memref<50x32xf32, #tpu.memory_space<vmem>>) offsets(%dma_start3A_303 : memref<50xi32, #tpu.memory_space<vmem>>) semaphore(%arg17 : memref<!tpu.dma_semaphore, #tpu.memory_space<semaphore_mem>>)
    %dma_start3A_307 = arith.constant 5 : i32
    %dma_start3A_308 = arith.constant 0 : i32
    %dma_start3A_309 = arith.constant 0 : i32
    %dma_start3A_310 = arith.constant 5 : i32
    %dma_start3A_311 = arith.constant 0 : i32
    %dma_start3A_312 = arith.constant 0 : i32
    %dma_start3A_313 = arith.constant 0 : i32
    %dma_start3A_314 = tpu.memref_slice %arg16[%dma_start3A_309, %dma_start3A_310, %dma_start3A_311, %dma_start3A_312, %dma_start3A_313] : memref<2x6x4x50x32xf32, #tpu.memory_space<vmem>> -> memref<1x1x1x50x32xf32, #tpu.memory_space<vmem>>
    %dma_start3A_315 = tpu.memref_squeeze %dma_start3A_314 : memref<1x1x1x50x32xf32, #tpu.memory_space<vmem>> -> memref<50x32xf32, #tpu.memory_space<vmem>>
    %dma_start3A_316 = arith.constant 0 : i32
    %dma_start3A_317 = tpu.memref_slice %arg15[%dma_start3A_307, %dma_start3A_308, %dma_start3A_316] : memref<6x128x50xi32, #tpu.memory_space<vmem>> -> memref<1x1x50xi32, #tpu.memory_space<vmem>>
    %dma_start3A_318 = tpu.memref_squeeze %dma_start3A_317 : memref<1x1x50xi32, #tpu.memory_space<vmem>> -> memref<50xi32, #tpu.memory_space<vmem>>
    %dma_start3A_319 = arith.constant 0 : i32
    %dma_start3A_320 = arith.constant 0 : i32
    %dma_start3A_321 = tpu.memref_slice %arg7[%dma_start3A_319, %dma_start3A_320] : memref<100000x32xf32, #tpu.memory_space<hbm>> -> memref<100000x32xf32, #tpu.memory_space<hbm>>
    tpu.enqueue_indirect_dma source(%dma_start3A_321 : memref<100000x32xf32, #tpu.memory_space<hbm>>) target(%dma_start3A_315 : memref<50x32xf32, #tpu.memory_space<vmem>>) offsets(%dma_start3A_318 : memref<50xi32, #tpu.memory_space<vmem>>) semaphore(%arg17 : memref<!tpu.dma_semaphore, #tpu.memory_space<semaphore_mem>>)
    %dma_start3A_322 = arith.constant 5 : i32
    %dma_start3A_323 = arith.constant 1 : i32
    %dma_start3A_324 = arith.constant 0 : i32
    %dma_start3A_325 = arith.constant 5 : i32
    %dma_start3A_326 = arith.constant 1 : i32
    %dma_start3A_327 = arith.constant 0 : i32
    %dma_start3A_328 = arith.constant 0 : i32
    %dma_start3A_329 = tpu.memref_slice %arg16[%dma_start3A_324, %dma_start3A_325, %dma_start3A_326, %dma_start3A_327, %dma_start3A_328] : memref<2x6x4x50x32xf32, #tpu.memory_space<vmem>> -> memref<1x1x1x50x32xf32, #tpu.memory_space<vmem>>
    %dma_start3A_330 = tpu.memref_squeeze %dma_start3A_329 : memref<1x1x1x50x32xf32, #tpu.memory_space<vmem>> -> memref<50x32xf32, #tpu.memory_space<vmem>>
    %dma_start3A_331 = arith.constant 0 : i32
    %dma_start3A_332 = tpu.memref_slice %arg15[%dma_start3A_322, %dma_start3A_323, %dma_start3A_331] : memref<6x128x50xi32, #tpu.memory_space<vmem>> -> memref<1x1x50xi32, #tpu.memory_space<vmem>>
    %dma_start3A_333 = tpu.memref_squeeze %dma_start3A_332 : memref<1x1x50xi32, #tpu.memory_space<vmem>> -> memref<50xi32, #tpu.memory_space<vmem>>
    %dma_start3A_334 = arith.constant 0 : i32
    %dma_start3A_335 = arith.constant 0 : i32
    %dma_start3A_336 = tpu.memref_slice %arg7[%dma_start3A_334, %dma_start3A_335] : memref<100000x32xf32, #tpu.memory_space<hbm>> -> memref<100000x32xf32, #tpu.memory_space<hbm>>
    tpu.enqueue_indirect_dma source(%dma_start3A_336 : memref<100000x32xf32, #tpu.memory_space<hbm>>) target(%dma_start3A_330 : memref<50x32xf32, #tpu.memory_space<vmem>>) offsets(%dma_start3A_333 : memref<50xi32, #tpu.memory_space<vmem>>) semaphore(%arg17 : memref<!tpu.dma_semaphore, #tpu.memory_space<semaphore_mem>>)
    %dma_start3A_337 = arith.constant 5 : i32
    %dma_start3A_338 = arith.constant 2 : i32
    %dma_start3A_339 = arith.constant 0 : i32
    %dma_start3A_340 = arith.constant 5 : i32
    %dma_start3A_341 = arith.constant 2 : i32
    %dma_start3A_342 = arith.constant 0 : i32
    %dma_start3A_343 = arith.constant 0 : i32
    %dma_start3A_344 = tpu.memref_slice %arg16[%dma_start3A_339, %dma_start3A_340, %dma_start3A_341, %dma_start3A_342, %dma_start3A_343] : memref<2x6x4x50x32xf32, #tpu.memory_space<vmem>> -> memref<1x1x1x50x32xf32, #tpu.memory_space<vmem>>
    %dma_start3A_345 = tpu.memref_squeeze %dma_start3A_344 : memref<1x1x1x50x32xf32, #tpu.memory_space<vmem>> -> memref<50x32xf32, #tpu.memory_space<vmem>>
    %dma_start3A_346 = arith.constant 0 : i32
    %dma_start3A_347 = tpu.memref_slice %arg15[%dma_start3A_337, %dma_start3A_338, %dma_start3A_346] : memref<6x128x50xi32, #tpu.memory_space<vmem>> -> memref<1x1x50xi32, #tpu.memory_space<vmem>>
    %dma_start3A_348 = tpu.memref_squeeze %dma_start3A_347 : memref<1x1x50xi32, #tpu.memory_space<vmem>> -> memref<50xi32, #tpu.memory_space<vmem>>
    %dma_start3A_349 = arith.constant 0 : i32
    %dma_start3A_350 = arith.constant 0 : i32
    %dma_start3A_351 = tpu.memref_slice %arg7[%dma_start3A_349, %dma_start3A_350] : memref<100000x32xf32, #tpu.memory_space<hbm>> -> memref<100000x32xf32, #tpu.memory_space<hbm>>
    tpu.enqueue_indirect_dma source(%dma_start3A_351 : memref<100000x32xf32, #tpu.memory_space<hbm>>) target(%dma_start3A_345 : memref<50x32xf32, #tpu.memory_space<vmem>>) offsets(%dma_start3A_348 : memref<50xi32, #tpu.memory_space<vmem>>) semaphore(%arg17 : memref<!tpu.dma_semaphore, #tpu.memory_space<semaphore_mem>>)
    %dma_start3A_352 = arith.constant 5 : i32
    %dma_start3A_353 = arith.constant 3 : i32
    %dma_start3A_354 = arith.constant 0 : i32
    %dma_start3A_355 = arith.constant 5 : i32
    %dma_start3A_356 = arith.constant 3 : i32
    %dma_start3A_357 = arith.constant 0 : i32
    %dma_start3A_358 = arith.constant 0 : i32
    %dma_start3A_359 = tpu.memref_slice %arg16[%dma_start3A_354, %dma_start3A_355, %dma_start3A_356, %dma_start3A_357, %dma_start3A_358] : memref<2x6x4x50x32xf32, #tpu.memory_space<vmem>> -> memref<1x1x1x50x32xf32, #tpu.memory_space<vmem>>
    %dma_start3A_360 = tpu.memref_squeeze %dma_start3A_359 : memref<1x1x1x50x32xf32, #tpu.memory_space<vmem>> -> memref<50x32xf32, #tpu.memory_space<vmem>>
    %dma_start3A_361 = arith.constant 0 : i32
    %dma_start3A_362 = tpu.memref_slice %arg15[%dma_start3A_352, %dma_start3A_353, %dma_start3A_361] : memref<6x128x50xi32, #tpu.memory_space<vmem>> -> memref<1x1x50xi32, #tpu.memory_space<vmem>>
    %dma_start3A_363 = tpu.memref_squeeze %dma_start3A_362 : memref<1x1x50xi32, #tpu.memory_space<vmem>> -> memref<50xi32, #tpu.memory_space<vmem>>
    %dma_start3A_364 = arith.constant 0 : i32
    %dma_start3A_365 = arith.constant 0 : i32
    %dma_start3A_366 = tpu.memref_slice %arg7[%dma_start3A_364, %dma_start3A_365] : memref<100000x32xf32, #tpu.memory_space<hbm>> -> memref<100000x32xf32, #tpu.memory_space<hbm>>
    tpu.enqueue_indirect_dma source(%dma_start3A_366 : memref<100000x32xf32, #tpu.memory_space<hbm>>) target(%dma_start3A_360 : memref<50x32xf32, #tpu.memory_space<vmem>>) offsets(%dma_start3A_363 : memref<50xi32, #tpu.memory_space<vmem>>) semaphore(%arg17 : memref<!tpu.dma_semaphore, #tpu.memory_space<semaphore_mem>>)
    %scan3A = arith.constant 0 : i32
    %scan3A_367 = arith.constant 0 : i32
    %scan3A_368 = arith.constant 16 : i32
    %scan3A_369 = arith.addi %scan3A_367, %scan3A_368 : i32
    %scan3A_370 = arith.constant 1 : i32
    scf.for %scan3A_611 = %scan3A_367 to %scan3A_369 step %scan3A_370  : i32 {
      %mul3A_612 = arith.constant 2 : i32
      %mul3A_613 = arith.muli %scan3A_611, %mul3A_612 : i32
      %add3A_614 = arith.constant 0 : i32
      %add3A_615 = arith.addi %mul3A_613, %add3A_614 : i32
      %dma_wait3A_616 = arith.constant 0 : i32
      %dma_wait3A_617 = arith.constant 0 : i32
      %dma_wait3A_618 = arith.constant 0 : i32
      %dma_wait3A_619 = arith.constant 0 : i32
      %dma_wait3A_620 = arith.constant 0 : i32
      %dma_wait3A_621 = tpu.memref_slice %arg16[%dma_wait3A_616, %dma_wait3A_617, %dma_wait3A_618, %dma_wait3A_619, %dma_wait3A_620] : memref<2x6x4x50x32xf32, #tpu.memory_space<vmem>> -> memref<1x1x4x50x32xf32, #tpu.memory_space<vmem>>
      %dma_wait3A_622 = tpu.memref_squeeze %dma_wait3A_621 : memref<1x1x4x50x32xf32, #tpu.memory_space<vmem>> -> memref<4x50x32xf32, #tpu.memory_space<vmem>>
      %dma_wait3A_623 = arith.constant 0 : i32
      %dma_wait3A_624 = arith.constant 0 : i32
      %dma_wait3A_625 = arith.constant 0 : i32
      %dma_wait3A_626 = tpu.memref_slice %arg14[%dma_wait3A_623, %dma_wait3A_624, %dma_wait3A_625] : memref<4096x50x192xf32, #tpu.memory_space<hbm>> -> memref<4x50x32xf32, #tpu.memory_space<hbm>>
      %dma_wait3A_627 = arith.constant 0 : i32
      %dma_wait3A_628 = arith.constant 0 : i32
      %dma_wait3A_629 = arith.constant 0 : i32
      %dma_wait3A_630 = tpu.memref_slice %arg16[%dma_wait3A_616, %dma_wait3A_617, %dma_wait3A_627, %dma_wait3A_628, %dma_wait3A_629] : memref<2x6x4x50x32xf32, #tpu.memory_space<vmem>> -> memref<1x1x4x50x32xf32, #tpu.memory_space<vmem>>
      %dma_wait3A_631 = tpu.memref_squeeze %dma_wait3A_630 : memref<1x1x4x50x32xf32, #tpu.memory_space<vmem>> -> memref<4x50x32xf32, #tpu.memory_space<vmem>>
      %dma_wait3A_632 = arith.constant 0 : i32
      %dma_wait3A_633 = arith.constant 0 : i32
      %dma_wait3A_634 = arith.constant 0 : i32
      %dma_wait3A_635 = tpu.memref_slice %arg14[%dma_wait3A_632, %dma_wait3A_633, %dma_wait3A_634] : memref<4096x50x192xf32, #tpu.memory_space<hbm>> -> memref<4x50x32xf32, #tpu.memory_space<hbm>>
      tpu.wait_dma2 semaphore(%arg17 : memref<!tpu.dma_semaphore, #tpu.memory_space<semaphore_mem>>) src(%dma_wait3A_635 : memref<4x50x32xf32, #tpu.memory_space<hbm>>) dst(%dma_wait3A_631 : memref<4x50x32xf32, #tpu.memory_space<vmem>>)
      %dma_wait3A_636 = arith.constant 0 : i32
      %dma_wait3A_637 = arith.constant 1 : i32
      %dma_wait3A_638 = arith.constant 0 : i32
      %dma_wait3A_639 = arith.constant 0 : i32
      %dma_wait3A_640 = arith.constant 0 : i32
      %dma_wait3A_641 = tpu.memref_slice %arg16[%dma_wait3A_636, %dma_wait3A_637, %dma_wait3A_638, %dma_wait3A_639, %dma_wait3A_640] : memref<2x6x4x50x32xf32, #tpu.memory_space<vmem>> -> memref<1x1x4x50x32xf32, #tpu.memory_space<vmem>>
      %dma_wait3A_642 = tpu.memref_squeeze %dma_wait3A_641 : memref<1x1x4x50x32xf32, #tpu.memory_space<vmem>> -> memref<4x50x32xf32, #tpu.memory_space<vmem>>
      %dma_wait3A_643 = arith.constant 0 : i32
      %dma_wait3A_644 = arith.constant 0 : i32
      %dma_wait3A_645 = arith.constant 0 : i32
      %dma_wait3A_646 = tpu.memref_slice %arg14[%dma_wait3A_643, %dma_wait3A_644, %dma_wait3A_645] : memref<4096x50x192xf32, #tpu.memory_space<hbm>> -> memref<4x50x32xf32, #tpu.memory_space<hbm>>
      %dma_wait3A_647 = arith.constant 0 : i32
      %dma_wait3A_648 = arith.constant 0 : i32
      %dma_wait3A_649 = arith.constant 0 : i32
      %dma_wait3A_650 = tpu.memref_slice %arg16[%dma_wait3A_636, %dma_wait3A_637, %dma_wait3A_647, %dma_wait3A_648, %dma_wait3A_649] : memref<2x6x4x50x32xf32, #tpu.memory_space<vmem>> -> memref<1x1x4x50x32xf32, #tpu.memory_space<vmem>>
      %dma_wait3A_651 = tpu.memref_squeeze %dma_wait3A_650 : memref<1x1x4x50x32xf32, #tpu.memory_space<vmem>> -> memref<4x50x32xf32, #tpu.memory_space<vmem>>
      %dma_wait3A_652 = arith.constant 0 : i32
      %dma_wait3A_653 = arith.constant 0 : i32
      %dma_wait3A_654 = arith.constant 0 : i32
      %dma_wait3A_655 = tpu.memref_slice %arg14[%dma_wait3A_652, %dma_wait3A_653, %dma_wait3A_654] : memref<4096x50x192xf32, #tpu.memory_space<hbm>> -> memref<4x50x32xf32, #tpu.memory_space<hbm>>
      tpu.wait_dma2 semaphore(%arg17 : memref<!tpu.dma_semaphore, #tpu.memory_space<semaphore_mem>>) src(%dma_wait3A_655 : memref<4x50x32xf32, #tpu.memory_space<hbm>>) dst(%dma_wait3A_651 : memref<4x50x32xf32, #tpu.memory_space<vmem>>)
      %dma_wait3A_656 = arith.constant 0 : i32
      %dma_wait3A_657 = arith.constant 2 : i32
      %dma_wait3A_658 = arith.constant 0 : i32
      %dma_wait3A_659 = arith.constant 0 : i32
      %dma_wait3A_660 = arith.constant 0 : i32
      %dma_wait3A_661 = tpu.memref_slice %arg16[%dma_wait3A_656, %dma_wait3A_657, %dma_wait3A_658, %dma_wait3A_659, %dma_wait3A_660] : memref<2x6x4x50x32xf32, #tpu.memory_space<vmem>> -> memref<1x1x4x50x32xf32, #tpu.memory_space<vmem>>
      %dma_wait3A_662 = tpu.memref_squeeze %dma_wait3A_661 : memref<1x1x4x50x32xf32, #tpu.memory_space<vmem>> -> memref<4x50x32xf32, #tpu.memory_space<vmem>>
      %dma_wait3A_663 = arith.constant 0 : i32
      %dma_wait3A_664 = arith.constant 0 : i32
      %dma_wait3A_665 = arith.constant 0 : i32
      %dma_wait3A_666 = tpu.memref_slice %arg14[%dma_wait3A_663, %dma_wait3A_664, %dma_wait3A_665] : memref<4096x50x192xf32, #tpu.memory_space<hbm>> -> memref<4x50x32xf32, #tpu.memory_space<hbm>>
      %dma_wait3A_667 = arith.constant 0 : i32
      %dma_wait3A_668 = arith.constant 0 : i32
      %dma_wait3A_669 = arith.constant 0 : i32
      %dma_wait3A_670 = tpu.memref_slice %arg16[%dma_wait3A_656, %dma_wait3A_657, %dma_wait3A_667, %dma_wait3A_668, %dma_wait3A_669] : memref<2x6x4x50x32xf32, #tpu.memory_space<vmem>> -> memref<1x1x4x50x32xf32, #tpu.memory_space<vmem>>
      %dma_wait3A_671 = tpu.memref_squeeze %dma_wait3A_670 : memref<1x1x4x50x32xf32, #tpu.memory_space<vmem>> -> memref<4x50x32xf32, #tpu.memory_space<vmem>>
      %dma_wait3A_672 = arith.constant 0 : i32
      %dma_wait3A_673 = arith.constant 0 : i32
      %dma_wait3A_674 = arith.constant 0 : i32
      %dma_wait3A_675 = tpu.memref_slice %arg14[%dma_wait3A_672, %dma_wait3A_673, %dma_wait3A_674] : memref<4096x50x192xf32, #tpu.memory_space<hbm>> -> memref<4x50x32xf32, #tpu.memory_space<hbm>>
      tpu.wait_dma2 semaphore(%arg17 : memref<!tpu.dma_semaphore, #tpu.memory_space<semaphore_mem>>) src(%dma_wait3A_675 : memref<4x50x32xf32, #tpu.memory_space<hbm>>) dst(%dma_wait3A_671 : memref<4x50x32xf32, #tpu.memory_space<vmem>>)
      %dma_wait3A_676 = arith.constant 0 : i32
      %dma_wait3A_677 = arith.constant 3 : i32
      %dma_wait3A_678 = arith.constant 0 : i32
      %dma_wait3A_679 = arith.constant 0 : i32
      %dma_wait3A_680 = arith.constant 0 : i32
      %dma_wait3A_681 = tpu.memref_slice %arg16[%dma_wait3A_676, %dma_wait3A_677, %dma_wait3A_678, %dma_wait3A_679, %dma_wait3A_680] : memref<2x6x4x50x32xf32, #tpu.memory_space<vmem>> -> memref<1x1x4x50x32xf32, #tpu.memory_space<vmem>>
      %dma_wait3A_682 = tpu.memref_squeeze %dma_wait3A_681 : memref<1x1x4x50x32xf32, #tpu.memory_space<vmem>> -> memref<4x50x32xf32, #tpu.memory_space<vmem>>
      %dma_wait3A_683 = arith.constant 0 : i32
      %dma_wait3A_684 = arith.constant 0 : i32
      %dma_wait3A_685 = arith.constant 0 : i32
      %dma_wait3A_686 = tpu.memref_slice %arg14[%dma_wait3A_683, %dma_wait3A_684, %dma_wait3A_685] : memref<4096x50x192xf32, #tpu.memory_space<hbm>> -> memref<4x50x32xf32, #tpu.memory_space<hbm>>
      %dma_wait3A_687 = arith.constant 0 : i32
      %dma_wait3A_688 = arith.constant 0 : i32
      %dma_wait3A_689 = arith.constant 0 : i32
      %dma_wait3A_690 = tpu.memref_slice %arg16[%dma_wait3A_676, %dma_wait3A_677, %dma_wait3A_687, %dma_wait3A_688, %dma_wait3A_689] : memref<2x6x4x50x32xf32, #tpu.memory_space<vmem>> -> memref<1x1x4x50x32xf32, #tpu.memory_space<vmem>>
      %dma_wait3A_691 = tpu.memref_squeeze %dma_wait3A_690 : memref<1x1x4x50x32xf32, #tpu.memory_space<vmem>> -> memref<4x50x32xf32, #tpu.memory_space<vmem>>
      %dma_wait3A_692 = arith.constant 0 : i32
      %dma_wait3A_693 = arith.constant 0 : i32
      %dma_wait3A_694 = arith.constant 0 : i32
      %dma_wait3A_695 = tpu.memref_slice %arg14[%dma_wait3A_692, %dma_wait3A_693, %dma_wait3A_694] : memref<4096x50x192xf32, #tpu.memory_space<hbm>> -> memref<4x50x32xf32, #tpu.memory_space<hbm>>
      tpu.wait_dma2 semaphore(%arg17 : memref<!tpu.dma_semaphore, #tpu.memory_space<semaphore_mem>>) src(%dma_wait3A_695 : memref<4x50x32xf32, #tpu.memory_space<hbm>>) dst(%dma_wait3A_691 : memref<4x50x32xf32, #tpu.memory_space<vmem>>)
      %dma_wait3A_696 = arith.constant 0 : i32
      %dma_wait3A_697 = arith.constant 4 : i32
      %dma_wait3A_698 = arith.constant 0 : i32
      %dma_wait3A_699 = arith.constant 0 : i32
      %dma_wait3A_700 = arith.constant 0 : i32
      %dma_wait3A_701 = tpu.memref_slice %arg16[%dma_wait3A_696, %dma_wait3A_697, %dma_wait3A_698, %dma_wait3A_699, %dma_wait3A_700] : memref<2x6x4x50x32xf32, #tpu.memory_space<vmem>> -> memref<1x1x4x50x32xf32, #tpu.memory_space<vmem>>
      %dma_wait3A_702 = tpu.memref_squeeze %dma_wait3A_701 : memref<1x1x4x50x32xf32, #tpu.memory_space<vmem>> -> memref<4x50x32xf32, #tpu.memory_space<vmem>>
      %dma_wait3A_703 = arith.constant 0 : i32
      %dma_wait3A_704 = arith.constant 0 : i32
      %dma_wait3A_705 = arith.constant 0 : i32
      %dma_wait3A_706 = tpu.memref_slice %arg14[%dma_wait3A_703, %dma_wait3A_704, %dma_wait3A_705] : memref<4096x50x192xf32, #tpu.memory_space<hbm>> -> memref<4x50x32xf32, #tpu.memory_space<hbm>>
      %dma_wait3A_707 = arith.constant 0 : i32
      %dma_wait3A_708 = arith.constant 0 : i32
      %dma_wait3A_709 = arith.constant 0 : i32
      %dma_wait3A_710 = tpu.memref_slice %arg16[%dma_wait3A_696, %dma_wait3A_697, %dma_wait3A_707, %dma_wait3A_708, %dma_wait3A_709] : memref<2x6x4x50x32xf32, #tpu.memory_space<vmem>> -> memref<1x1x4x50x32xf32, #tpu.memory_space<vmem>>
      %dma_wait3A_711 = tpu.memref_squeeze %dma_wait3A_710 : memref<1x1x4x50x32xf32, #tpu.memory_space<vmem>> -> memref<4x50x32xf32, #tpu.memory_space<vmem>>
      %dma_wait3A_712 = arith.constant 0 : i32
      %dma_wait3A_713 = arith.constant 0 : i32
      %dma_wait3A_714 = arith.constant 0 : i32
      %dma_wait3A_715 = tpu.memref_slice %arg14[%dma_wait3A_712, %dma_wait3A_713, %dma_wait3A_714] : memref<4096x50x192xf32, #tpu.memory_space<hbm>> -> memref<4x50x32xf32, #tpu.memory_space<hbm>>
      tpu.wait_dma2 semaphore(%arg17 : memref<!tpu.dma_semaphore, #tpu.memory_space<semaphore_mem>>) src(%dma_wait3A_715 : memref<4x50x32xf32, #tpu.memory_space<hbm>>) dst(%dma_wait3A_711 : memref<4x50x32xf32, #tpu.memory_space<vmem>>)
      %dma_wait3A_716 = arith.constant 0 : i32
      %dma_wait3A_717 = arith.constant 5 : i32
      %dma_wait3A_718 = arith.constant 0 : i32
      %dma_wait3A_719 = arith.constant 0 : i32
      %dma_wait3A_720 = arith.constant 0 : i32
      %dma_wait3A_721 = tpu.memref_slice %arg16[%dma_wait3A_716, %dma_wait3A_717, %dma_wait3A_718, %dma_wait3A_719, %dma_wait3A_720] : memref<2x6x4x50x32xf32, #tpu.memory_space<vmem>> -> memref<1x1x4x50x32xf32, #tpu.memory_space<vmem>>
      %dma_wait3A_722 = tpu.memref_squeeze %dma_wait3A_721 : memref<1x1x4x50x32xf32, #tpu.memory_space<vmem>> -> memref<4x50x32xf32, #tpu.memory_space<vmem>>
      %dma_wait3A_723 = arith.constant 0 : i32
      %dma_wait3A_724 = arith.constant 0 : i32
      %dma_wait3A_725 = arith.constant 0 : i32
      %dma_wait3A_726 = tpu.memref_slice %arg14[%dma_wait3A_723, %dma_wait3A_724, %dma_wait3A_725] : memref<4096x50x192xf32, #tpu.memory_space<hbm>> -> memref<4x50x32xf32, #tpu.memory_space<hbm>>
      %dma_wait3A_727 = arith.constant 0 : i32
      %dma_wait3A_728 = arith.constant 0 : i32
      %dma_wait3A_729 = arith.constant 0 : i32
      %dma_wait3A_730 = tpu.memref_slice %arg16[%dma_wait3A_716, %dma_wait3A_717, %dma_wait3A_727, %dma_wait3A_728, %dma_wait3A_729] : memref<2x6x4x50x32xf32, #tpu.memory_space<vmem>> -> memref<1x1x4x50x32xf32, #tpu.memory_space<vmem>>
      %dma_wait3A_731 = tpu.memref_squeeze %dma_wait3A_730 : memref<1x1x4x50x32xf32, #tpu.memory_space<vmem>> -> memref<4x50x32xf32, #tpu.memory_space<vmem>>
      %dma_wait3A_732 = arith.constant 0 : i32
      %dma_wait3A_733 = arith.constant 0 : i32
      %dma_wait3A_734 = arith.constant 0 : i32
      %dma_wait3A_735 = tpu.memref_slice %arg14[%dma_wait3A_732, %dma_wait3A_733, %dma_wait3A_734] : memref<4096x50x192xf32, #tpu.memory_space<hbm>> -> memref<4x50x32xf32, #tpu.memory_space<hbm>>
      tpu.wait_dma2 semaphore(%arg17 : memref<!tpu.dma_semaphore, #tpu.memory_space<semaphore_mem>>) src(%dma_wait3A_735 : memref<4x50x32xf32, #tpu.memory_space<hbm>>) dst(%dma_wait3A_731 : memref<4x50x32xf32, #tpu.memory_space<vmem>>)
      %mul3A_736 = arith.constant 4 : i32
      %mul3A_737 = arith.muli %add3A_615, %mul3A_736 : i32
      %add3A_738 = arith.addi %mul3A_2, %mul3A_737 : i32
      %dma_start3A_739 = arith.constant 0 : i32
      %dma_start3A_740 = arith.constant 0 : i32
      %dma_start3A_741 = arith.constant 0 : i32
      %dma_start3A_742 = arith.constant 0 : i32
      %dma_start3A_743 = arith.constant 0 : i32
      %dma_start3A_744 = tpu.memref_slice %arg16[%dma_start3A_739, %dma_start3A_740, %dma_start3A_741, %dma_start3A_742, %dma_start3A_743] : memref<2x6x4x50x32xf32, #tpu.memory_space<vmem>> -> memref<1x1x4x50x32xf32, #tpu.memory_space<vmem>>
      %dma_start3A_745 = tpu.memref_squeeze %dma_start3A_744 : memref<1x1x4x50x32xf32, #tpu.memory_space<vmem>> -> memref<4x50x32xf32, #tpu.memory_space<vmem>>
      %dma_start3A_746 = arith.constant 0 : i32
      %dma_start3A_747 = arith.constant 0 : i32
      %dma_start3A_748 = tpu.memref_slice %arg14[%add3A_738, %dma_start3A_746, %dma_start3A_747] : memref<4096x50x192xf32, #tpu.memory_space<hbm>> -> memref<4x50x32xf32, #tpu.memory_space<hbm>>
      %dma_start3A_749 = arith.constant 0 : i32
      %dma_start3A_750 = arith.constant 0 : i32
      %dma_start3A_751 = tpu.memref_slice %arg14[%add3A_738, %dma_start3A_749, %dma_start3A_750] : memref<4096x50x192xf32, #tpu.memory_space<hbm>> -> memref<4x50x32xf32, #tpu.memory_space<hbm>>
      %dma_start3A_752 = arith.constant 0 : i32
      %dma_start3A_753 = arith.constant 0 : i32
      %dma_start3A_754 = arith.constant 0 : i32
      %dma_start3A_755 = tpu.memref_slice %arg16[%dma_start3A_739, %dma_start3A_740, %dma_start3A_752, %dma_start3A_753, %dma_start3A_754] : memref<2x6x4x50x32xf32, #tpu.memory_space<vmem>> -> memref<1x1x4x50x32xf32, #tpu.memory_space<vmem>>
      %dma_start3A_756 = tpu.memref_squeeze %dma_start3A_755 : memref<1x1x4x50x32xf32, #tpu.memory_space<vmem>> -> memref<4x50x32xf32, #tpu.memory_space<vmem>>
      tpu.enqueue_dma source(%dma_start3A_756 : memref<4x50x32xf32, #tpu.memory_space<vmem>>) target(%dma_start3A_751 : memref<4x50x32xf32, #tpu.memory_space<hbm>>) target_semaphore(%arg19 : memref<!tpu.dma_semaphore, #tpu.memory_space<semaphore_mem>>)
      %dma_start3A_757 = arith.constant 0 : i32
      %dma_start3A_758 = arith.constant 1 : i32
      %dma_start3A_759 = arith.constant 0 : i32
      %dma_start3A_760 = arith.constant 0 : i32
      %dma_start3A_761 = arith.constant 0 : i32
      %dma_start3A_762 = tpu.memref_slice %arg16[%dma_start3A_757, %dma_start3A_758, %dma_start3A_759, %dma_start3A_760, %dma_start3A_761] : memref<2x6x4x50x32xf32, #tpu.memory_space<vmem>> -> memref<1x1x4x50x32xf32, #tpu.memory_space<vmem>>
      %dma_start3A_763 = tpu.memref_squeeze %dma_start3A_762 : memref<1x1x4x50x32xf32, #tpu.memory_space<vmem>> -> memref<4x50x32xf32, #tpu.memory_space<vmem>>
      %dma_start3A_764 = arith.constant 0 : i32
      %dma_start3A_765 = arith.constant 32 : i32
      %dma_start3A_766 = tpu.memref_slice %arg14[%add3A_738, %dma_start3A_764, %dma_start3A_765] : memref<4096x50x192xf32, #tpu.memory_space<hbm>> -> memref<4x50x32xf32, #tpu.memory_space<hbm>>
      %dma_start3A_767 = arith.constant 0 : i32
      %dma_start3A_768 = arith.constant 32 : i32
      %dma_start3A_769 = tpu.memref_slice %arg14[%add3A_738, %dma_start3A_767, %dma_start3A_768] : memref<4096x50x192xf32, #tpu.memory_space<hbm>> -> memref<4x50x32xf32, #tpu.memory_space<hbm>>
      %dma_start3A_770 = arith.constant 0 : i32
      %dma_start3A_771 = arith.constant 0 : i32
      %dma_start3A_772 = arith.constant 0 : i32
      %dma_start3A_773 = tpu.memref_slice %arg16[%dma_start3A_757, %dma_start3A_758, %dma_start3A_770, %dma_start3A_771, %dma_start3A_772] : memref<2x6x4x50x32xf32, #tpu.memory_space<vmem>> -> memref<1x1x4x50x32xf32, #tpu.memory_space<vmem>>
      %dma_start3A_774 = tpu.memref_squeeze %dma_start3A_773 : memref<1x1x4x50x32xf32, #tpu.memory_space<vmem>> -> memref<4x50x32xf32, #tpu.memory_space<vmem>>
      tpu.enqueue_dma source(%dma_start3A_774 : memref<4x50x32xf32, #tpu.memory_space<vmem>>) target(%dma_start3A_769 : memref<4x50x32xf32, #tpu.memory_space<hbm>>) target_semaphore(%arg19 : memref<!tpu.dma_semaphore, #tpu.memory_space<semaphore_mem>>)
      %dma_start3A_775 = arith.constant 0 : i32
      %dma_start3A_776 = arith.constant 2 : i32
      %dma_start3A_777 = arith.constant 0 : i32
      %dma_start3A_778 = arith.constant 0 : i32
      %dma_start3A_779 = arith.constant 0 : i32
      %dma_start3A_780 = tpu.memref_slice %arg16[%dma_start3A_775, %dma_start3A_776, %dma_start3A_777, %dma_start3A_778, %dma_start3A_779] : memref<2x6x4x50x32xf32, #tpu.memory_space<vmem>> -> memref<1x1x4x50x32xf32, #tpu.memory_space<vmem>>
      %dma_start3A_781 = tpu.memref_squeeze %dma_start3A_780 : memref<1x1x4x50x32xf32, #tpu.memory_space<vmem>> -> memref<4x50x32xf32, #tpu.memory_space<vmem>>
      %dma_start3A_782 = arith.constant 0 : i32
      %dma_start3A_783 = arith.constant 64 : i32
      %dma_start3A_784 = tpu.memref_slice %arg14[%add3A_738, %dma_start3A_782, %dma_start3A_783] : memref<4096x50x192xf32, #tpu.memory_space<hbm>> -> memref<4x50x32xf32, #tpu.memory_space<hbm>>
      %dma_start3A_785 = arith.constant 0 : i32
      %dma_start3A_786 = arith.constant 64 : i32
      %dma_start3A_787 = tpu.memref_slice %arg14[%add3A_738, %dma_start3A_785, %dma_start3A_786] : memref<4096x50x192xf32, #tpu.memory_space<hbm>> -> memref<4x50x32xf32, #tpu.memory_space<hbm>>
      %dma_start3A_788 = arith.constant 0 : i32
      %dma_start3A_789 = arith.constant 0 : i32
      %dma_start3A_790 = arith.constant 0 : i32
      %dma_start3A_791 = tpu.memref_slice %arg16[%dma_start3A_775, %dma_start3A_776, %dma_start3A_788, %dma_start3A_789, %dma_start3A_790] : memref<2x6x4x50x32xf32, #tpu.memory_space<vmem>> -> memref<1x1x4x50x32xf32, #tpu.memory_space<vmem>>
      %dma_start3A_792 = tpu.memref_squeeze %dma_start3A_791 : memref<1x1x4x50x32xf32, #tpu.memory_space<vmem>> -> memref<4x50x32xf32, #tpu.memory_space<vmem>>
      tpu.enqueue_dma source(%dma_start3A_792 : memref<4x50x32xf32, #tpu.memory_space<vmem>>) target(%dma_start3A_787 : memref<4x50x32xf32, #tpu.memory_space<hbm>>) target_semaphore(%arg19 : memref<!tpu.dma_semaphore, #tpu.memory_space<semaphore_mem>>)
      %dma_start3A_793 = arith.constant 0 : i32
      %dma_start3A_794 = arith.constant 3 : i32
      %dma_start3A_795 = arith.constant 0 : i32
      %dma_start3A_796 = arith.constant 0 : i32
      %dma_start3A_797 = arith.constant 0 : i32
      %dma_start3A_798 = tpu.memref_slice %arg16[%dma_start3A_793, %dma_start3A_794, %dma_start3A_795, %dma_start3A_796, %dma_start3A_797] : memref<2x6x4x50x32xf32, #tpu.memory_space<vmem>> -> memref<1x1x4x50x32xf32, #tpu.memory_space<vmem>>
      %dma_start3A_799 = tpu.memref_squeeze %dma_start3A_798 : memref<1x1x4x50x32xf32, #tpu.memory_space<vmem>> -> memref<4x50x32xf32, #tpu.memory_space<vmem>>
      %dma_start3A_800 = arith.constant 0 : i32
      %dma_start3A_801 = arith.constant 96 : i32
      %dma_start3A_802 = tpu.memref_slice %arg14[%add3A_738, %dma_start3A_800, %dma_start3A_801] : memref<4096x50x192xf32, #tpu.memory_space<hbm>> -> memref<4x50x32xf32, #tpu.memory_space<hbm>>
      %dma_start3A_803 = arith.constant 0 : i32
      %dma_start3A_804 = arith.constant 96 : i32
      %dma_start3A_805 = tpu.memref_slice %arg14[%add3A_738, %dma_start3A_803, %dma_start3A_804] : memref<4096x50x192xf32, #tpu.memory_space<hbm>> -> memref<4x50x32xf32, #tpu.memory_space<hbm>>
      %dma_start3A_806 = arith.constant 0 : i32
      %dma_start3A_807 = arith.constant 0 : i32
      %dma_start3A_808 = arith.constant 0 : i32
      %dma_start3A_809 = tpu.memref_slice %arg16[%dma_start3A_793, %dma_start3A_794, %dma_start3A_806, %dma_start3A_807, %dma_start3A_808] : memref<2x6x4x50x32xf32, #tpu.memory_space<vmem>> -> memref<1x1x4x50x32xf32, #tpu.memory_space<vmem>>
      %dma_start3A_810 = tpu.memref_squeeze %dma_start3A_809 : memref<1x1x4x50x32xf32, #tpu.memory_space<vmem>> -> memref<4x50x32xf32, #tpu.memory_space<vmem>>
      tpu.enqueue_dma source(%dma_start3A_810 : memref<4x50x32xf32, #tpu.memory_space<vmem>>) target(%dma_start3A_805 : memref<4x50x32xf32, #tpu.memory_space<hbm>>) target_semaphore(%arg19 : memref<!tpu.dma_semaphore, #tpu.memory_space<semaphore_mem>>)
      %dma_start3A_811 = arith.constant 0 : i32
      %dma_start3A_812 = arith.constant 4 : i32
      %dma_start3A_813 = arith.constant 0 : i32
      %dma_start3A_814 = arith.constant 0 : i32
      %dma_start3A_815 = arith.constant 0 : i32
      %dma_start3A_816 = tpu.memref_slice %arg16[%dma_start3A_811, %dma_start3A_812, %dma_start3A_813, %dma_start3A_814, %dma_start3A_815] : memref<2x6x4x50x32xf32, #tpu.memory_space<vmem>> -> memref<1x1x4x50x32xf32, #tpu.memory_space<vmem>>
      %dma_start3A_817 = tpu.memref_squeeze %dma_start3A_816 : memref<1x1x4x50x32xf32, #tpu.memory_space<vmem>> -> memref<4x50x32xf32, #tpu.memory_space<vmem>>
      %dma_start3A_818 = arith.constant 0 : i32
      %dma_start3A_819 = arith.constant 128 : i32
      %dma_start3A_820 = tpu.memref_slice %arg14[%add3A_738, %dma_start3A_818, %dma_start3A_819] : memref<4096x50x192xf32, #tpu.memory_space<hbm>> -> memref<4x50x32xf32, #tpu.memory_space<hbm>>
      %dma_start3A_821 = arith.constant 0 : i32
      %dma_start3A_822 = arith.constant 128 : i32
      %dma_start3A_823 = tpu.memref_slice %arg14[%add3A_738, %dma_start3A_821, %dma_start3A_822] : memref<4096x50x192xf32, #tpu.memory_space<hbm>> -> memref<4x50x32xf32, #tpu.memory_space<hbm>>
      %dma_start3A_824 = arith.constant 0 : i32
      %dma_start3A_825 = arith.constant 0 : i32
      %dma_start3A_826 = arith.constant 0 : i32
      %dma_start3A_827 = tpu.memref_slice %arg16[%dma_start3A_811, %dma_start3A_812, %dma_start3A_824, %dma_start3A_825, %dma_start3A_826] : memref<2x6x4x50x32xf32, #tpu.memory_space<vmem>> -> memref<1x1x4x50x32xf32, #tpu.memory_space<vmem>>
      %dma_start3A_828 = tpu.memref_squeeze %dma_start3A_827 : memref<1x1x4x50x32xf32, #tpu.memory_space<vmem>> -> memref<4x50x32xf32, #tpu.memory_space<vmem>>
      tpu.enqueue_dma source(%dma_start3A_828 : memref<4x50x32xf32, #tpu.memory_space<vmem>>) target(%dma_start3A_823 : memref<4x50x32xf32, #tpu.memory_space<hbm>>) target_semaphore(%arg19 : memref<!tpu.dma_semaphore, #tpu.memory_space<semaphore_mem>>)
      %dma_start3A_829 = arith.constant 0 : i32
      %dma_start3A_830 = arith.constant 5 : i32
      %dma_start3A_831 = arith.constant 0 : i32
      %dma_start3A_832 = arith.constant 0 : i32
      %dma_start3A_833 = arith.constant 0 : i32
      %dma_start3A_834 = tpu.memref_slice %arg16[%dma_start3A_829, %dma_start3A_830, %dma_start3A_831, %dma_start3A_832, %dma_start3A_833] : memref<2x6x4x50x32xf32, #tpu.memory_space<vmem>> -> memref<1x1x4x50x32xf32, #tpu.memory_space<vmem>>
      %dma_start3A_835 = tpu.memref_squeeze %dma_start3A_834 : memref<1x1x4x50x32xf32, #tpu.memory_space<vmem>> -> memref<4x50x32xf32, #tpu.memory_space<vmem>>
      %dma_start3A_836 = arith.constant 0 : i32
      %dma_start3A_837 = arith.constant 160 : i32
      %dma_start3A_838 = tpu.memref_slice %arg14[%add3A_738, %dma_start3A_836, %dma_start3A_837] : memref<4096x50x192xf32, #tpu.memory_space<hbm>> -> memref<4x50x32xf32, #tpu.memory_space<hbm>>
      %dma_start3A_839 = arith.constant 0 : i32
      %dma_start3A_840 = arith.constant 160 : i32
      %dma_start3A_841 = tpu.memref_slice %arg14[%add3A_738, %dma_start3A_839, %dma_start3A_840] : memref<4096x50x192xf32, #tpu.memory_space<hbm>> -> memref<4x50x32xf32, #tpu.memory_space<hbm>>
      %dma_start3A_842 = arith.constant 0 : i32
      %dma_start3A_843 = arith.constant 0 : i32
      %dma_start3A_844 = arith.constant 0 : i32
      %dma_start3A_845 = tpu.memref_slice %arg16[%dma_start3A_829, %dma_start3A_830, %dma_start3A_842, %dma_start3A_843, %dma_start3A_844] : memref<2x6x4x50x32xf32, #tpu.memory_space<vmem>> -> memref<1x1x4x50x32xf32, #tpu.memory_space<vmem>>
      %dma_start3A_846 = tpu.memref_squeeze %dma_start3A_845 : memref<1x1x4x50x32xf32, #tpu.memory_space<vmem>> -> memref<4x50x32xf32, #tpu.memory_space<vmem>>
      tpu.enqueue_dma source(%dma_start3A_846 : memref<4x50x32xf32, #tpu.memory_space<vmem>>) target(%dma_start3A_841 : memref<4x50x32xf32, #tpu.memory_space<hbm>>) target_semaphore(%arg19 : memref<!tpu.dma_semaphore, #tpu.memory_space<semaphore_mem>>)
      %add3A_847 = arith.constant 1 : i32
      %add3A_848 = arith.addi %add3A_615, %add3A_847 : i32
      %lt3A = arith.constant 32 : i32
      %lt3A_849 = arith.cmpi slt, %add3A_848, %lt3A : i32
      %convert_element_type3A = arith.extui %lt3A_849 : i1 to i32
      %cond3A = arith.constant 0 : i32
      %cond3A_850 = arith.cmpi ne, %convert_element_type3A, %cond3A : i32
      scf.if %cond3A_850 {
        %gt3A = arith.constant 0 : i32
        %gt3A_1093 = arith.cmpi sgt, %add3A_615, %gt3A : i32
        %convert_element_type3A_1094 = arith.extui %gt3A_1093 : i1 to i32
        %cond3A_1095 = arith.constant 0 : i32
        %cond3A_1096 = arith.cmpi ne, %convert_element_type3A_1094, %cond3A_1095 : i32
        scf.if %cond3A_1096 {
          %dma_wait3A_1485 = arith.constant 1 : i32
          %dma_wait3A_1486 = arith.constant 0 : i32
          %dma_wait3A_1487 = arith.constant 0 : i32
          %dma_wait3A_1488 = arith.constant 0 : i32
          %dma_wait3A_1489 = arith.constant 0 : i32
          %dma_wait3A_1490 = tpu.memref_slice %arg16[%dma_wait3A_1485, %dma_wait3A_1486, %dma_wait3A_1487, %dma_wait3A_1488, %dma_wait3A_1489] : memref<2x6x4x50x32xf32, #tpu.memory_space<vmem>> -> memref<1x1x4x50x32xf32, #tpu.memory_space<vmem>>
          %dma_wait3A_1491 = tpu.memref_squeeze %dma_wait3A_1490 : memref<1x1x4x50x32xf32, #tpu.memory_space<vmem>> -> memref<4x50x32xf32, #tpu.memory_space<vmem>>
          %dma_wait3A_1492 = arith.constant 0 : i32
          %dma_wait3A_1493 = arith.constant 0 : i32
          %dma_wait3A_1494 = arith.constant 0 : i32
          %dma_wait3A_1495 = tpu.memref_slice %arg14[%dma_wait3A_1492, %dma_wait3A_1493, %dma_wait3A_1494] : memref<4096x50x192xf32, #tpu.memory_space<hbm>> -> memref<4x50x32xf32, #tpu.memory_space<hbm>>
          %dma_wait3A_1496 = arith.constant 0 : i32
          %dma_wait3A_1497 = arith.constant 0 : i32
          %dma_wait3A_1498 = arith.constant 0 : i32
          %dma_wait3A_1499 = tpu.memref_slice %arg14[%dma_wait3A_1496, %dma_wait3A_1497, %dma_wait3A_1498] : memref<4096x50x192xf32, #tpu.memory_space<hbm>> -> memref<4x50x32xf32, #tpu.memory_space<hbm>>
          %dma_wait3A_1500 = arith.constant 0 : i32
          %dma_wait3A_1501 = arith.constant 0 : i32
          %dma_wait3A_1502 = arith.constant 0 : i32
          %dma_wait3A_1503 = tpu.memref_slice %arg16[%dma_wait3A_1485, %dma_wait3A_1486, %dma_wait3A_1500, %dma_wait3A_1501, %dma_wait3A_1502] : memref<2x6x4x50x32xf32, #tpu.memory_space<vmem>> -> memref<1x1x4x50x32xf32, #tpu.memory_space<vmem>>
          %dma_wait3A_1504 = tpu.memref_squeeze %dma_wait3A_1503 : memref<1x1x4x50x32xf32, #tpu.memory_space<vmem>> -> memref<4x50x32xf32, #tpu.memory_space<vmem>>
          tpu.wait_dma2 semaphore(%arg20 : memref<!tpu.dma_semaphore, #tpu.memory_space<semaphore_mem>>) src(%dma_wait3A_1504 : memref<4x50x32xf32, #tpu.memory_space<vmem>>) dst(%dma_wait3A_1499 : memref<4x50x32xf32, #tpu.memory_space<hbm>>)
          %dma_wait3A_1505 = arith.constant 1 : i32
          %dma_wait3A_1506 = arith.constant 1 : i32
          %dma_wait3A_1507 = arith.constant 0 : i32
          %dma_wait3A_1508 = arith.constant 0 : i32
          %dma_wait3A_1509 = arith.constant 0 : i32
          %dma_wait3A_1510 = tpu.memref_slice %arg16[%dma_wait3A_1505, %dma_wait3A_1506, %dma_wait3A_1507, %dma_wait3A_1508, %dma_wait3A_1509] : memref<2x6x4x50x32xf32, #tpu.memory_space<vmem>> -> memref<1x1x4x50x32xf32, #tpu.memory_space<vmem>>
          %dma_wait3A_1511 = tpu.memref_squeeze %dma_wait3A_1510 : memref<1x1x4x50x32xf32, #tpu.memory_space<vmem>> -> memref<4x50x32xf32, #tpu.memory_space<vmem>>
          %dma_wait3A_1512 = arith.constant 0 : i32
          %dma_wait3A_1513 = arith.constant 0 : i32
          %dma_wait3A_1514 = arith.constant 0 : i32
          %dma_wait3A_1515 = tpu.memref_slice %arg14[%dma_wait3A_1512, %dma_wait3A_1513, %dma_wait3A_1514] : memref<4096x50x192xf32, #tpu.memory_space<hbm>> -> memref<4x50x32xf32, #tpu.memory_space<hbm>>
          %dma_wait3A_1516 = arith.constant 0 : i32
          %dma_wait3A_1517 = arith.constant 0 : i32
          %dma_wait3A_1518 = arith.constant 0 : i32
          %dma_wait3A_1519 = tpu.memref_slice %arg14[%dma_wait3A_1516, %dma_wait3A_1517, %dma_wait3A_1518] : memref<4096x50x192xf32, #tpu.memory_space<hbm>> -> memref<4x50x32xf32, #tpu.memory_space<hbm>>
          %dma_wait3A_1520 = arith.constant 0 : i32
          %dma_wait3A_1521 = arith.constant 0 : i32
          %dma_wait3A_1522 = arith.constant 0 : i32
          %dma_wait3A_1523 = tpu.memref_slice %arg16[%dma_wait3A_1505, %dma_wait3A_1506, %dma_wait3A_1520, %dma_wait3A_1521, %dma_wait3A_1522] : memref<2x6x4x50x32xf32, #tpu.memory_space<vmem>> -> memref<1x1x4x50x32xf32, #tpu.memory_space<vmem>>
          %dma_wait3A_1524 = tpu.memref_squeeze %dma_wait3A_1523 : memref<1x1x4x50x32xf32, #tpu.memory_space<vmem>> -> memref<4x50x32xf32, #tpu.memory_space<vmem>>
          tpu.wait_dma2 semaphore(%arg20 : memref<!tpu.dma_semaphore, #tpu.memory_space<semaphore_mem>>) src(%dma_wait3A_1524 : memref<4x50x32xf32, #tpu.memory_space<vmem>>) dst(%dma_wait3A_1519 : memref<4x50x32xf32, #tpu.memory_space<hbm>>)
          %dma_wait3A_1525 = arith.constant 1 : i32
          %dma_wait3A_1526 = arith.constant 2 : i32
          %dma_wait3A_1527 = arith.constant 0 : i32
          %dma_wait3A_1528 = arith.constant 0 : i32
          %dma_wait3A_1529 = arith.constant 0 : i32
          %dma_wait3A_1530 = tpu.memref_slice %arg16[%dma_wait3A_1525, %dma_wait3A_1526, %dma_wait3A_1527, %dma_wait3A_1528, %dma_wait3A_1529] : memref<2x6x4x50x32xf32, #tpu.memory_space<vmem>> -> memref<1x1x4x50x32xf32, #tpu.memory_space<vmem>>
          %dma_wait3A_1531 = tpu.memref_squeeze %dma_wait3A_1530 : memref<1x1x4x50x32xf32, #tpu.memory_space<vmem>> -> memref<4x50x32xf32, #tpu.memory_space<vmem>>
          %dma_wait3A_1532 = arith.constant 0 : i32
          %dma_wait3A_1533 = arith.constant 0 : i32
          %dma_wait3A_1534 = arith.constant 0 : i32
          %dma_wait3A_1535 = tpu.memref_slice %arg14[%dma_wait3A_1532, %dma_wait3A_1533, %dma_wait3A_1534] : memref<4096x50x192xf32, #tpu.memory_space<hbm>> -> memref<4x50x32xf32, #tpu.memory_space<hbm>>
          %dma_wait3A_1536 = arith.constant 0 : i32
          %dma_wait3A_1537 = arith.constant 0 : i32
          %dma_wait3A_1538 = arith.constant 0 : i32
          %dma_wait3A_1539 = tpu.memref_slice %arg14[%dma_wait3A_1536, %dma_wait3A_1537, %dma_wait3A_1538] : memref<4096x50x192xf32, #tpu.memory_space<hbm>> -> memref<4x50x32xf32, #tpu.memory_space<hbm>>
          %dma_wait3A_1540 = arith.constant 0 : i32
          %dma_wait3A_1541 = arith.constant 0 : i32
          %dma_wait3A_1542 = arith.constant 0 : i32
          %dma_wait3A_1543 = tpu.memref_slice %arg16[%dma_wait3A_1525, %dma_wait3A_1526, %dma_wait3A_1540, %dma_wait3A_1541, %dma_wait3A_1542] : memref<2x6x4x50x32xf32, #tpu.memory_space<vmem>> -> memref<1x1x4x50x32xf32, #tpu.memory_space<vmem>>
          %dma_wait3A_1544 = tpu.memref_squeeze %dma_wait3A_1543 : memref<1x1x4x50x32xf32, #tpu.memory_space<vmem>> -> memref<4x50x32xf32, #tpu.memory_space<vmem>>
          tpu.wait_dma2 semaphore(%arg20 : memref<!tpu.dma_semaphore, #tpu.memory_space<semaphore_mem>>) src(%dma_wait3A_1544 : memref<4x50x32xf32, #tpu.memory_space<vmem>>) dst(%dma_wait3A_1539 : memref<4x50x32xf32, #tpu.memory_space<hbm>>)
          %dma_wait3A_1545 = arith.constant 1 : i32
          %dma_wait3A_1546 = arith.constant 3 : i32
          %dma_wait3A_1547 = arith.constant 0 : i32
          %dma_wait3A_1548 = arith.constant 0 : i32
          %dma_wait3A_1549 = arith.constant 0 : i32
          %dma_wait3A_1550 = tpu.memref_slice %arg16[%dma_wait3A_1545, %dma_wait3A_1546, %dma_wait3A_1547, %dma_wait3A_1548, %dma_wait3A_1549] : memref<2x6x4x50x32xf32, #tpu.memory_space<vmem>> -> memref<1x1x4x50x32xf32, #tpu.memory_space<vmem>>
          %dma_wait3A_1551 = tpu.memref_squeeze %dma_wait3A_1550 : memref<1x1x4x50x32xf32, #tpu.memory_space<vmem>> -> memref<4x50x32xf32, #tpu.memory_space<vmem>>
          %dma_wait3A_1552 = arith.constant 0 : i32
          %dma_wait3A_1553 = arith.constant 0 : i32
          %dma_wait3A_1554 = arith.constant 0 : i32
          %dma_wait3A_1555 = tpu.memref_slice %arg14[%dma_wait3A_1552, %dma_wait3A_1553, %dma_wait3A_1554] : memref<4096x50x192xf32, #tpu.memory_space<hbm>> -> memref<4x50x32xf32, #tpu.memory_space<hbm>>
          %dma_wait3A_1556 = arith.constant 0 : i32
          %dma_wait3A_1557 = arith.constant 0 : i32
          %dma_wait3A_1558 = arith.constant 0 : i32
          %dma_wait3A_1559 = tpu.memref_slice %arg14[%dma_wait3A_1556, %dma_wait3A_1557, %dma_wait3A_1558] : memref<4096x50x192xf32, #tpu.memory_space<hbm>> -> memref<4x50x32xf32, #tpu.memory_space<hbm>>
          %dma_wait3A_1560 = arith.constant 0 : i32
          %dma_wait3A_1561 = arith.constant 0 : i32
          %dma_wait3A_1562 = arith.constant 0 : i32
          %dma_wait3A_1563 = tpu.memref_slice %arg16[%dma_wait3A_1545, %dma_wait3A_1546, %dma_wait3A_1560, %dma_wait3A_1561, %dma_wait3A_1562] : memref<2x6x4x50x32xf32, #tpu.memory_space<vmem>> -> memref<1x1x4x50x32xf32, #tpu.memory_space<vmem>>
          %dma_wait3A_1564 = tpu.memref_squeeze %dma_wait3A_1563 : memref<1x1x4x50x32xf32, #tpu.memory_space<vmem>> -> memref<4x50x32xf32, #tpu.memory_space<vmem>>
          tpu.wait_dma2 semaphore(%arg20 : memref<!tpu.dma_semaphore, #tpu.memory_space<semaphore_mem>>) src(%dma_wait3A_1564 : memref<4x50x32xf32, #tpu.memory_space<vmem>>) dst(%dma_wait3A_1559 : memref<4x50x32xf32, #tpu.memory_space<hbm>>)
          %dma_wait3A_1565 = arith.constant 1 : i32
          %dma_wait3A_1566 = arith.constant 4 : i32
          %dma_wait3A_1567 = arith.constant 0 : i32
          %dma_wait3A_1568 = arith.constant 0 : i32
          %dma_wait3A_1569 = arith.constant 0 : i32
          %dma_wait3A_1570 = tpu.memref_slice %arg16[%dma_wait3A_1565, %dma_wait3A_1566, %dma_wait3A_1567, %dma_wait3A_1568, %dma_wait3A_1569] : memref<2x6x4x50x32xf32, #tpu.memory_space<vmem>> -> memref<1x1x4x50x32xf32, #tpu.memory_space<vmem>>
          %dma_wait3A_1571 = tpu.memref_squeeze %dma_wait3A_1570 : memref<1x1x4x50x32xf32, #tpu.memory_space<vmem>> -> memref<4x50x32xf32, #tpu.memory_space<vmem>>
          %dma_wait3A_1572 = arith.constant 0 : i32
          %dma_wait3A_1573 = arith.constant 0 : i32
          %dma_wait3A_1574 = arith.constant 0 : i32
          %dma_wait3A_1575 = tpu.memref_slice %arg14[%dma_wait3A_1572, %dma_wait3A_1573, %dma_wait3A_1574] : memref<4096x50x192xf32, #tpu.memory_space<hbm>> -> memref<4x50x32xf32, #tpu.memory_space<hbm>>
          %dma_wait3A_1576 = arith.constant 0 : i32
          %dma_wait3A_1577 = arith.constant 0 : i32
          %dma_wait3A_1578 = arith.constant 0 : i32
          %dma_wait3A_1579 = tpu.memref_slice %arg14[%dma_wait3A_1576, %dma_wait3A_1577, %dma_wait3A_1578] : memref<4096x50x192xf32, #tpu.memory_space<hbm>> -> memref<4x50x32xf32, #tpu.memory_space<hbm>>
          %dma_wait3A_1580 = arith.constant 0 : i32
          %dma_wait3A_1581 = arith.constant 0 : i32
          %dma_wait3A_1582 = arith.constant 0 : i32
          %dma_wait3A_1583 = tpu.memref_slice %arg16[%dma_wait3A_1565, %dma_wait3A_1566, %dma_wait3A_1580, %dma_wait3A_1581, %dma_wait3A_1582] : memref<2x6x4x50x32xf32, #tpu.memory_space<vmem>> -> memref<1x1x4x50x32xf32, #tpu.memory_space<vmem>>
          %dma_wait3A_1584 = tpu.memref_squeeze %dma_wait3A_1583 : memref<1x1x4x50x32xf32, #tpu.memory_space<vmem>> -> memref<4x50x32xf32, #tpu.memory_space<vmem>>
          tpu.wait_dma2 semaphore(%arg20 : memref<!tpu.dma_semaphore, #tpu.memory_space<semaphore_mem>>) src(%dma_wait3A_1584 : memref<4x50x32xf32, #tpu.memory_space<vmem>>) dst(%dma_wait3A_1579 : memref<4x50x32xf32, #tpu.memory_space<hbm>>)
          %dma_wait3A_1585 = arith.constant 1 : i32
          %dma_wait3A_1586 = arith.constant 5 : i32
          %dma_wait3A_1587 = arith.constant 0 : i32
          %dma_wait3A_1588 = arith.constant 0 : i32
          %dma_wait3A_1589 = arith.constant 0 : i32
          %dma_wait3A_1590 = tpu.memref_slice %arg16[%dma_wait3A_1585, %dma_wait3A_1586, %dma_wait3A_1587, %dma_wait3A_1588, %dma_wait3A_1589] : memref<2x6x4x50x32xf32, #tpu.memory_space<vmem>> -> memref<1x1x4x50x32xf32, #tpu.memory_space<vmem>>
          %dma_wait3A_1591 = tpu.memref_squeeze %dma_wait3A_1590 : memref<1x1x4x50x32xf32, #tpu.memory_space<vmem>> -> memref<4x50x32xf32, #tpu.memory_space<vmem>>
          %dma_wait3A_1592 = arith.constant 0 : i32
          %dma_wait3A_1593 = arith.constant 0 : i32
          %dma_wait3A_1594 = arith.constant 0 : i32
          %dma_wait3A_1595 = tpu.memref_slice %arg14[%dma_wait3A_1592, %dma_wait3A_1593, %dma_wait3A_1594] : memref<4096x50x192xf32, #tpu.memory_space<hbm>> -> memref<4x50x32xf32, #tpu.memory_space<hbm>>
          %dma_wait3A_1596 = arith.constant 0 : i32
          %dma_wait3A_1597 = arith.constant 0 : i32
          %dma_wait3A_1598 = arith.constant 0 : i32
          %dma_wait3A_1599 = tpu.memref_slice %arg14[%dma_wait3A_1596, %dma_wait3A_1597, %dma_wait3A_1598] : memref<4096x50x192xf32, #tpu.memory_space<hbm>> -> memref<4x50x32xf32, #tpu.memory_space<hbm>>
          %dma_wait3A_1600 = arith.constant 0 : i32
          %dma_wait3A_1601 = arith.constant 0 : i32
          %dma_wait3A_1602 = arith.constant 0 : i32
          %dma_wait3A_1603 = tpu.memref_slice %arg16[%dma_wait3A_1585, %dma_wait3A_1586, %dma_wait3A_1600, %dma_wait3A_1601, %dma_wait3A_1602] : memref<2x6x4x50x32xf32, #tpu.memory_space<vmem>> -> memref<1x1x4x50x32xf32, #tpu.memory_space<vmem>>
          %dma_wait3A_1604 = tpu.memref_squeeze %dma_wait3A_1603 : memref<1x1x4x50x32xf32, #tpu.memory_space<vmem>> -> memref<4x50x32xf32, #tpu.memory_space<vmem>>
          tpu.wait_dma2 semaphore(%arg20 : memref<!tpu.dma_semaphore, #tpu.memory_space<semaphore_mem>>) src(%dma_wait3A_1604 : memref<4x50x32xf32, #tpu.memory_space<vmem>>) dst(%dma_wait3A_1599 : memref<4x50x32xf32, #tpu.memory_space<hbm>>)
        } else {
        }
        %add3A_1097 = arith.constant 1 : i32
        %add3A_1098 = arith.addi %add3A_615, %add3A_1097 : i32
        %mul3A_1099 = arith.constant 4 : i32
        %mul3A_1100 = arith.muli %add3A_1098, %mul3A_1099 : i32
        %add3A_1101 = arith.constant 0 : i32
        %add3A_1102 = arith.addi %mul3A_1100, %add3A_1101 : i32
        %dma_start3A_1103 = arith.constant 0 : i32
        %dma_start3A_1104 = arith.constant 1 : i32
        %dma_start3A_1105 = arith.constant 0 : i32
        %dma_start3A_1106 = arith.constant 0 : i32
        %dma_start3A_1107 = arith.constant 0 : i32
        %dma_start3A_1108 = arith.constant 0 : i32
        %dma_start3A_1109 = tpu.memref_slice %arg16[%dma_start3A_1104, %dma_start3A_1105, %dma_start3A_1106, %dma_start3A_1107, %dma_start3A_1108] : memref<2x6x4x50x32xf32, #tpu.memory_space<vmem>> -> memref<1x1x1x50x32xf32, #tpu.memory_space<vmem>>
        %dma_start3A_1110 = tpu.memref_squeeze %dma_start3A_1109 : memref<1x1x1x50x32xf32, #tpu.memory_space<vmem>> -> memref<50x32xf32, #tpu.memory_space<vmem>>
        %dma_start3A_1111 = arith.constant 0 : i32
        %dma_start3A_1112 = tpu.memref_slice %arg15[%dma_start3A_1103, %add3A_1102, %dma_start3A_1111] : memref<6x128x50xi32, #tpu.memory_space<vmem>> -> memref<1x1x50xi32, #tpu.memory_space<vmem>>
        %dma_start3A_1113 = tpu.memref_squeeze %dma_start3A_1112 : memref<1x1x50xi32, #tpu.memory_space<vmem>> -> memref<50xi32, #tpu.memory_space<vmem>>
        %dma_start3A_1114 = arith.constant 0 : i32
        %dma_start3A_1115 = arith.constant 0 : i32
        %dma_start3A_1116 = tpu.memref_slice %arg2[%dma_start3A_1114, %dma_start3A_1115] : memref<100000x32xf32, #tpu.memory_space<hbm>> -> memref<100000x32xf32, #tpu.memory_space<hbm>>
        tpu.enqueue_indirect_dma source(%dma_start3A_1116 : memref<100000x32xf32, #tpu.memory_space<hbm>>) target(%dma_start3A_1110 : memref<50x32xf32, #tpu.memory_space<vmem>>) offsets(%dma_start3A_1113 : memref<50xi32, #tpu.memory_space<vmem>>) semaphore(%arg18 : memref<!tpu.dma_semaphore, #tpu.memory_space<semaphore_mem>>)
        %add3A_1117 = arith.constant 1 : i32
        %add3A_1118 = arith.addi %mul3A_1100, %add3A_1117 : i32
        %dma_start3A_1119 = arith.constant 0 : i32
        %dma_start3A_1120 = arith.constant 1 : i32
        %dma_start3A_1121 = arith.constant 0 : i32
        %dma_start3A_1122 = arith.constant 1 : i32
        %dma_start3A_1123 = arith.constant 0 : i32
        %dma_start3A_1124 = arith.constant 0 : i32
        %dma_start3A_1125 = tpu.memref_slice %arg16[%dma_start3A_1120, %dma_start3A_1121, %dma_start3A_1122, %dma_start3A_1123, %dma_start3A_1124] : memref<2x6x4x50x32xf32, #tpu.memory_space<vmem>> -> memref<1x1x1x50x32xf32, #tpu.memory_space<vmem>>
        %dma_start3A_1126 = tpu.memref_squeeze %dma_start3A_1125 : memref<1x1x1x50x32xf32, #tpu.memory_space<vmem>> -> memref<50x32xf32, #tpu.memory_space<vmem>>
        %dma_start3A_1127 = arith.constant 0 : i32
        %dma_start3A_1128 = tpu.memref_slice %arg15[%dma_start3A_1119, %add3A_1118, %dma_start3A_1127] : memref<6x128x50xi32, #tpu.memory_space<vmem>> -> memref<1x1x50xi32, #tpu.memory_space<vmem>>
        %dma_start3A_1129 = tpu.memref_squeeze %dma_start3A_1128 : memref<1x1x50xi32, #tpu.memory_space<vmem>> -> memref<50xi32, #tpu.memory_space<vmem>>
        %dma_start3A_1130 = arith.constant 0 : i32
        %dma_start3A_1131 = arith.constant 0 : i32
        %dma_start3A_1132 = tpu.memref_slice %arg2[%dma_start3A_1130, %dma_start3A_1131] : memref<100000x32xf32, #tpu.memory_space<hbm>> -> memref<100000x32xf32, #tpu.memory_space<hbm>>
        tpu.enqueue_indirect_dma source(%dma_start3A_1132 : memref<100000x32xf32, #tpu.memory_space<hbm>>) target(%dma_start3A_1126 : memref<50x32xf32, #tpu.memory_space<vmem>>) offsets(%dma_start3A_1129 : memref<50xi32, #tpu.memory_space<vmem>>) semaphore(%arg18 : memref<!tpu.dma_semaphore, #tpu.memory_space<semaphore_mem>>)
        %add3A_1133 = arith.constant 2 : i32
        %add3A_1134 = arith.addi %mul3A_1100, %add3A_1133 : i32
        %dma_start3A_1135 = arith.constant 0 : i32
        %dma_start3A_1136 = arith.constant 1 : i32
        %dma_start3A_1137 = arith.constant 0 : i32
        %dma_start3A_1138 = arith.constant 2 : i32
        %dma_start3A_1139 = arith.constant 0 : i32
        %dma_start3A_1140 = arith.constant 0 : i32
        %dma_start3A_1141 = tpu.memref_slice %arg16[%dma_start3A_1136, %dma_start3A_1137, %dma_start3A_1138, %dma_start3A_1139, %dma_start3A_1140] : memref<2x6x4x50x32xf32, #tpu.memory_space<vmem>> -> memref<1x1x1x50x32xf32, #tpu.memory_space<vmem>>
        %dma_start3A_1142 = tpu.memref_squeeze %dma_start3A_1141 : memref<1x1x1x50x32xf32, #tpu.memory_space<vmem>> -> memref<50x32xf32, #tpu.memory_space<vmem>>
        %dma_start3A_1143 = arith.constant 0 : i32
        %dma_start3A_1144 = tpu.memref_slice %arg15[%dma_start3A_1135, %add3A_1134, %dma_start3A_1143] : memref<6x128x50xi32, #tpu.memory_space<vmem>> -> memref<1x1x50xi32, #tpu.memory_space<vmem>>
        %dma_start3A_1145 = tpu.memref_squeeze %dma_start3A_1144 : memref<1x1x50xi32, #tpu.memory_space<vmem>> -> memref<50xi32, #tpu.memory_space<vmem>>
        %dma_start3A_1146 = arith.constant 0 : i32
        %dma_start3A_1147 = arith.constant 0 : i32
        %dma_start3A_1148 = tpu.memref_slice %arg2[%dma_start3A_1146, %dma_start3A_1147] : memref<100000x32xf32, #tpu.memory_space<hbm>> -> memref<100000x32xf32, #tpu.memory_space<hbm>>
        tpu.enqueue_indirect_dma source(%dma_start3A_1148 : memref<100000x32xf32, #tpu.memory_space<hbm>>) target(%dma_start3A_1142 : memref<50x32xf32, #tpu.memory_space<vmem>>) offsets(%dma_start3A_1145 : memref<50xi32, #tpu.memory_space<vmem>>) semaphore(%arg18 : memref<!tpu.dma_semaphore, #tpu.memory_space<semaphore_mem>>)
        %add3A_1149 = arith.constant 3 : i32
        %add3A_1150 = arith.addi %mul3A_1100, %add3A_1149 : i32
        %dma_start3A_1151 = arith.constant 0 : i32
        %dma_start3A_1152 = arith.constant 1 : i32
        %dma_start3A_1153 = arith.constant 0 : i32
        %dma_start3A_1154 = arith.constant 3 : i32
        %dma_start3A_1155 = arith.constant 0 : i32
        %dma_start3A_1156 = arith.constant 0 : i32
        %dma_start3A_1157 = tpu.memref_slice %arg16[%dma_start3A_1152, %dma_start3A_1153, %dma_start3A_1154, %dma_start3A_1155, %dma_start3A_1156] : memref<2x6x4x50x32xf32, #tpu.memory_space<vmem>> -> memref<1x1x1x50x32xf32, #tpu.memory_space<vmem>>
        %dma_start3A_1158 = tpu.memref_squeeze %dma_start3A_1157 : memref<1x1x1x50x32xf32, #tpu.memory_space<vmem>> -> memref<50x32xf32, #tpu.memory_space<vmem>>
        %dma_start3A_1159 = arith.constant 0 : i32
        %dma_start3A_1160 = tpu.memref_slice %arg15[%dma_start3A_1151, %add3A_1150, %dma_start3A_1159] : memref<6x128x50xi32, #tpu.memory_space<vmem>> -> memref<1x1x50xi32, #tpu.memory_space<vmem>>
        %dma_start3A_1161 = tpu.memref_squeeze %dma_start3A_1160 : memref<1x1x50xi32, #tpu.memory_space<vmem>> -> memref<50xi32, #tpu.memory_space<vmem>>
        %dma_start3A_1162 = arith.constant 0 : i32
        %dma_start3A_1163 = arith.constant 0 : i32
        %dma_start3A_1164 = tpu.memref_slice %arg2[%dma_start3A_1162, %dma_start3A_1163] : memref<100000x32xf32, #tpu.memory_space<hbm>> -> memref<100000x32xf32, #tpu.memory_space<hbm>>
        tpu.enqueue_indirect_dma source(%dma_start3A_1164 : memref<100000x32xf32, #tpu.memory_space<hbm>>) target(%dma_start3A_1158 : memref<50x32xf32, #tpu.memory_space<vmem>>) offsets(%dma_start3A_1161 : memref<50xi32, #tpu.memory_space<vmem>>) semaphore(%arg18 : memref<!tpu.dma_semaphore, #tpu.memory_space<semaphore_mem>>)
        %add3A_1165 = arith.constant 0 : i32
        %add3A_1166 = arith.addi %mul3A_1100, %add3A_1165 : i32
        %dma_start3A_1167 = arith.constant 1 : i32
        %dma_start3A_1168 = arith.constant 1 : i32
        %dma_start3A_1169 = arith.constant 1 : i32
        %dma_start3A_1170 = arith.constant 0 : i32
        %dma_start3A_1171 = arith.constant 0 : i32
        %dma_start3A_1172 = arith.constant 0 : i32
        %dma_start3A_1173 = tpu.memref_slice %arg16[%dma_start3A_1168, %dma_start3A_1169, %dma_start3A_1170, %dma_start3A_1171, %dma_start3A_1172] : memref<2x6x4x50x32xf32, #tpu.memory_space<vmem>> -> memref<1x1x1x50x32xf32, #tpu.memory_space<vmem>>
        %dma_start3A_1174 = tpu.memref_squeeze %dma_start3A_1173 : memref<1x1x1x50x32xf32, #tpu.memory_space<vmem>> -> memref<50x32xf32, #tpu.memory_space<vmem>>
        %dma_start3A_1175 = arith.constant 0 : i32
        %dma_start3A_1176 = tpu.memref_slice %arg15[%dma_start3A_1167, %add3A_1166, %dma_start3A_1175] : memref<6x128x50xi32, #tpu.memory_space<vmem>> -> memref<1x1x50xi32, #tpu.memory_space<vmem>>
        %dma_start3A_1177 = tpu.memref_squeeze %dma_start3A_1176 : memref<1x1x50xi32, #tpu.memory_space<vmem>> -> memref<50xi32, #tpu.memory_space<vmem>>
        %dma_start3A_1178 = arith.constant 0 : i32
        %dma_start3A_1179 = arith.constant 0 : i32
        %dma_start3A_1180 = tpu.memref_slice %arg3[%dma_start3A_1178, %dma_start3A_1179] : memref<1000000x32xf32, #tpu.memory_space<hbm>> -> memref<1000000x32xf32, #tpu.memory_space<hbm>>
        tpu.enqueue_indirect_dma source(%dma_start3A_1180 : memref<1000000x32xf32, #tpu.memory_space<hbm>>) target(%dma_start3A_1174 : memref<50x32xf32, #tpu.memory_space<vmem>>) offsets(%dma_start3A_1177 : memref<50xi32, #tpu.memory_space<vmem>>) semaphore(%arg18 : memref<!tpu.dma_semaphore, #tpu.memory_space<semaphore_mem>>)
        %add3A_1181 = arith.constant 1 : i32
        %add3A_1182 = arith.addi %mul3A_1100, %add3A_1181 : i32
        %dma_start3A_1183 = arith.constant 1 : i32
        %dma_start3A_1184 = arith.constant 1 : i32
        %dma_start3A_1185 = arith.constant 1 : i32
        %dma_start3A_1186 = arith.constant 1 : i32
        %dma_start3A_1187 = arith.constant 0 : i32
        %dma_start3A_1188 = arith.constant 0 : i32
        %dma_start3A_1189 = tpu.memref_slice %arg16[%dma_start3A_1184, %dma_start3A_1185, %dma_start3A_1186, %dma_start3A_1187, %dma_start3A_1188] : memref<2x6x4x50x32xf32, #tpu.memory_space<vmem>> -> memref<1x1x1x50x32xf32, #tpu.memory_space<vmem>>
        %dma_start3A_1190 = tpu.memref_squeeze %dma_start3A_1189 : memref<1x1x1x50x32xf32, #tpu.memory_space<vmem>> -> memref<50x32xf32, #tpu.memory_space<vmem>>
        %dma_start3A_1191 = arith.constant 0 : i32
        %dma_start3A_1192 = tpu.memref_slice %arg15[%dma_start3A_1183, %add3A_1182, %dma_start3A_1191] : memref<6x128x50xi32, #tpu.memory_space<vmem>> -> memref<1x1x50xi32, #tpu.memory_space<vmem>>
        %dma_start3A_1193 = tpu.memref_squeeze %dma_start3A_1192 : memref<1x1x50xi32, #tpu.memory_space<vmem>> -> memref<50xi32, #tpu.memory_space<vmem>>
        %dma_start3A_1194 = arith.constant 0 : i32
        %dma_start3A_1195 = arith.constant 0 : i32
        %dma_start3A_1196 = tpu.memref_slice %arg3[%dma_start3A_1194, %dma_start3A_1195] : memref<1000000x32xf32, #tpu.memory_space<hbm>> -> memref<1000000x32xf32, #tpu.memory_space<hbm>>
        tpu.enqueue_indirect_dma source(%dma_start3A_1196 : memref<1000000x32xf32, #tpu.memory_space<hbm>>) target(%dma_start3A_1190 : memref<50x32xf32, #tpu.memory_space<vmem>>) offsets(%dma_start3A_1193 : memref<50xi32, #tpu.memory_space<vmem>>) semaphore(%arg18 : memref<!tpu.dma_semaphore, #tpu.memory_space<semaphore_mem>>)
        %add3A_1197 = arith.constant 2 : i32
        %add3A_1198 = arith.addi %mul3A_1100, %add3A_1197 : i32
        %dma_start3A_1199 = arith.constant 1 : i32
        %dma_start3A_1200 = arith.constant 1 : i32
        %dma_start3A_1201 = arith.constant 1 : i32
        %dma_start3A_1202 = arith.constant 2 : i32
        %dma_start3A_1203 = arith.constant 0 : i32
        %dma_start3A_1204 = arith.constant 0 : i32
        %dma_start3A_1205 = tpu.memref_slice %arg16[%dma_start3A_1200, %dma_start3A_1201, %dma_start3A_1202, %dma_start3A_1203, %dma_start3A_1204] : memref<2x6x4x50x32xf32, #tpu.memory_space<vmem>> -> memref<1x1x1x50x32xf32, #tpu.memory_space<vmem>>
        %dma_start3A_1206 = tpu.memref_squeeze %dma_start3A_1205 : memref<1x1x1x50x32xf32, #tpu.memory_space<vmem>> -> memref<50x32xf32, #tpu.memory_space<vmem>>
        %dma_start3A_1207 = arith.constant 0 : i32
        %dma_start3A_1208 = tpu.memref_slice %arg15[%dma_start3A_1199, %add3A_1198, %dma_start3A_1207] : memref<6x128x50xi32, #tpu.memory_space<vmem>> -> memref<1x1x50xi32, #tpu.memory_space<vmem>>
        %dma_start3A_1209 = tpu.memref_squeeze %dma_start3A_1208 : memref<1x1x50xi32, #tpu.memory_space<vmem>> -> memref<50xi32, #tpu.memory_space<vmem>>
        %dma_start3A_1210 = arith.constant 0 : i32
        %dma_start3A_1211 = arith.constant 0 : i32
        %dma_start3A_1212 = tpu.memref_slice %arg3[%dma_start3A_1210, %dma_start3A_1211] : memref<1000000x32xf32, #tpu.memory_space<hbm>> -> memref<1000000x32xf32, #tpu.memory_space<hbm>>
        tpu.enqueue_indirect_dma source(%dma_start3A_1212 : memref<1000000x32xf32, #tpu.memory_space<hbm>>) target(%dma_start3A_1206 : memref<50x32xf32, #tpu.memory_space<vmem>>) offsets(%dma_start3A_1209 : memref<50xi32, #tpu.memory_space<vmem>>) semaphore(%arg18 : memref<!tpu.dma_semaphore, #tpu.memory_space<semaphore_mem>>)
        %add3A_1213 = arith.constant 3 : i32
        %add3A_1214 = arith.addi %mul3A_1100, %add3A_1213 : i32
        %dma_start3A_1215 = arith.constant 1 : i32
        %dma_start3A_1216 = arith.constant 1 : i32
        %dma_start3A_1217 = arith.constant 1 : i32
        %dma_start3A_1218 = arith.constant 3 : i32
        %dma_start3A_1219 = arith.constant 0 : i32
        %dma_start3A_1220 = arith.constant 0 : i32
        %dma_start3A_1221 = tpu.memref_slice %arg16[%dma_start3A_1216, %dma_start3A_1217, %dma_start3A_1218, %dma_start3A_1219, %dma_start3A_1220] : memref<2x6x4x50x32xf32, #tpu.memory_space<vmem>> -> memref<1x1x1x50x32xf32, #tpu.memory_space<vmem>>
        %dma_start3A_1222 = tpu.memref_squeeze %dma_start3A_1221 : memref<1x1x1x50x32xf32, #tpu.memory_space<vmem>> -> memref<50x32xf32, #tpu.memory_space<vmem>>
        %dma_start3A_1223 = arith.constant 0 : i32
        %dma_start3A_1224 = tpu.memref_slice %arg15[%dma_start3A_1215, %add3A_1214, %dma_start3A_1223] : memref<6x128x50xi32, #tpu.memory_space<vmem>> -> memref<1x1x50xi32, #tpu.memory_space<vmem>>
        %dma_start3A_1225 = tpu.memref_squeeze %dma_start3A_1224 : memref<1x1x50xi32, #tpu.memory_space<vmem>> -> memref<50xi32, #tpu.memory_space<vmem>>
        %dma_start3A_1226 = arith.constant 0 : i32
        %dma_start3A_1227 = arith.constant 0 : i32
        %dma_start3A_1228 = tpu.memref_slice %arg3[%dma_start3A_1226, %dma_start3A_1227] : memref<1000000x32xf32, #tpu.memory_space<hbm>> -> memref<1000000x32xf32, #tpu.memory_space<hbm>>
        tpu.enqueue_indirect_dma source(%dma_start3A_1228 : memref<1000000x32xf32, #tpu.memory_space<hbm>>) target(%dma_start3A_1222 : memref<50x32xf32, #tpu.memory_space<vmem>>) offsets(%dma_start3A_1225 : memref<50xi32, #tpu.memory_space<vmem>>) semaphore(%arg18 : memref<!tpu.dma_semaphore, #tpu.memory_space<semaphore_mem>>)
        %add3A_1229 = arith.constant 0 : i32
        %add3A_1230 = arith.addi %mul3A_1100, %add3A_1229 : i32
        %dma_start3A_1231 = arith.constant 2 : i32
        %dma_start3A_1232 = arith.constant 1 : i32
        %dma_start3A_1233 = arith.constant 2 : i32
        %dma_start3A_1234 = arith.constant 0 : i32
        %dma_start3A_1235 = arith.constant 0 : i32
        %dma_start3A_1236 = arith.constant 0 : i32
        %dma_start3A_1237 = tpu.memref_slice %arg16[%dma_start3A_1232, %dma_start3A_1233, %dma_start3A_1234, %dma_start3A_1235, %dma_start3A_1236] : memref<2x6x4x50x32xf32, #tpu.memory_space<vmem>> -> memref<1x1x1x50x32xf32, #tpu.memory_space<vmem>>
        %dma_start3A_1238 = tpu.memref_squeeze %dma_start3A_1237 : memref<1x1x1x50x32xf32, #tpu.memory_space<vmem>> -> memref<50x32xf32, #tpu.memory_space<vmem>>
        %dma_start3A_1239 = arith.constant 0 : i32
        %dma_start3A_1240 = tpu.memref_slice %arg15[%dma_start3A_1231, %add3A_1230, %dma_start3A_1239] : memref<6x128x50xi32, #tpu.memory_space<vmem>> -> memref<1x1x50xi32, #tpu.memory_space<vmem>>
        %dma_start3A_1241 = tpu.memref_squeeze %dma_start3A_1240 : memref<1x1x50xi32, #tpu.memory_space<vmem>> -> memref<50xi32, #tpu.memory_space<vmem>>
        %dma_start3A_1242 = arith.constant 0 : i32
        %dma_start3A_1243 = arith.constant 0 : i32
        %dma_start3A_1244 = tpu.memref_slice %arg4[%dma_start3A_1242, %dma_start3A_1243] : memref<16000x32xf32, #tpu.memory_space<hbm>> -> memref<16000x32xf32, #tpu.memory_space<hbm>>
        tpu.enqueue_indirect_dma source(%dma_start3A_1244 : memref<16000x32xf32, #tpu.memory_space<hbm>>) target(%dma_start3A_1238 : memref<50x32xf32, #tpu.memory_space<vmem>>) offsets(%dma_start3A_1241 : memref<50xi32, #tpu.memory_space<vmem>>) semaphore(%arg18 : memref<!tpu.dma_semaphore, #tpu.memory_space<semaphore_mem>>)
        %add3A_1245 = arith.constant 1 : i32
        %add3A_1246 = arith.addi %mul3A_1100, %add3A_1245 : i32
        %dma_start3A_1247 = arith.constant 2 : i32
        %dma_start3A_1248 = arith.constant 1 : i32
        %dma_start3A_1249 = arith.constant 2 : i32
        %dma_start3A_1250 = arith.constant 1 : i32
        %dma_start3A_1251 = arith.constant 0 : i32
        %dma_start3A_1252 = arith.constant 0 : i32
        %dma_start3A_1253 = tpu.memref_slice %arg16[%dma_start3A_1248, %dma_start3A_1249, %dma_start3A_1250, %dma_start3A_1251, %dma_start3A_1252] : memref<2x6x4x50x32xf32, #tpu.memory_space<vmem>> -> memref<1x1x1x50x32xf32, #tpu.memory_space<vmem>>
        %dma_start3A_1254 = tpu.memref_squeeze %dma_start3A_1253 : memref<1x1x1x50x32xf32, #tpu.memory_space<vmem>> -> memref<50x32xf32, #tpu.memory_space<vmem>>
        %dma_start3A_1255 = arith.constant 0 : i32
        %dma_start3A_1256 = tpu.memref_slice %arg15[%dma_start3A_1247, %add3A_1246, %dma_start3A_1255] : memref<6x128x50xi32, #tpu.memory_space<vmem>> -> memref<1x1x50xi32, #tpu.memory_space<vmem>>
        %dma_start3A_1257 = tpu.memref_squeeze %dma_start3A_1256 : memref<1x1x50xi32, #tpu.memory_space<vmem>> -> memref<50xi32, #tpu.memory_space<vmem>>
        %dma_start3A_1258 = arith.constant 0 : i32
        %dma_start3A_1259 = arith.constant 0 : i32
        %dma_start3A_1260 = tpu.memref_slice %arg4[%dma_start3A_1258, %dma_start3A_1259] : memref<16000x32xf32, #tpu.memory_space<hbm>> -> memref<16000x32xf32, #tpu.memory_space<hbm>>
        tpu.enqueue_indirect_dma source(%dma_start3A_1260 : memref<16000x32xf32, #tpu.memory_space<hbm>>) target(%dma_start3A_1254 : memref<50x32xf32, #tpu.memory_space<vmem>>) offsets(%dma_start3A_1257 : memref<50xi32, #tpu.memory_space<vmem>>) semaphore(%arg18 : memref<!tpu.dma_semaphore, #tpu.memory_space<semaphore_mem>>)
        %add3A_1261 = arith.constant 2 : i32
        %add3A_1262 = arith.addi %mul3A_1100, %add3A_1261 : i32
        %dma_start3A_1263 = arith.constant 2 : i32
        %dma_start3A_1264 = arith.constant 1 : i32
        %dma_start3A_1265 = arith.constant 2 : i32
        %dma_start3A_1266 = arith.constant 2 : i32
        %dma_start3A_1267 = arith.constant 0 : i32
        %dma_start3A_1268 = arith.constant 0 : i32
        %dma_start3A_1269 = tpu.memref_slice %arg16[%dma_start3A_1264, %dma_start3A_1265, %dma_start3A_1266, %dma_start3A_1267, %dma_start3A_1268] : memref<2x6x4x50x32xf32, #tpu.memory_space<vmem>> -> memref<1x1x1x50x32xf32, #tpu.memory_space<vmem>>
        %dma_start3A_1270 = tpu.memref_squeeze %dma_start3A_1269 : memref<1x1x1x50x32xf32, #tpu.memory_space<vmem>> -> memref<50x32xf32, #tpu.memory_space<vmem>>
        %dma_start3A_1271 = arith.constant 0 : i32
        %dma_start3A_1272 = tpu.memref_slice %arg15[%dma_start3A_1263, %add3A_1262, %dma_start3A_1271] : memref<6x128x50xi32, #tpu.memory_space<vmem>> -> memref<1x1x50xi32, #tpu.memory_space<vmem>>
        %dma_start3A_1273 = tpu.memref_squeeze %dma_start3A_1272 : memref<1x1x50xi32, #tpu.memory_space<vmem>> -> memref<50xi32, #tpu.memory_space<vmem>>
        %dma_start3A_1274 = arith.constant 0 : i32
        %dma_start3A_1275 = arith.constant 0 : i32
        %dma_start3A_1276 = tpu.memref_slice %arg4[%dma_start3A_1274, %dma_start3A_1275] : memref<16000x32xf32, #tpu.memory_space<hbm>> -> memref<16000x32xf32, #tpu.memory_space<hbm>>
        tpu.enqueue_indirect_dma source(%dma_start3A_1276 : memref<16000x32xf32, #tpu.memory_space<hbm>>) target(%dma_start3A_1270 : memref<50x32xf32, #tpu.memory_space<vmem>>) offsets(%dma_start3A_1273 : memref<50xi32, #tpu.memory_space<vmem>>) semaphore(%arg18 : memref<!tpu.dma_semaphore, #tpu.memory_space<semaphore_mem>>)
        %add3A_1277 = arith.constant 3 : i32
        %add3A_1278 = arith.addi %mul3A_1100, %add3A_1277 : i32
        %dma_start3A_1279 = arith.constant 2 : i32
        %dma_start3A_1280 = arith.constant 1 : i32
        %dma_start3A_1281 = arith.constant 2 : i32
        %dma_start3A_1282 = arith.constant 3 : i32
        %dma_start3A_1283 = arith.constant 0 : i32
        %dma_start3A_1284 = arith.constant 0 : i32
        %dma_start3A_1285 = tpu.memref_slice %arg16[%dma_start3A_1280, %dma_start3A_1281, %dma_start3A_1282, %dma_start3A_1283, %dma_start3A_1284] : memref<2x6x4x50x32xf32, #tpu.memory_space<vmem>> -> memref<1x1x1x50x32xf32, #tpu.memory_space<vmem>>
        %dma_start3A_1286 = tpu.memref_squeeze %dma_start3A_1285 : memref<1x1x1x50x32xf32, #tpu.memory_space<vmem>> -> memref<50x32xf32, #tpu.memory_space<vmem>>
        %dma_start3A_1287 = arith.constant 0 : i32
        %dma_start3A_1288 = tpu.memref_slice %arg15[%dma_start3A_1279, %add3A_1278, %dma_start3A_1287] : memref<6x128x50xi32, #tpu.memory_space<vmem>> -> memref<1x1x50xi32, #tpu.memory_space<vmem>>
        %dma_start3A_1289 = tpu.memref_squeeze %dma_start3A_1288 : memref<1x1x50xi32, #tpu.memory_space<vmem>> -> memref<50xi32, #tpu.memory_space<vmem>>
        %dma_start3A_1290 = arith.constant 0 : i32
        %dma_start3A_1291 = arith.constant 0 : i32
        %dma_start3A_1292 = tpu.memref_slice %arg4[%dma_start3A_1290, %dma_start3A_1291] : memref<16000x32xf32, #tpu.memory_space<hbm>> -> memref<16000x32xf32, #tpu.memory_space<hbm>>
        tpu.enqueue_indirect_dma source(%dma_start3A_1292 : memref<16000x32xf32, #tpu.memory_space<hbm>>) target(%dma_start3A_1286 : memref<50x32xf32, #tpu.memory_space<vmem>>) offsets(%dma_start3A_1289 : memref<50xi32, #tpu.memory_space<vmem>>) semaphore(%arg18 : memref<!tpu.dma_semaphore, #tpu.memory_space<semaphore_mem>>)
        %add3A_1293 = arith.constant 0 : i32
        %add3A_1294 = arith.addi %mul3A_1100, %add3A_1293 : i32
        %dma_start3A_1295 = arith.constant 3 : i32
        %dma_start3A_1296 = arith.constant 1 : i32
        %dma_start3A_1297 = arith.constant 3 : i32
        %dma_start3A_1298 = arith.constant 0 : i32
        %dma_start3A_1299 = arith.constant 0 : i32
        %dma_start3A_1300 = arith.constant 0 : i32
        %dma_start3A_1301 = tpu.memref_slice %arg16[%dma_start3A_1296, %dma_start3A_1297, %dma_start3A_1298, %dma_start3A_1299, %dma_start3A_1300] : memref<2x6x4x50x32xf32, #tpu.memory_space<vmem>> -> memref<1x1x1x50x32xf32, #tpu.memory_space<vmem>>
        %dma_start3A_1302 = tpu.memref_squeeze %dma_start3A_1301 : memref<1x1x1x50x32xf32, #tpu.memory_space<vmem>> -> memref<50x32xf32, #tpu.memory_space<vmem>>
        %dma_start3A_1303 = arith.constant 0 : i32
        %dma_start3A_1304 = tpu.memref_slice %arg15[%dma_start3A_1295, %add3A_1294, %dma_start3A_1303] : memref<6x128x50xi32, #tpu.memory_space<vmem>> -> memref<1x1x50xi32, #tpu.memory_space<vmem>>
        %dma_start3A_1305 = tpu.memref_squeeze %dma_start3A_1304 : memref<1x1x50xi32, #tpu.memory_space<vmem>> -> memref<50xi32, #tpu.memory_space<vmem>>
        %dma_start3A_1306 = arith.constant 0 : i32
        %dma_start3A_1307 = arith.constant 0 : i32
        %dma_start3A_1308 = tpu.memref_slice %arg5[%dma_start3A_1306, %dma_start3A_1307] : memref<12288x32xf32, #tpu.memory_space<hbm>> -> memref<12288x32xf32, #tpu.memory_space<hbm>>
        tpu.enqueue_indirect_dma source(%dma_start3A_1308 : memref<12288x32xf32, #tpu.memory_space<hbm>>) target(%dma_start3A_1302 : memref<50x32xf32, #tpu.memory_space<vmem>>) offsets(%dma_start3A_1305 : memref<50xi32, #tpu.memory_space<vmem>>) semaphore(%arg18 : memref<!tpu.dma_semaphore, #tpu.memory_space<semaphore_mem>>)
        %add3A_1309 = arith.constant 1 : i32
        %add3A_1310 = arith.addi %mul3A_1100, %add3A_1309 : i32
        %dma_start3A_1311 = arith.constant 3 : i32
        %dma_start3A_1312 = arith.constant 1 : i32
        %dma_start3A_1313 = arith.constant 3 : i32
        %dma_start3A_1314 = arith.constant 1 : i32
        %dma_start3A_1315 = arith.constant 0 : i32
        %dma_start3A_1316 = arith.constant 0 : i32
        %dma_start3A_1317 = tpu.memref_slice %arg16[%dma_start3A_1312, %dma_start3A_1313, %dma_start3A_1314, %dma_start3A_1315, %dma_start3A_1316] : memref<2x6x4x50x32xf32, #tpu.memory_space<vmem>> -> memref<1x1x1x50x32xf32, #tpu.memory_space<vmem>>
        %dma_start3A_1318 = tpu.memref_squeeze %dma_start3A_1317 : memref<1x1x1x50x32xf32, #tpu.memory_space<vmem>> -> memref<50x32xf32, #tpu.memory_space<vmem>>
        %dma_start3A_1319 = arith.constant 0 : i32
        %dma_start3A_1320 = tpu.memref_slice %arg15[%dma_start3A_1311, %add3A_1310, %dma_start3A_1319] : memref<6x128x50xi32, #tpu.memory_space<vmem>> -> memref<1x1x50xi32, #tpu.memory_space<vmem>>
        %dma_start3A_1321 = tpu.memref_squeeze %dma_start3A_1320 : memref<1x1x50xi32, #tpu.memory_space<vmem>> -> memref<50xi32, #tpu.memory_space<vmem>>
        %dma_start3A_1322 = arith.constant 0 : i32
        %dma_start3A_1323 = arith.constant 0 : i32
        %dma_start3A_1324 = tpu.memref_slice %arg5[%dma_start3A_1322, %dma_start3A_1323] : memref<12288x32xf32, #tpu.memory_space<hbm>> -> memref<12288x32xf32, #tpu.memory_space<hbm>>
        tpu.enqueue_indirect_dma source(%dma_start3A_1324 : memref<12288x32xf32, #tpu.memory_space<hbm>>) target(%dma_start3A_1318 : memref<50x32xf32, #tpu.memory_space<vmem>>) offsets(%dma_start3A_1321 : memref<50xi32, #tpu.memory_space<vmem>>) semaphore(%arg18 : memref<!tpu.dma_semaphore, #tpu.memory_space<semaphore_mem>>)
        %add3A_1325 = arith.constant 2 : i32
        %add3A_1326 = arith.addi %mul3A_1100, %add3A_1325 : i32
        %dma_start3A_1327 = arith.constant 3 : i32
        %dma_start3A_1328 = arith.constant 1 : i32
        %dma_start3A_1329 = arith.constant 3 : i32
        %dma_start3A_1330 = arith.constant 2 : i32
        %dma_start3A_1331 = arith.constant 0 : i32
        %dma_start3A_1332 = arith.constant 0 : i32
        %dma_start3A_1333 = tpu.memref_slice %arg16[%dma_start3A_1328, %dma_start3A_1329, %dma_start3A_1330, %dma_start3A_1331, %dma_start3A_1332] : memref<2x6x4x50x32xf32, #tpu.memory_space<vmem>> -> memref<1x1x1x50x32xf32, #tpu.memory_space<vmem>>
        %dma_start3A_1334 = tpu.memref_squeeze %dma_start3A_1333 : memref<1x1x1x50x32xf32, #tpu.memory_space<vmem>> -> memref<50x32xf32, #tpu.memory_space<vmem>>
        %dma_start3A_1335 = arith.constant 0 : i32
        %dma_start3A_1336 = tpu.memref_slice %arg15[%dma_start3A_1327, %add3A_1326, %dma_start3A_1335] : memref<6x128x50xi32, #tpu.memory_space<vmem>> -> memref<1x1x50xi32, #tpu.memory_space<vmem>>
        %dma_start3A_1337 = tpu.memref_squeeze %dma_start3A_1336 : memref<1x1x50xi32, #tpu.memory_space<vmem>> -> memref<50xi32, #tpu.memory_space<vmem>>
        %dma_start3A_1338 = arith.constant 0 : i32
        %dma_start3A_1339 = arith.constant 0 : i32
        %dma_start3A_1340 = tpu.memref_slice %arg5[%dma_start3A_1338, %dma_start3A_1339] : memref<12288x32xf32, #tpu.memory_space<hbm>> -> memref<12288x32xf32, #tpu.memory_space<hbm>>
        tpu.enqueue_indirect_dma source(%dma_start3A_1340 : memref<12288x32xf32, #tpu.memory_space<hbm>>) target(%dma_start3A_1334 : memref<50x32xf32, #tpu.memory_space<vmem>>) offsets(%dma_start3A_1337 : memref<50xi32, #tpu.memory_space<vmem>>) semaphore(%arg18 : memref<!tpu.dma_semaphore, #tpu.memory_space<semaphore_mem>>)
        %add3A_1341 = arith.constant 3 : i32
        %add3A_1342 = arith.addi %mul3A_1100, %add3A_1341 : i32
        %dma_start3A_1343 = arith.constant 3 : i32
        %dma_start3A_1344 = arith.constant 1 : i32
        %dma_start3A_1345 = arith.constant 3 : i32
        %dma_start3A_1346 = arith.constant 3 : i32
        %dma_start3A_1347 = arith.constant 0 : i32
        %dma_start3A_1348 = arith.constant 0 : i32
        %dma_start3A_1349 = tpu.memref_slice %arg16[%dma_start3A_1344, %dma_start3A_1345, %dma_start3A_1346, %dma_start3A_1347, %dma_start3A_1348] : memref<2x6x4x50x32xf32, #tpu.memory_space<vmem>> -> memref<1x1x1x50x32xf32, #tpu.memory_space<vmem>>
        %dma_start3A_1350 = tpu.memref_squeeze %dma_start3A_1349 : memref<1x1x1x50x32xf32, #tpu.memory_space<vmem>> -> memref<50x32xf32, #tpu.memory_space<vmem>>
        %dma_start3A_1351 = arith.constant 0 : i32
        %dma_start3A_1352 = tpu.memref_slice %arg15[%dma_start3A_1343, %add3A_1342, %dma_start3A_1351] : memref<6x128x50xi32, #tpu.memory_space<vmem>> -> memref<1x1x50xi32, #tpu.memory_space<vmem>>
        %dma_start3A_1353 = tpu.memref_squeeze %dma_start3A_1352 : memref<1x1x50xi32, #tpu.memory_space<vmem>> -> memref<50xi32, #tpu.memory_space<vmem>>
        %dma_start3A_1354 = arith.constant 0 : i32
        %dma_start3A_1355 = arith.constant 0 : i32
        %dma_start3A_1356 = tpu.memref_slice %arg5[%dma_start3A_1354, %dma_start3A_1355] : memref<12288x32xf32, #tpu.memory_space<hbm>> -> memref<12288x32xf32, #tpu.memory_space<hbm>>
        tpu.enqueue_indirect_dma source(%dma_start3A_1356 : memref<12288x32xf32, #tpu.memory_space<hbm>>) target(%dma_start3A_1350 : memref<50x32xf32, #tpu.memory_space<vmem>>) offsets(%dma_start3A_1353 : memref<50xi32, #tpu.memory_space<vmem>>) semaphore(%arg18 : memref<!tpu.dma_semaphore, #tpu.memory_space<semaphore_mem>>)
        %add3A_1357 = arith.constant 0 : i32
        %add3A_1358 = arith.addi %mul3A_1100, %add3A_1357 : i32
        %dma_start3A_1359 = arith.constant 4 : i32
        %dma_start3A_1360 = arith.constant 1 : i32
        %dma_start3A_1361 = arith.constant 4 : i32
        %dma_start3A_1362 = arith.constant 0 : i32
        %dma_start3A_1363 = arith.constant 0 : i32
        %dma_start3A_1364 = arith.constant 0 : i32
        %dma_start3A_1365 = tpu.memref_slice %arg16[%dma_start3A_1360, %dma_start3A_1361, %dma_start3A_1362, %dma_start3A_1363, %dma_start3A_1364] : memref<2x6x4x50x32xf32, #tpu.memory_space<vmem>> -> memref<1x1x1x50x32xf32, #tpu.memory_space<vmem>>
        %dma_start3A_1366 = tpu.memref_squeeze %dma_start3A_1365 : memref<1x1x1x50x32xf32, #tpu.memory_space<vmem>> -> memref<50x32xf32, #tpu.memory_space<vmem>>
        %dma_start3A_1367 = arith.constant 0 : i32
        %dma_start3A_1368 = tpu.memref_slice %arg15[%dma_start3A_1359, %add3A_1358, %dma_start3A_1367] : memref<6x128x50xi32, #tpu.memory_space<vmem>> -> memref<1x1x50xi32, #tpu.memory_space<vmem>>
        %dma_start3A_1369 = tpu.memref_squeeze %dma_start3A_1368 : memref<1x1x50xi32, #tpu.memory_space<vmem>> -> memref<50xi32, #tpu.memory_space<vmem>>
        %dma_start3A_1370 = arith.constant 0 : i32
        %dma_start3A_1371 = arith.constant 0 : i32
        %dma_start3A_1372 = tpu.memref_slice %arg6[%dma_start3A_1370, %dma_start3A_1371] : memref<7168x32xf32, #tpu.memory_space<hbm>> -> memref<7168x32xf32, #tpu.memory_space<hbm>>
        tpu.enqueue_indirect_dma source(%dma_start3A_1372 : memref<7168x32xf32, #tpu.memory_space<hbm>>) target(%dma_start3A_1366 : memref<50x32xf32, #tpu.memory_space<vmem>>) offsets(%dma_start3A_1369 : memref<50xi32, #tpu.memory_space<vmem>>) semaphore(%arg18 : memref<!tpu.dma_semaphore, #tpu.memory_space<semaphore_mem>>)
        %add3A_1373 = arith.constant 1 : i32
        %add3A_1374 = arith.addi %mul3A_1100, %add3A_1373 : i32
        %dma_start3A_1375 = arith.constant 4 : i32
        %dma_start3A_1376 = arith.constant 1 : i32
        %dma_start3A_1377 = arith.constant 4 : i32
        %dma_start3A_1378 = arith.constant 1 : i32
        %dma_start3A_1379 = arith.constant 0 : i32
        %dma_start3A_1380 = arith.constant 0 : i32
        %dma_start3A_1381 = tpu.memref_slice %arg16[%dma_start3A_1376, %dma_start3A_1377, %dma_start3A_1378, %dma_start3A_1379, %dma_start3A_1380] : memref<2x6x4x50x32xf32, #tpu.memory_space<vmem>> -> memref<1x1x1x50x32xf32, #tpu.memory_space<vmem>>
        %dma_start3A_1382 = tpu.memref_squeeze %dma_start3A_1381 : memref<1x1x1x50x32xf32, #tpu.memory_space<vmem>> -> memref<50x32xf32, #tpu.memory_space<vmem>>
        %dma_start3A_1383 = arith.constant 0 : i32
        %dma_start3A_1384 = tpu.memref_slice %arg15[%dma_start3A_1375, %add3A_1374, %dma_start3A_1383] : memref<6x128x50xi32, #tpu.memory_space<vmem>> -> memref<1x1x50xi32, #tpu.memory_space<vmem>>
        %dma_start3A_1385 = tpu.memref_squeeze %dma_start3A_1384 : memref<1x1x50xi32, #tpu.memory_space<vmem>> -> memref<50xi32, #tpu.memory_space<vmem>>
        %dma_start3A_1386 = arith.constant 0 : i32
        %dma_start3A_1387 = arith.constant 0 : i32
        %dma_start3A_1388 = tpu.memref_slice %arg6[%dma_start3A_1386, %dma_start3A_1387] : memref<7168x32xf32, #tpu.memory_space<hbm>> -> memref<7168x32xf32, #tpu.memory_space<hbm>>
        tpu.enqueue_indirect_dma source(%dma_start3A_1388 : memref<7168x32xf32, #tpu.memory_space<hbm>>) target(%dma_start3A_1382 : memref<50x32xf32, #tpu.memory_space<vmem>>) offsets(%dma_start3A_1385 : memref<50xi32, #tpu.memory_space<vmem>>) semaphore(%arg18 : memref<!tpu.dma_semaphore, #tpu.memory_space<semaphore_mem>>)
        %add3A_1389 = arith.constant 2 : i32
        %add3A_1390 = arith.addi %mul3A_1100, %add3A_1389 : i32
        %dma_start3A_1391 = arith.constant 4 : i32
        %dma_start3A_1392 = arith.constant 1 : i32
        %dma_start3A_1393 = arith.constant 4 : i32
        %dma_start3A_1394 = arith.constant 2 : i32
        %dma_start3A_1395 = arith.constant 0 : i32
        %dma_start3A_1396 = arith.constant 0 : i32
        %dma_start3A_1397 = tpu.memref_slice %arg16[%dma_start3A_1392, %dma_start3A_1393, %dma_start3A_1394, %dma_start3A_1395, %dma_start3A_1396] : memref<2x6x4x50x32xf32, #tpu.memory_space<vmem>> -> memref<1x1x1x50x32xf32, #tpu.memory_space<vmem>>
        %dma_start3A_1398 = tpu.memref_squeeze %dma_start3A_1397 : memref<1x1x1x50x32xf32, #tpu.memory_space<vmem>> -> memref<50x32xf32, #tpu.memory_space<vmem>>
        %dma_start3A_1399 = arith.constant 0 : i32
        %dma_start3A_1400 = tpu.memref_slice %arg15[%dma_start3A_1391, %add3A_1390, %dma_start3A_1399] : memref<6x128x50xi32, #tpu.memory_space<vmem>> -> memref<1x1x50xi32, #tpu.memory_space<vmem>>
        %dma_start3A_1401 = tpu.memref_squeeze %dma_start3A_1400 : memref<1x1x50xi32, #tpu.memory_space<vmem>> -> memref<50xi32, #tpu.memory_space<vmem>>
        %dma_start3A_1402 = arith.constant 0 : i32
        %dma_start3A_1403 = arith.constant 0 : i32
        %dma_start3A_1404 = tpu.memref_slice %arg6[%dma_start3A_1402, %dma_start3A_1403] : memref<7168x32xf32, #tpu.memory_space<hbm>> -> memref<7168x32xf32, #tpu.memory_space<hbm>>
        tpu.enqueue_indirect_dma source(%dma_start3A_1404 : memref<7168x32xf32, #tpu.memory_space<hbm>>) target(%dma_start3A_1398 : memref<50x32xf32, #tpu.memory_space<vmem>>) offsets(%dma_start3A_1401 : memref<50xi32, #tpu.memory_space<vmem>>) semaphore(%arg18 : memref<!tpu.dma_semaphore, #tpu.memory_space<semaphore_mem>>)
        %add3A_1405 = arith.constant 3 : i32
        %add3A_1406 = arith.addi %mul3A_1100, %add3A_1405 : i32
        %dma_start3A_1407 = arith.constant 4 : i32
        %dma_start3A_1408 = arith.constant 1 : i32
        %dma_start3A_1409 = arith.constant 4 : i32
        %dma_start3A_1410 = arith.constant 3 : i32
        %dma_start3A_1411 = arith.constant 0 : i32
        %dma_start3A_1412 = arith.constant 0 : i32
        %dma_start3A_1413 = tpu.memref_slice %arg16[%dma_start3A_1408, %dma_start3A_1409, %dma_start3A_1410, %dma_start3A_1411, %dma_start3A_1412] : memref<2x6x4x50x32xf32, #tpu.memory_space<vmem>> -> memref<1x1x1x50x32xf32, #tpu.memory_space<vmem>>
        %dma_start3A_1414 = tpu.memref_squeeze %dma_start3A_1413 : memref<1x1x1x50x32xf32, #tpu.memory_space<vmem>> -> memref<50x32xf32, #tpu.memory_space<vmem>>
        %dma_start3A_1415 = arith.constant 0 : i32
        %dma_start3A_1416 = tpu.memref_slice %arg15[%dma_start3A_1407, %add3A_1406, %dma_start3A_1415] : memref<6x128x50xi32, #tpu.memory_space<vmem>> -> memref<1x1x50xi32, #tpu.memory_space<vmem>>
        %dma_start3A_1417 = tpu.memref_squeeze %dma_start3A_1416 : memref<1x1x50xi32, #tpu.memory_space<vmem>> -> memref<50xi32, #tpu.memory_space<vmem>>
        %dma_start3A_1418 = arith.constant 0 : i32
        %dma_start3A_1419 = arith.constant 0 : i32
        %dma_start3A_1420 = tpu.memref_slice %arg6[%dma_start3A_1418, %dma_start3A_1419] : memref<7168x32xf32, #tpu.memory_space<hbm>> -> memref<7168x32xf32, #tpu.memory_space<hbm>>
        tpu.enqueue_indirect_dma source(%dma_start3A_1420 : memref<7168x32xf32, #tpu.memory_space<hbm>>) target(%dma_start3A_1414 : memref<50x32xf32, #tpu.memory_space<vmem>>) offsets(%dma_start3A_1417 : memref<50xi32, #tpu.memory_space<vmem>>) semaphore(%arg18 : memref<!tpu.dma_semaphore, #tpu.memory_space<semaphore_mem>>)
        %add3A_1421 = arith.constant 0 : i32
        %add3A_1422 = arith.addi %mul3A_1100, %add3A_1421 : i32
        %dma_start3A_1423 = arith.constant 5 : i32
        %dma_start3A_1424 = arith.constant 1 : i32
        %dma_start3A_1425 = arith.constant 5 : i32
        %dma_start3A_1426 = arith.constant 0 : i32
        %dma_start3A_1427 = arith.constant 0 : i32
        %dma_start3A_1428 = arith.constant 0 : i32
        %dma_start3A_1429 = tpu.memref_slice %arg16[%dma_start3A_1424, %dma_start3A_1425, %dma_start3A_1426, %dma_start3A_1427, %dma_start3A_1428] : memref<2x6x4x50x32xf32, #tpu.memory_space<vmem>> -> memref<1x1x1x50x32xf32, #tpu.memory_space<vmem>>
        %dma_start3A_1430 = tpu.memref_squeeze %dma_start3A_1429 : memref<1x1x1x50x32xf32, #tpu.memory_space<vmem>> -> memref<50x32xf32, #tpu.memory_space<vmem>>
        %dma_start3A_1431 = arith.constant 0 : i32
        %dma_start3A_1432 = tpu.memref_slice %arg15[%dma_start3A_1423, %add3A_1422, %dma_start3A_1431] : memref<6x128x50xi32, #tpu.memory_space<vmem>> -> memref<1x1x50xi32, #tpu.memory_space<vmem>>
        %dma_start3A_1433 = tpu.memref_squeeze %dma_start3A_1432 : memref<1x1x50xi32, #tpu.memory_space<vmem>> -> memref<50xi32, #tpu.memory_space<vmem>>
        %dma_start3A_1434 = arith.constant 0 : i32
        %dma_start3A_1435 = arith.constant 0 : i32
        %dma_start3A_1436 = tpu.memref_slice %arg7[%dma_start3A_1434, %dma_start3A_1435] : memref<100000x32xf32, #tpu.memory_space<hbm>> -> memref<100000x32xf32, #tpu.memory_space<hbm>>
        tpu.enqueue_indirect_dma source(%dma_start3A_1436 : memref<100000x32xf32, #tpu.memory_space<hbm>>) target(%dma_start3A_1430 : memref<50x32xf32, #tpu.memory_space<vmem>>) offsets(%dma_start3A_1433 : memref<50xi32, #tpu.memory_space<vmem>>) semaphore(%arg18 : memref<!tpu.dma_semaphore, #tpu.memory_space<semaphore_mem>>)
        %add3A_1437 = arith.constant 1 : i32
        %add3A_1438 = arith.addi %mul3A_1100, %add3A_1437 : i32
        %dma_start3A_1439 = arith.constant 5 : i32
        %dma_start3A_1440 = arith.constant 1 : i32
        %dma_start3A_1441 = arith.constant 5 : i32
        %dma_start3A_1442 = arith.constant 1 : i32
        %dma_start3A_1443 = arith.constant 0 : i32
        %dma_start3A_1444 = arith.constant 0 : i32
        %dma_start3A_1445 = tpu.memref_slice %arg16[%dma_start3A_1440, %dma_start3A_1441, %dma_start3A_1442, %dma_start3A_1443, %dma_start3A_1444] : memref<2x6x4x50x32xf32, #tpu.memory_space<vmem>> -> memref<1x1x1x50x32xf32, #tpu.memory_space<vmem>>
        %dma_start3A_1446 = tpu.memref_squeeze %dma_start3A_1445 : memref<1x1x1x50x32xf32, #tpu.memory_space<vmem>> -> memref<50x32xf32, #tpu.memory_space<vmem>>
        %dma_start3A_1447 = arith.constant 0 : i32
        %dma_start3A_1448 = tpu.memref_slice %arg15[%dma_start3A_1439, %add3A_1438, %dma_start3A_1447] : memref<6x128x50xi32, #tpu.memory_space<vmem>> -> memref<1x1x50xi32, #tpu.memory_space<vmem>>
        %dma_start3A_1449 = tpu.memref_squeeze %dma_start3A_1448 : memref<1x1x50xi32, #tpu.memory_space<vmem>> -> memref<50xi32, #tpu.memory_space<vmem>>
        %dma_start3A_1450 = arith.constant 0 : i32
        %dma_start3A_1451 = arith.constant 0 : i32
        %dma_start3A_1452 = tpu.memref_slice %arg7[%dma_start3A_1450, %dma_start3A_1451] : memref<100000x32xf32, #tpu.memory_space<hbm>> -> memref<100000x32xf32, #tpu.memory_space<hbm>>
        tpu.enqueue_indirect_dma source(%dma_start3A_1452 : memref<100000x32xf32, #tpu.memory_space<hbm>>) target(%dma_start3A_1446 : memref<50x32xf32, #tpu.memory_space<vmem>>) offsets(%dma_start3A_1449 : memref<50xi32, #tpu.memory_space<vmem>>) semaphore(%arg18 : memref<!tpu.dma_semaphore, #tpu.memory_space<semaphore_mem>>)
        %add3A_1453 = arith.constant 2 : i32
        %add3A_1454 = arith.addi %mul3A_1100, %add3A_1453 : i32
        %dma_start3A_1455 = arith.constant 5 : i32
        %dma_start3A_1456 = arith.constant 1 : i32
        %dma_start3A_1457 = arith.constant 5 : i32
        %dma_start3A_1458 = arith.constant 2 : i32
        %dma_start3A_1459 = arith.constant 0 : i32
        %dma_start3A_1460 = arith.constant 0 : i32
        %dma_start3A_1461 = tpu.memref_slice %arg16[%dma_start3A_1456, %dma_start3A_1457, %dma_start3A_1458, %dma_start3A_1459, %dma_start3A_1460] : memref<2x6x4x50x32xf32, #tpu.memory_space<vmem>> -> memref<1x1x1x50x32xf32, #tpu.memory_space<vmem>>
        %dma_start3A_1462 = tpu.memref_squeeze %dma_start3A_1461 : memref<1x1x1x50x32xf32, #tpu.memory_space<vmem>> -> memref<50x32xf32, #tpu.memory_space<vmem>>
        %dma_start3A_1463 = arith.constant 0 : i32
        %dma_start3A_1464 = tpu.memref_slice %arg15[%dma_start3A_1455, %add3A_1454, %dma_start3A_1463] : memref<6x128x50xi32, #tpu.memory_space<vmem>> -> memref<1x1x50xi32, #tpu.memory_space<vmem>>
        %dma_start3A_1465 = tpu.memref_squeeze %dma_start3A_1464 : memref<1x1x50xi32, #tpu.memory_space<vmem>> -> memref<50xi32, #tpu.memory_space<vmem>>
        %dma_start3A_1466 = arith.constant 0 : i32
        %dma_start3A_1467 = arith.constant 0 : i32
        %dma_start3A_1468 = tpu.memref_slice %arg7[%dma_start3A_1466, %dma_start3A_1467] : memref<100000x32xf32, #tpu.memory_space<hbm>> -> memref<100000x32xf32, #tpu.memory_space<hbm>>
        tpu.enqueue_indirect_dma source(%dma_start3A_1468 : memref<100000x32xf32, #tpu.memory_space<hbm>>) target(%dma_start3A_1462 : memref<50x32xf32, #tpu.memory_space<vmem>>) offsets(%dma_start3A_1465 : memref<50xi32, #tpu.memory_space<vmem>>) semaphore(%arg18 : memref<!tpu.dma_semaphore, #tpu.memory_space<semaphore_mem>>)
        %add3A_1469 = arith.constant 3 : i32
        %add3A_1470 = arith.addi %mul3A_1100, %add3A_1469 : i32
        %dma_start3A_1471 = arith.constant 5 : i32
        %dma_start3A_1472 = arith.constant 1 : i32
        %dma_start3A_1473 = arith.constant 5 : i32
        %dma_start3A_1474 = arith.constant 3 : i32
        %dma_start3A_1475 = arith.constant 0 : i32
        %dma_start3A_1476 = arith.constant 0 : i32
        %dma_start3A_1477 = tpu.memref_slice %arg16[%dma_start3A_1472, %dma_start3A_1473, %dma_start3A_1474, %dma_start3A_1475, %dma_start3A_1476] : memref<2x6x4x50x32xf32, #tpu.memory_space<vmem>> -> memref<1x1x1x50x32xf32, #tpu.memory_space<vmem>>
        %dma_start3A_1478 = tpu.memref_squeeze %dma_start3A_1477 : memref<1x1x1x50x32xf32, #tpu.memory_space<vmem>> -> memref<50x32xf32, #tpu.memory_space<vmem>>
        %dma_start3A_1479 = arith.constant 0 : i32
        %dma_start3A_1480 = tpu.memref_slice %arg15[%dma_start3A_1471, %add3A_1470, %dma_start3A_1479] : memref<6x128x50xi32, #tpu.memory_space<vmem>> -> memref<1x1x50xi32, #tpu.memory_space<vmem>>
        %dma_start3A_1481 = tpu.memref_squeeze %dma_start3A_1480 : memref<1x1x50xi32, #tpu.memory_space<vmem>> -> memref<50xi32, #tpu.memory_space<vmem>>
        %dma_start3A_1482 = arith.constant 0 : i32
        %dma_start3A_1483 = arith.constant 0 : i32
        %dma_start3A_1484 = tpu.memref_slice %arg7[%dma_start3A_1482, %dma_start3A_1483] : memref<100000x32xf32, #tpu.memory_space<hbm>> -> memref<100000x32xf32, #tpu.memory_space<hbm>>
        tpu.enqueue_indirect_dma source(%dma_start3A_1484 : memref<100000x32xf32, #tpu.memory_space<hbm>>) target(%dma_start3A_1478 : memref<50x32xf32, #tpu.memory_space<vmem>>) offsets(%dma_start3A_1481 : memref<50xi32, #tpu.memory_space<vmem>>) semaphore(%arg18 : memref<!tpu.dma_semaphore, #tpu.memory_space<semaphore_mem>>)
      } else {
      }
      %mul3A_851 = arith.constant 2 : i32
      %mul3A_852 = arith.muli %scan3A_611, %mul3A_851 : i32
      %add3A_853 = arith.constant 1 : i32
      %add3A_854 = arith.addi %mul3A_852, %add3A_853 : i32
      %dma_wait3A_855 = arith.constant 1 : i32
      %dma_wait3A_856 = arith.constant 0 : i32
      %dma_wait3A_857 = arith.constant 0 : i32
      %dma_wait3A_858 = arith.constant 0 : i32
      %dma_wait3A_859 = arith.constant 0 : i32
      %dma_wait3A_860 = tpu.memref_slice %arg16[%dma_wait3A_855, %dma_wait3A_856, %dma_wait3A_857, %dma_wait3A_858, %dma_wait3A_859] : memref<2x6x4x50x32xf32, #tpu.memory_space<vmem>> -> memref<1x1x4x50x32xf32, #tpu.memory_space<vmem>>
      %dma_wait3A_861 = tpu.memref_squeeze %dma_wait3A_860 : memref<1x1x4x50x32xf32, #tpu.memory_space<vmem>> -> memref<4x50x32xf32, #tpu.memory_space<vmem>>
      %dma_wait3A_862 = arith.constant 0 : i32
      %dma_wait3A_863 = arith.constant 0 : i32
      %dma_wait3A_864 = arith.constant 0 : i32
      %dma_wait3A_865 = tpu.memref_slice %arg14[%dma_wait3A_862, %dma_wait3A_863, %dma_wait3A_864] : memref<4096x50x192xf32, #tpu.memory_space<hbm>> -> memref<4x50x32xf32, #tpu.memory_space<hbm>>
      %dma_wait3A_866 = arith.constant 0 : i32
      %dma_wait3A_867 = arith.constant 0 : i32
      %dma_wait3A_868 = arith.constant 0 : i32
      %dma_wait3A_869 = tpu.memref_slice %arg16[%dma_wait3A_855, %dma_wait3A_856, %dma_wait3A_866, %dma_wait3A_867, %dma_wait3A_868] : memref<2x6x4x50x32xf32, #tpu.memory_space<vmem>> -> memref<1x1x4x50x32xf32, #tpu.memory_space<vmem>>
      %dma_wait3A_870 = tpu.memref_squeeze %dma_wait3A_869 : memref<1x1x4x50x32xf32, #tpu.memory_space<vmem>> -> memref<4x50x32xf32, #tpu.memory_space<vmem>>
      %dma_wait3A_871 = arith.constant 0 : i32
      %dma_wait3A_872 = arith.constant 0 : i32
      %dma_wait3A_873 = arith.constant 0 : i32
      %dma_wait3A_874 = tpu.memref_slice %arg14[%dma_wait3A_871, %dma_wait3A_872, %dma_wait3A_873] : memref<4096x50x192xf32, #tpu.memory_space<hbm>> -> memref<4x50x32xf32, #tpu.memory_space<hbm>>
      tpu.wait_dma2 semaphore(%arg18 : memref<!tpu.dma_semaphore, #tpu.memory_space<semaphore_mem>>) src(%dma_wait3A_874 : memref<4x50x32xf32, #tpu.memory_space<hbm>>) dst(%dma_wait3A_870 : memref<4x50x32xf32, #tpu.memory_space<vmem>>)
      %dma_wait3A_875 = arith.constant 1 : i32
      %dma_wait3A_876 = arith.constant 1 : i32
      %dma_wait3A_877 = arith.constant 0 : i32
      %dma_wait3A_878 = arith.constant 0 : i32
      %dma_wait3A_879 = arith.constant 0 : i32
      %dma_wait3A_880 = tpu.memref_slice %arg16[%dma_wait3A_875, %dma_wait3A_876, %dma_wait3A_877, %dma_wait3A_878, %dma_wait3A_879] : memref<2x6x4x50x32xf32, #tpu.memory_space<vmem>> -> memref<1x1x4x50x32xf32, #tpu.memory_space<vmem>>
      %dma_wait3A_881 = tpu.memref_squeeze %dma_wait3A_880 : memref<1x1x4x50x32xf32, #tpu.memory_space<vmem>> -> memref<4x50x32xf32, #tpu.memory_space<vmem>>
      %dma_wait3A_882 = arith.constant 0 : i32
      %dma_wait3A_883 = arith.constant 0 : i32
      %dma_wait3A_884 = arith.constant 0 : i32
      %dma_wait3A_885 = tpu.memref_slice %arg14[%dma_wait3A_882, %dma_wait3A_883, %dma_wait3A_884] : memref<4096x50x192xf32, #tpu.memory_space<hbm>> -> memref<4x50x32xf32, #tpu.memory_space<hbm>>
      %dma_wait3A_886 = arith.constant 0 : i32
      %dma_wait3A_887 = arith.constant 0 : i32
      %dma_wait3A_888 = arith.constant 0 : i32
      %dma_wait3A_889 = tpu.memref_slice %arg16[%dma_wait3A_875, %dma_wait3A_876, %dma_wait3A_886, %dma_wait3A_887, %dma_wait3A_888] : memref<2x6x4x50x32xf32, #tpu.memory_space<vmem>> -> memref<1x1x4x50x32xf32, #tpu.memory_space<vmem>>
      %dma_wait3A_890 = tpu.memref_squeeze %dma_wait3A_889 : memref<1x1x4x50x32xf32, #tpu.memory_space<vmem>> -> memref<4x50x32xf32, #tpu.memory_space<vmem>>
      %dma_wait3A_891 = arith.constant 0 : i32
      %dma_wait3A_892 = arith.constant 0 : i32
      %dma_wait3A_893 = arith.constant 0 : i32
      %dma_wait3A_894 = tpu.memref_slice %arg14[%dma_wait3A_891, %dma_wait3A_892, %dma_wait3A_893] : memref<4096x50x192xf32, #tpu.memory_space<hbm>> -> memref<4x50x32xf32, #tpu.memory_space<hbm>>
      tpu.wait_dma2 semaphore(%arg18 : memref<!tpu.dma_semaphore, #tpu.memory_space<semaphore_mem>>) src(%dma_wait3A_894 : memref<4x50x32xf32, #tpu.memory_space<hbm>>) dst(%dma_wait3A_890 : memref<4x50x32xf32, #tpu.memory_space<vmem>>)
      %dma_wait3A_895 = arith.constant 1 : i32
      %dma_wait3A_896 = arith.constant 2 : i32
      %dma_wait3A_897 = arith.constant 0 : i32
      %dma_wait3A_898 = arith.constant 0 : i32
      %dma_wait3A_899 = arith.constant 0 : i32
      %dma_wait3A_900 = tpu.memref_slice %arg16[%dma_wait3A_895, %dma_wait3A_896, %dma_wait3A_897, %dma_wait3A_898, %dma_wait3A_899] : memref<2x6x4x50x32xf32, #tpu.memory_space<vmem>> -> memref<1x1x4x50x32xf32, #tpu.memory_space<vmem>>
      %dma_wait3A_901 = tpu.memref_squeeze %dma_wait3A_900 : memref<1x1x4x50x32xf32, #tpu.memory_space<vmem>> -> memref<4x50x32xf32, #tpu.memory_space<vmem>>
      %dma_wait3A_902 = arith.constant 0 : i32
      %dma_wait3A_903 = arith.constant 0 : i32
      %dma_wait3A_904 = arith.constant 0 : i32
      %dma_wait3A_905 = tpu.memref_slice %arg14[%dma_wait3A_902, %dma_wait3A_903, %dma_wait3A_904] : memref<4096x50x192xf32, #tpu.memory_space<hbm>> -> memref<4x50x32xf32, #tpu.memory_space<hbm>>
      %dma_wait3A_906 = arith.constant 0 : i32
      %dma_wait3A_907 = arith.constant 0 : i32
      %dma_wait3A_908 = arith.constant 0 : i32
      %dma_wait3A_909 = tpu.memref_slice %arg16[%dma_wait3A_895, %dma_wait3A_896, %dma_wait3A_906, %dma_wait3A_907, %dma_wait3A_908] : memref<2x6x4x50x32xf32, #tpu.memory_space<vmem>> -> memref<1x1x4x50x32xf32, #tpu.memory_space<vmem>>
      %dma_wait3A_910 = tpu.memref_squeeze %dma_wait3A_909 : memref<1x1x4x50x32xf32, #tpu.memory_space<vmem>> -> memref<4x50x32xf32, #tpu.memory_space<vmem>>
      %dma_wait3A_911 = arith.constant 0 : i32
      %dma_wait3A_912 = arith.constant 0 : i32
      %dma_wait3A_913 = arith.constant 0 : i32
      %dma_wait3A_914 = tpu.memref_slice %arg14[%dma_wait3A_911, %dma_wait3A_912, %dma_wait3A_913] : memref<4096x50x192xf32, #tpu.memory_space<hbm>> -> memref<4x50x32xf32, #tpu.memory_space<hbm>>
      tpu.wait_dma2 semaphore(%arg18 : memref<!tpu.dma_semaphore, #tpu.memory_space<semaphore_mem>>) src(%dma_wait3A_914 : memref<4x50x32xf32, #tpu.memory_space<hbm>>) dst(%dma_wait3A_910 : memref<4x50x32xf32, #tpu.memory_space<vmem>>)
      %dma_wait3A_915 = arith.constant 1 : i32
      %dma_wait3A_916 = arith.constant 3 : i32
      %dma_wait3A_917 = arith.constant 0 : i32
      %dma_wait3A_918 = arith.constant 0 : i32
      %dma_wait3A_919 = arith.constant 0 : i32
      %dma_wait3A_920 = tpu.memref_slice %arg16[%dma_wait3A_915, %dma_wait3A_916, %dma_wait3A_917, %dma_wait3A_918, %dma_wait3A_919] : memref<2x6x4x50x32xf32, #tpu.memory_space<vmem>> -> memref<1x1x4x50x32xf32, #tpu.memory_space<vmem>>
      %dma_wait3A_921 = tpu.memref_squeeze %dma_wait3A_920 : memref<1x1x4x50x32xf32, #tpu.memory_space<vmem>> -> memref<4x50x32xf32, #tpu.memory_space<vmem>>
      %dma_wait3A_922 = arith.constant 0 : i32
      %dma_wait3A_923 = arith.constant 0 : i32
      %dma_wait3A_924 = arith.constant 0 : i32
      %dma_wait3A_925 = tpu.memref_slice %arg14[%dma_wait3A_922, %dma_wait3A_923, %dma_wait3A_924] : memref<4096x50x192xf32, #tpu.memory_space<hbm>> -> memref<4x50x32xf32, #tpu.memory_space<hbm>>
      %dma_wait3A_926 = arith.constant 0 : i32
      %dma_wait3A_927 = arith.constant 0 : i32
      %dma_wait3A_928 = arith.constant 0 : i32
      %dma_wait3A_929 = tpu.memref_slice %arg16[%dma_wait3A_915, %dma_wait3A_916, %dma_wait3A_926, %dma_wait3A_927, %dma_wait3A_928] : memref<2x6x4x50x32xf32, #tpu.memory_space<vmem>> -> memref<1x1x4x50x32xf32, #tpu.memory_space<vmem>>
      %dma_wait3A_930 = tpu.memref_squeeze %dma_wait3A_929 : memref<1x1x4x50x32xf32, #tpu.memory_space<vmem>> -> memref<4x50x32xf32, #tpu.memory_space<vmem>>
      %dma_wait3A_931 = arith.constant 0 : i32
      %dma_wait3A_932 = arith.constant 0 : i32
      %dma_wait3A_933 = arith.constant 0 : i32
      %dma_wait3A_934 = tpu.memref_slice %arg14[%dma_wait3A_931, %dma_wait3A_932, %dma_wait3A_933] : memref<4096x50x192xf32, #tpu.memory_space<hbm>> -> memref<4x50x32xf32, #tpu.memory_space<hbm>>
      tpu.wait_dma2 semaphore(%arg18 : memref<!tpu.dma_semaphore, #tpu.memory_space<semaphore_mem>>) src(%dma_wait3A_934 : memref<4x50x32xf32, #tpu.memory_space<hbm>>) dst(%dma_wait3A_930 : memref<4x50x32xf32, #tpu.memory_space<vmem>>)
      %dma_wait3A_935 = arith.constant 1 : i32
      %dma_wait3A_936 = arith.constant 4 : i32
      %dma_wait3A_937 = arith.constant 0 : i32
      %dma_wait3A_938 = arith.constant 0 : i32
      %dma_wait3A_939 = arith.constant 0 : i32
      %dma_wait3A_940 = tpu.memref_slice %arg16[%dma_wait3A_935, %dma_wait3A_936, %dma_wait3A_937, %dma_wait3A_938, %dma_wait3A_939] : memref<2x6x4x50x32xf32, #tpu.memory_space<vmem>> -> memref<1x1x4x50x32xf32, #tpu.memory_space<vmem>>
      %dma_wait3A_941 = tpu.memref_squeeze %dma_wait3A_940 : memref<1x1x4x50x32xf32, #tpu.memory_space<vmem>> -> memref<4x50x32xf32, #tpu.memory_space<vmem>>
      %dma_wait3A_942 = arith.constant 0 : i32
      %dma_wait3A_943 = arith.constant 0 : i32
      %dma_wait3A_944 = arith.constant 0 : i32
      %dma_wait3A_945 = tpu.memref_slice %arg14[%dma_wait3A_942, %dma_wait3A_943, %dma_wait3A_944] : memref<4096x50x192xf32, #tpu.memory_space<hbm>> -> memref<4x50x32xf32, #tpu.memory_space<hbm>>
      %dma_wait3A_946 = arith.constant 0 : i32
      %dma_wait3A_947 = arith.constant 0 : i32
      %dma_wait3A_948 = arith.constant 0 : i32
      %dma_wait3A_949 = tpu.memref_slice %arg16[%dma_wait3A_935, %dma_wait3A_936, %dma_wait3A_946, %dma_wait3A_947, %dma_wait3A_948] : memref<2x6x4x50x32xf32, #tpu.memory_space<vmem>> -> memref<1x1x4x50x32xf32, #tpu.memory_space<vmem>>
      %dma_wait3A_950 = tpu.memref_squeeze %dma_wait3A_949 : memref<1x1x4x50x32xf32, #tpu.memory_space<vmem>> -> memref<4x50x32xf32, #tpu.memory_space<vmem>>
      %dma_wait3A_951 = arith.constant 0 : i32
      %dma_wait3A_952 = arith.constant 0 : i32
      %dma_wait3A_953 = arith.constant 0 : i32
      %dma_wait3A_954 = tpu.memref_slice %arg14[%dma_wait3A_951, %dma_wait3A_952, %dma_wait3A_953] : memref<4096x50x192xf32, #tpu.memory_space<hbm>> -> memref<4x50x32xf32, #tpu.memory_space<hbm>>
      tpu.wait_dma2 semaphore(%arg18 : memref<!tpu.dma_semaphore, #tpu.memory_space<semaphore_mem>>) src(%dma_wait3A_954 : memref<4x50x32xf32, #tpu.memory_space<hbm>>) dst(%dma_wait3A_950 : memref<4x50x32xf32, #tpu.memory_space<vmem>>)
      %dma_wait3A_955 = arith.constant 1 : i32
      %dma_wait3A_956 = arith.constant 5 : i32
      %dma_wait3A_957 = arith.constant 0 : i32
      %dma_wait3A_958 = arith.constant 0 : i32
      %dma_wait3A_959 = arith.constant 0 : i32
      %dma_wait3A_960 = tpu.memref_slice %arg16[%dma_wait3A_955, %dma_wait3A_956, %dma_wait3A_957, %dma_wait3A_958, %dma_wait3A_959] : memref<2x6x4x50x32xf32, #tpu.memory_space<vmem>> -> memref<1x1x4x50x32xf32, #tpu.memory_space<vmem>>
      %dma_wait3A_961 = tpu.memref_squeeze %dma_wait3A_960 : memref<1x1x4x50x32xf32, #tpu.memory_space<vmem>> -> memref<4x50x32xf32, #tpu.memory_space<vmem>>
      %dma_wait3A_962 = arith.constant 0 : i32
      %dma_wait3A_963 = arith.constant 0 : i32
      %dma_wait3A_964 = arith.constant 0 : i32
      %dma_wait3A_965 = tpu.memref_slice %arg14[%dma_wait3A_962, %dma_wait3A_963, %dma_wait3A_964] : memref<4096x50x192xf32, #tpu.memory_space<hbm>> -> memref<4x50x32xf32, #tpu.memory_space<hbm>>
      %dma_wait3A_966 = arith.constant 0 : i32
      %dma_wait3A_967 = arith.constant 0 : i32
      %dma_wait3A_968 = arith.constant 0 : i32
      %dma_wait3A_969 = tpu.memref_slice %arg16[%dma_wait3A_955, %dma_wait3A_956, %dma_wait3A_966, %dma_wait3A_967, %dma_wait3A_968] : memref<2x6x4x50x32xf32, #tpu.memory_space<vmem>> -> memref<1x1x4x50x32xf32, #tpu.memory_space<vmem>>
      %dma_wait3A_970 = tpu.memref_squeeze %dma_wait3A_969 : memref<1x1x4x50x32xf32, #tpu.memory_space<vmem>> -> memref<4x50x32xf32, #tpu.memory_space<vmem>>
      %dma_wait3A_971 = arith.constant 0 : i32
      %dma_wait3A_972 = arith.constant 0 : i32
      %dma_wait3A_973 = arith.constant 0 : i32
      %dma_wait3A_974 = tpu.memref_slice %arg14[%dma_wait3A_971, %dma_wait3A_972, %dma_wait3A_973] : memref<4096x50x192xf32, #tpu.memory_space<hbm>> -> memref<4x50x32xf32, #tpu.memory_space<hbm>>
      tpu.wait_dma2 semaphore(%arg18 : memref<!tpu.dma_semaphore, #tpu.memory_space<semaphore_mem>>) src(%dma_wait3A_974 : memref<4x50x32xf32, #tpu.memory_space<hbm>>) dst(%dma_wait3A_970 : memref<4x50x32xf32, #tpu.memory_space<vmem>>)
      %mul3A_975 = arith.constant 4 : i32
      %mul3A_976 = arith.muli %add3A_854, %mul3A_975 : i32
      %add3A_977 = arith.addi %mul3A_2, %mul3A_976 : i32
      %dma_start3A_978 = arith.constant 1 : i32
      %dma_start3A_979 = arith.constant 0 : i32
      %dma_start3A_980 = arith.constant 0 : i32
      %dma_start3A_981 = arith.constant 0 : i32
      %dma_start3A_982 = arith.constant 0 : i32
      %dma_start3A_983 = tpu.memref_slice %arg16[%dma_start3A_978, %dma_start3A_979, %dma_start3A_980, %dma_start3A_981, %dma_start3A_982] : memref<2x6x4x50x32xf32, #tpu.memory_space<vmem>> -> memref<1x1x4x50x32xf32, #tpu.memory_space<vmem>>
      %dma_start3A_984 = tpu.memref_squeeze %dma_start3A_983 : memref<1x1x4x50x32xf32, #tpu.memory_space<vmem>> -> memref<4x50x32xf32, #tpu.memory_space<vmem>>
      %dma_start3A_985 = arith.constant 0 : i32
      %dma_start3A_986 = arith.constant 0 : i32
      %dma_start3A_987 = tpu.memref_slice %arg14[%add3A_977, %dma_start3A_985, %dma_start3A_986] : memref<4096x50x192xf32, #tpu.memory_space<hbm>> -> memref<4x50x32xf32, #tpu.memory_space<hbm>>
      %dma_start3A_988 = arith.constant 0 : i32
      %dma_start3A_989 = arith.constant 0 : i32
      %dma_start3A_990 = tpu.memref_slice %arg14[%add3A_977, %dma_start3A_988, %dma_start3A_989] : memref<4096x50x192xf32, #tpu.memory_space<hbm>> -> memref<4x50x32xf32, #tpu.memory_space<hbm>>
      %dma_start3A_991 = arith.constant 0 : i32
      %dma_start3A_992 = arith.constant 0 : i32
      %dma_start3A_993 = arith.constant 0 : i32
      %dma_start3A_994 = tpu.memref_slice %arg16[%dma_start3A_978, %dma_start3A_979, %dma_start3A_991, %dma_start3A_992, %dma_start3A_993] : memref<2x6x4x50x32xf32, #tpu.memory_space<vmem>> -> memref<1x1x4x50x32xf32, #tpu.memory_space<vmem>>
      %dma_start3A_995 = tpu.memref_squeeze %dma_start3A_994 : memref<1x1x4x50x32xf32, #tpu.memory_space<vmem>> -> memref<4x50x32xf32, #tpu.memory_space<vmem>>
      tpu.enqueue_dma source(%dma_start3A_995 : memref<4x50x32xf32, #tpu.memory_space<vmem>>) target(%dma_start3A_990 : memref<4x50x32xf32, #tpu.memory_space<hbm>>) target_semaphore(%arg20 : memref<!tpu.dma_semaphore, #tpu.memory_space<semaphore_mem>>)
      %dma_start3A_996 = arith.constant 1 : i32
      %dma_start3A_997 = arith.constant 1 : i32
      %dma_start3A_998 = arith.constant 0 : i32
      %dma_start3A_999 = arith.constant 0 : i32
      %dma_start3A_1000 = arith.constant 0 : i32
      %dma_start3A_1001 = tpu.memref_slice %arg16[%dma_start3A_996, %dma_start3A_997, %dma_start3A_998, %dma_start3A_999, %dma_start3A_1000] : memref<2x6x4x50x32xf32, #tpu.memory_space<vmem>> -> memref<1x1x4x50x32xf32, #tpu.memory_space<vmem>>
      %dma_start3A_1002 = tpu.memref_squeeze %dma_start3A_1001 : memref<1x1x4x50x32xf32, #tpu.memory_space<vmem>> -> memref<4x50x32xf32, #tpu.memory_space<vmem>>
      %dma_start3A_1003 = arith.constant 0 : i32
      %dma_start3A_1004 = arith.constant 32 : i32
      %dma_start3A_1005 = tpu.memref_slice %arg14[%add3A_977, %dma_start3A_1003, %dma_start3A_1004] : memref<4096x50x192xf32, #tpu.memory_space<hbm>> -> memref<4x50x32xf32, #tpu.memory_space<hbm>>
      %dma_start3A_1006 = arith.constant 0 : i32
      %dma_start3A_1007 = arith.constant 32 : i32
      %dma_start3A_1008 = tpu.memref_slice %arg14[%add3A_977, %dma_start3A_1006, %dma_start3A_1007] : memref<4096x50x192xf32, #tpu.memory_space<hbm>> -> memref<4x50x32xf32, #tpu.memory_space<hbm>>
      %dma_start3A_1009 = arith.constant 0 : i32
      %dma_start3A_1010 = arith.constant 0 : i32
      %dma_start3A_1011 = arith.constant 0 : i32
      %dma_start3A_1012 = tpu.memref_slice %arg16[%dma_start3A_996, %dma_start3A_997, %dma_start3A_1009, %dma_start3A_1010, %dma_start3A_1011] : memref<2x6x4x50x32xf32, #tpu.memory_space<vmem>> -> memref<1x1x4x50x32xf32, #tpu.memory_space<vmem>>
      %dma_start3A_1013 = tpu.memref_squeeze %dma_start3A_1012 : memref<1x1x4x50x32xf32, #tpu.memory_space<vmem>> -> memref<4x50x32xf32, #tpu.memory_space<vmem>>
      tpu.enqueue_dma source(%dma_start3A_1013 : memref<4x50x32xf32, #tpu.memory_space<vmem>>) target(%dma_start3A_1008 : memref<4x50x32xf32, #tpu.memory_space<hbm>>) target_semaphore(%arg20 : memref<!tpu.dma_semaphore, #tpu.memory_space<semaphore_mem>>)
      %dma_start3A_1014 = arith.constant 1 : i32
      %dma_start3A_1015 = arith.constant 2 : i32
      %dma_start3A_1016 = arith.constant 0 : i32
      %dma_start3A_1017 = arith.constant 0 : i32
      %dma_start3A_1018 = arith.constant 0 : i32
      %dma_start3A_1019 = tpu.memref_slice %arg16[%dma_start3A_1014, %dma_start3A_1015, %dma_start3A_1016, %dma_start3A_1017, %dma_start3A_1018] : memref<2x6x4x50x32xf32, #tpu.memory_space<vmem>> -> memref<1x1x4x50x32xf32, #tpu.memory_space<vmem>>
      %dma_start3A_1020 = tpu.memref_squeeze %dma_start3A_1019 : memref<1x1x4x50x32xf32, #tpu.memory_space<vmem>> -> memref<4x50x32xf32, #tpu.memory_space<vmem>>
      %dma_start3A_1021 = arith.constant 0 : i32
      %dma_start3A_1022 = arith.constant 64 : i32
      %dma_start3A_1023 = tpu.memref_slice %arg14[%add3A_977, %dma_start3A_1021, %dma_start3A_1022] : memref<4096x50x192xf32, #tpu.memory_space<hbm>> -> memref<4x50x32xf32, #tpu.memory_space<hbm>>
      %dma_start3A_1024 = arith.constant 0 : i32
      %dma_start3A_1025 = arith.constant 64 : i32
      %dma_start3A_1026 = tpu.memref_slice %arg14[%add3A_977, %dma_start3A_1024, %dma_start3A_1025] : memref<4096x50x192xf32, #tpu.memory_space<hbm>> -> memref<4x50x32xf32, #tpu.memory_space<hbm>>
      %dma_start3A_1027 = arith.constant 0 : i32
      %dma_start3A_1028 = arith.constant 0 : i32
      %dma_start3A_1029 = arith.constant 0 : i32
      %dma_start3A_1030 = tpu.memref_slice %arg16[%dma_start3A_1014, %dma_start3A_1015, %dma_start3A_1027, %dma_start3A_1028, %dma_start3A_1029] : memref<2x6x4x50x32xf32, #tpu.memory_space<vmem>> -> memref<1x1x4x50x32xf32, #tpu.memory_space<vmem>>
      %dma_start3A_1031 = tpu.memref_squeeze %dma_start3A_1030 : memref<1x1x4x50x32xf32, #tpu.memory_space<vmem>> -> memref<4x50x32xf32, #tpu.memory_space<vmem>>
      tpu.enqueue_dma source(%dma_start3A_1031 : memref<4x50x32xf32, #tpu.memory_space<vmem>>) target(%dma_start3A_1026 : memref<4x50x32xf32, #tpu.memory_space<hbm>>) target_semaphore(%arg20 : memref<!tpu.dma_semaphore, #tpu.memory_space<semaphore_mem>>)
      %dma_start3A_1032 = arith.constant 1 : i32
      %dma_start3A_1033 = arith.constant 3 : i32
      %dma_start3A_1034 = arith.constant 0 : i32
      %dma_start3A_1035 = arith.constant 0 : i32
      %dma_start3A_1036 = arith.constant 0 : i32
      %dma_start3A_1037 = tpu.memref_slice %arg16[%dma_start3A_1032, %dma_start3A_1033, %dma_start3A_1034, %dma_start3A_1035, %dma_start3A_1036] : memref<2x6x4x50x32xf32, #tpu.memory_space<vmem>> -> memref<1x1x4x50x32xf32, #tpu.memory_space<vmem>>
      %dma_start3A_1038 = tpu.memref_squeeze %dma_start3A_1037 : memref<1x1x4x50x32xf32, #tpu.memory_space<vmem>> -> memref<4x50x32xf32, #tpu.memory_space<vmem>>
      %dma_start3A_1039 = arith.constant 0 : i32
      %dma_start3A_1040 = arith.constant 96 : i32
      %dma_start3A_1041 = tpu.memref_slice %arg14[%add3A_977, %dma_start3A_1039, %dma_start3A_1040] : memref<4096x50x192xf32, #tpu.memory_space<hbm>> -> memref<4x50x32xf32, #tpu.memory_space<hbm>>
      %dma_start3A_1042 = arith.constant 0 : i32
      %dma_start3A_1043 = arith.constant 96 : i32
      %dma_start3A_1044 = tpu.memref_slice %arg14[%add3A_977, %dma_start3A_1042, %dma_start3A_1043] : memref<4096x50x192xf32, #tpu.memory_space<hbm>> -> memref<4x50x32xf32, #tpu.memory_space<hbm>>
      %dma_start3A_1045 = arith.constant 0 : i32
      %dma_start3A_1046 = arith.constant 0 : i32
      %dma_start3A_1047 = arith.constant 0 : i32
      %dma_start3A_1048 = tpu.memref_slice %arg16[%dma_start3A_1032, %dma_start3A_1033, %dma_start3A_1045, %dma_start3A_1046, %dma_start3A_1047] : memref<2x6x4x50x32xf32, #tpu.memory_space<vmem>> -> memref<1x1x4x50x32xf32, #tpu.memory_space<vmem>>
      %dma_start3A_1049 = tpu.memref_squeeze %dma_start3A_1048 : memref<1x1x4x50x32xf32, #tpu.memory_space<vmem>> -> memref<4x50x32xf32, #tpu.memory_space<vmem>>
      tpu.enqueue_dma source(%dma_start3A_1049 : memref<4x50x32xf32, #tpu.memory_space<vmem>>) target(%dma_start3A_1044 : memref<4x50x32xf32, #tpu.memory_space<hbm>>) target_semaphore(%arg20 : memref<!tpu.dma_semaphore, #tpu.memory_space<semaphore_mem>>)
      %dma_start3A_1050 = arith.constant 1 : i32
      %dma_start3A_1051 = arith.constant 4 : i32
      %dma_start3A_1052 = arith.constant 0 : i32
      %dma_start3A_1053 = arith.constant 0 : i32
      %dma_start3A_1054 = arith.constant 0 : i32
      %dma_start3A_1055 = tpu.memref_slice %arg16[%dma_start3A_1050, %dma_start3A_1051, %dma_start3A_1052, %dma_start3A_1053, %dma_start3A_1054] : memref<2x6x4x50x32xf32, #tpu.memory_space<vmem>> -> memref<1x1x4x50x32xf32, #tpu.memory_space<vmem>>
      %dma_start3A_1056 = tpu.memref_squeeze %dma_start3A_1055 : memref<1x1x4x50x32xf32, #tpu.memory_space<vmem>> -> memref<4x50x32xf32, #tpu.memory_space<vmem>>
      %dma_start3A_1057 = arith.constant 0 : i32
      %dma_start3A_1058 = arith.constant 128 : i32
      %dma_start3A_1059 = tpu.memref_slice %arg14[%add3A_977, %dma_start3A_1057, %dma_start3A_1058] : memref<4096x50x192xf32, #tpu.memory_space<hbm>> -> memref<4x50x32xf32, #tpu.memory_space<hbm>>
      %dma_start3A_1060 = arith.constant 0 : i32
      %dma_start3A_1061 = arith.constant 128 : i32
      %dma_start3A_1062 = tpu.memref_slice %arg14[%add3A_977, %dma_start3A_1060, %dma_start3A_1061] : memref<4096x50x192xf32, #tpu.memory_space<hbm>> -> memref<4x50x32xf32, #tpu.memory_space<hbm>>
      %dma_start3A_1063 = arith.constant 0 : i32
      %dma_start3A_1064 = arith.constant 0 : i32
      %dma_start3A_1065 = arith.constant 0 : i32
      %dma_start3A_1066 = tpu.memref_slice %arg16[%dma_start3A_1050, %dma_start3A_1051, %dma_start3A_1063, %dma_start3A_1064, %dma_start3A_1065] : memref<2x6x4x50x32xf32, #tpu.memory_space<vmem>> -> memref<1x1x4x50x32xf32, #tpu.memory_space<vmem>>
      %dma_start3A_1067 = tpu.memref_squeeze %dma_start3A_1066 : memref<1x1x4x50x32xf32, #tpu.memory_space<vmem>> -> memref<4x50x32xf32, #tpu.memory_space<vmem>>
      tpu.enqueue_dma source(%dma_start3A_1067 : memref<4x50x32xf32, #tpu.memory_space<vmem>>) target(%dma_start3A_1062 : memref<4x50x32xf32, #tpu.memory_space<hbm>>) target_semaphore(%arg20 : memref<!tpu.dma_semaphore, #tpu.memory_space<semaphore_mem>>)
      %dma_start3A_1068 = arith.constant 1 : i32
      %dma_start3A_1069 = arith.constant 5 : i32
      %dma_start3A_1070 = arith.constant 0 : i32
      %dma_start3A_1071 = arith.constant 0 : i32
      %dma_start3A_1072 = arith.constant 0 : i32
      %dma_start3A_1073 = tpu.memref_slice %arg16[%dma_start3A_1068, %dma_start3A_1069, %dma_start3A_1070, %dma_start3A_1071, %dma_start3A_1072] : memref<2x6x4x50x32xf32, #tpu.memory_space<vmem>> -> memref<1x1x4x50x32xf32, #tpu.memory_space<vmem>>
      %dma_start3A_1074 = tpu.memref_squeeze %dma_start3A_1073 : memref<1x1x4x50x32xf32, #tpu.memory_space<vmem>> -> memref<4x50x32xf32, #tpu.memory_space<vmem>>
      %dma_start3A_1075 = arith.constant 0 : i32
      %dma_start3A_1076 = arith.constant 160 : i32
      %dma_start3A_1077 = tpu.memref_slice %arg14[%add3A_977, %dma_start3A_1075, %dma_start3A_1076] : memref<4096x50x192xf32, #tpu.memory_space<hbm>> -> memref<4x50x32xf32, #tpu.memory_space<hbm>>
      %dma_start3A_1078 = arith.constant 0 : i32
      %dma_start3A_1079 = arith.constant 160 : i32
      %dma_start3A_1080 = tpu.memref_slice %arg14[%add3A_977, %dma_start3A_1078, %dma_start3A_1079] : memref<4096x50x192xf32, #tpu.memory_space<hbm>> -> memref<4x50x32xf32, #tpu.memory_space<hbm>>
      %dma_start3A_1081 = arith.constant 0 : i32
      %dma_start3A_1082 = arith.constant 0 : i32
      %dma_start3A_1083 = arith.constant 0 : i32
      %dma_start3A_1084 = tpu.memref_slice %arg16[%dma_start3A_1068, %dma_start3A_1069, %dma_start3A_1081, %dma_start3A_1082, %dma_start3A_1083] : memref<2x6x4x50x32xf32, #tpu.memory_space<vmem>> -> memref<1x1x4x50x32xf32, #tpu.memory_space<vmem>>
      %dma_start3A_1085 = tpu.memref_squeeze %dma_start3A_1084 : memref<1x1x4x50x32xf32, #tpu.memory_space<vmem>> -> memref<4x50x32xf32, #tpu.memory_space<vmem>>
      tpu.enqueue_dma source(%dma_start3A_1085 : memref<4x50x32xf32, #tpu.memory_space<vmem>>) target(%dma_start3A_1080 : memref<4x50x32xf32, #tpu.memory_space<hbm>>) target_semaphore(%arg20 : memref<!tpu.dma_semaphore, #tpu.memory_space<semaphore_mem>>)
      %add3A_1086 = arith.constant 1 : i32
      %add3A_1087 = arith.addi %add3A_854, %add3A_1086 : i32
      %lt3A_1088 = arith.constant 32 : i32
      %lt3A_1089 = arith.cmpi slt, %add3A_1087, %lt3A_1088 : i32
      %convert_element_type3A_1090 = arith.extui %lt3A_1089 : i1 to i32
      %cond3A_1091 = arith.constant 0 : i32
      %cond3A_1092 = arith.cmpi ne, %convert_element_type3A_1090, %cond3A_1091 : i32
      scf.if %cond3A_1092 {
        %gt3A = arith.constant 0 : i32
        %gt3A_1093 = arith.cmpi sgt, %add3A_854, %gt3A : i32
        %convert_element_type3A_1094 = arith.extui %gt3A_1093 : i1 to i32
        %cond3A_1095 = arith.constant 0 : i32
        %cond3A_1096 = arith.cmpi ne, %convert_element_type3A_1094, %cond3A_1095 : i32
        scf.if %cond3A_1096 {
          %dma_wait3A_1485 = arith.constant 0 : i32
          %dma_wait3A_1486 = arith.constant 0 : i32
          %dma_wait3A_1487 = arith.constant 0 : i32
          %dma_wait3A_1488 = arith.constant 0 : i32
          %dma_wait3A_1489 = arith.constant 0 : i32
          %dma_wait3A_1490 = tpu.memref_slice %arg16[%dma_wait3A_1485, %dma_wait3A_1486, %dma_wait3A_1487, %dma_wait3A_1488, %dma_wait3A_1489] : memref<2x6x4x50x32xf32, #tpu.memory_space<vmem>> -> memref<1x1x4x50x32xf32, #tpu.memory_space<vmem>>
          %dma_wait3A_1491 = tpu.memref_squeeze %dma_wait3A_1490 : memref<1x1x4x50x32xf32, #tpu.memory_space<vmem>> -> memref<4x50x32xf32, #tpu.memory_space<vmem>>
          %dma_wait3A_1492 = arith.constant 0 : i32
          %dma_wait3A_1493 = arith.constant 0 : i32
          %dma_wait3A_1494 = arith.constant 0 : i32
          %dma_wait3A_1495 = tpu.memref_slice %arg14[%dma_wait3A_1492, %dma_wait3A_1493, %dma_wait3A_1494] : memref<4096x50x192xf32, #tpu.memory_space<hbm>> -> memref<4x50x32xf32, #tpu.memory_space<hbm>>
          %dma_wait3A_1496 = arith.constant 0 : i32
          %dma_wait3A_1497 = arith.constant 0 : i32
          %dma_wait3A_1498 = arith.constant 0 : i32
          %dma_wait3A_1499 = tpu.memref_slice %arg14[%dma_wait3A_1496, %dma_wait3A_1497, %dma_wait3A_1498] : memref<4096x50x192xf32, #tpu.memory_space<hbm>> -> memref<4x50x32xf32, #tpu.memory_space<hbm>>
          %dma_wait3A_1500 = arith.constant 0 : i32
          %dma_wait3A_1501 = arith.constant 0 : i32
          %dma_wait3A_1502 = arith.constant 0 : i32
          %dma_wait3A_1503 = tpu.memref_slice %arg16[%dma_wait3A_1485, %dma_wait3A_1486, %dma_wait3A_1500, %dma_wait3A_1501, %dma_wait3A_1502] : memref<2x6x4x50x32xf32, #tpu.memory_space<vmem>> -> memref<1x1x4x50x32xf32, #tpu.memory_space<vmem>>
          %dma_wait3A_1504 = tpu.memref_squeeze %dma_wait3A_1503 : memref<1x1x4x50x32xf32, #tpu.memory_space<vmem>> -> memref<4x50x32xf32, #tpu.memory_space<vmem>>
          tpu.wait_dma2 semaphore(%arg19 : memref<!tpu.dma_semaphore, #tpu.memory_space<semaphore_mem>>) src(%dma_wait3A_1504 : memref<4x50x32xf32, #tpu.memory_space<vmem>>) dst(%dma_wait3A_1499 : memref<4x50x32xf32, #tpu.memory_space<hbm>>)
          %dma_wait3A_1505 = arith.constant 0 : i32
          %dma_wait3A_1506 = arith.constant 1 : i32
          %dma_wait3A_1507 = arith.constant 0 : i32
          %dma_wait3A_1508 = arith.constant 0 : i32
          %dma_wait3A_1509 = arith.constant 0 : i32
          %dma_wait3A_1510 = tpu.memref_slice %arg16[%dma_wait3A_1505, %dma_wait3A_1506, %dma_wait3A_1507, %dma_wait3A_1508, %dma_wait3A_1509] : memref<2x6x4x50x32xf32, #tpu.memory_space<vmem>> -> memref<1x1x4x50x32xf32, #tpu.memory_space<vmem>>
          %dma_wait3A_1511 = tpu.memref_squeeze %dma_wait3A_1510 : memref<1x1x4x50x32xf32, #tpu.memory_space<vmem>> -> memref<4x50x32xf32, #tpu.memory_space<vmem>>
          %dma_wait3A_1512 = arith.constant 0 : i32
          %dma_wait3A_1513 = arith.constant 0 : i32
          %dma_wait3A_1514 = arith.constant 0 : i32
          %dma_wait3A_1515 = tpu.memref_slice %arg14[%dma_wait3A_1512, %dma_wait3A_1513, %dma_wait3A_1514] : memref<4096x50x192xf32, #tpu.memory_space<hbm>> -> memref<4x50x32xf32, #tpu.memory_space<hbm>>
          %dma_wait3A_1516 = arith.constant 0 : i32
          %dma_wait3A_1517 = arith.constant 0 : i32
          %dma_wait3A_1518 = arith.constant 0 : i32
          %dma_wait3A_1519 = tpu.memref_slice %arg14[%dma_wait3A_1516, %dma_wait3A_1517, %dma_wait3A_1518] : memref<4096x50x192xf32, #tpu.memory_space<hbm>> -> memref<4x50x32xf32, #tpu.memory_space<hbm>>
          %dma_wait3A_1520 = arith.constant 0 : i32
          %dma_wait3A_1521 = arith.constant 0 : i32
          %dma_wait3A_1522 = arith.constant 0 : i32
          %dma_wait3A_1523 = tpu.memref_slice %arg16[%dma_wait3A_1505, %dma_wait3A_1506, %dma_wait3A_1520, %dma_wait3A_1521, %dma_wait3A_1522] : memref<2x6x4x50x32xf32, #tpu.memory_space<vmem>> -> memref<1x1x4x50x32xf32, #tpu.memory_space<vmem>>
          %dma_wait3A_1524 = tpu.memref_squeeze %dma_wait3A_1523 : memref<1x1x4x50x32xf32, #tpu.memory_space<vmem>> -> memref<4x50x32xf32, #tpu.memory_space<vmem>>
          tpu.wait_dma2 semaphore(%arg19 : memref<!tpu.dma_semaphore, #tpu.memory_space<semaphore_mem>>) src(%dma_wait3A_1524 : memref<4x50x32xf32, #tpu.memory_space<vmem>>) dst(%dma_wait3A_1519 : memref<4x50x32xf32, #tpu.memory_space<hbm>>)
          %dma_wait3A_1525 = arith.constant 0 : i32
          %dma_wait3A_1526 = arith.constant 2 : i32
          %dma_wait3A_1527 = arith.constant 0 : i32
          %dma_wait3A_1528 = arith.constant 0 : i32
          %dma_wait3A_1529 = arith.constant 0 : i32
          %dma_wait3A_1530 = tpu.memref_slice %arg16[%dma_wait3A_1525, %dma_wait3A_1526, %dma_wait3A_1527, %dma_wait3A_1528, %dma_wait3A_1529] : memref<2x6x4x50x32xf32, #tpu.memory_space<vmem>> -> memref<1x1x4x50x32xf32, #tpu.memory_space<vmem>>
          %dma_wait3A_1531 = tpu.memref_squeeze %dma_wait3A_1530 : memref<1x1x4x50x32xf32, #tpu.memory_space<vmem>> -> memref<4x50x32xf32, #tpu.memory_space<vmem>>
          %dma_wait3A_1532 = arith.constant 0 : i32
          %dma_wait3A_1533 = arith.constant 0 : i32
          %dma_wait3A_1534 = arith.constant 0 : i32
          %dma_wait3A_1535 = tpu.memref_slice %arg14[%dma_wait3A_1532, %dma_wait3A_1533, %dma_wait3A_1534] : memref<4096x50x192xf32, #tpu.memory_space<hbm>> -> memref<4x50x32xf32, #tpu.memory_space<hbm>>
          %dma_wait3A_1536 = arith.constant 0 : i32
          %dma_wait3A_1537 = arith.constant 0 : i32
          %dma_wait3A_1538 = arith.constant 0 : i32
          %dma_wait3A_1539 = tpu.memref_slice %arg14[%dma_wait3A_1536, %dma_wait3A_1537, %dma_wait3A_1538] : memref<4096x50x192xf32, #tpu.memory_space<hbm>> -> memref<4x50x32xf32, #tpu.memory_space<hbm>>
          %dma_wait3A_1540 = arith.constant 0 : i32
          %dma_wait3A_1541 = arith.constant 0 : i32
          %dma_wait3A_1542 = arith.constant 0 : i32
          %dma_wait3A_1543 = tpu.memref_slice %arg16[%dma_wait3A_1525, %dma_wait3A_1526, %dma_wait3A_1540, %dma_wait3A_1541, %dma_wait3A_1542] : memref<2x6x4x50x32xf32, #tpu.memory_space<vmem>> -> memref<1x1x4x50x32xf32, #tpu.memory_space<vmem>>
          %dma_wait3A_1544 = tpu.memref_squeeze %dma_wait3A_1543 : memref<1x1x4x50x32xf32, #tpu.memory_space<vmem>> -> memref<4x50x32xf32, #tpu.memory_space<vmem>>
          tpu.wait_dma2 semaphore(%arg19 : memref<!tpu.dma_semaphore, #tpu.memory_space<semaphore_mem>>) src(%dma_wait3A_1544 : memref<4x50x32xf32, #tpu.memory_space<vmem>>) dst(%dma_wait3A_1539 : memref<4x50x32xf32, #tpu.memory_space<hbm>>)
          %dma_wait3A_1545 = arith.constant 0 : i32
          %dma_wait3A_1546 = arith.constant 3 : i32
          %dma_wait3A_1547 = arith.constant 0 : i32
          %dma_wait3A_1548 = arith.constant 0 : i32
          %dma_wait3A_1549 = arith.constant 0 : i32
          %dma_wait3A_1550 = tpu.memref_slice %arg16[%dma_wait3A_1545, %dma_wait3A_1546, %dma_wait3A_1547, %dma_wait3A_1548, %dma_wait3A_1549] : memref<2x6x4x50x32xf32, #tpu.memory_space<vmem>> -> memref<1x1x4x50x32xf32, #tpu.memory_space<vmem>>
          %dma_wait3A_1551 = tpu.memref_squeeze %dma_wait3A_1550 : memref<1x1x4x50x32xf32, #tpu.memory_space<vmem>> -> memref<4x50x32xf32, #tpu.memory_space<vmem>>
          %dma_wait3A_1552 = arith.constant 0 : i32
          %dma_wait3A_1553 = arith.constant 0 : i32
          %dma_wait3A_1554 = arith.constant 0 : i32
          %dma_wait3A_1555 = tpu.memref_slice %arg14[%dma_wait3A_1552, %dma_wait3A_1553, %dma_wait3A_1554] : memref<4096x50x192xf32, #tpu.memory_space<hbm>> -> memref<4x50x32xf32, #tpu.memory_space<hbm>>
          %dma_wait3A_1556 = arith.constant 0 : i32
          %dma_wait3A_1557 = arith.constant 0 : i32
          %dma_wait3A_1558 = arith.constant 0 : i32
          %dma_wait3A_1559 = tpu.memref_slice %arg14[%dma_wait3A_1556, %dma_wait3A_1557, %dma_wait3A_1558] : memref<4096x50x192xf32, #tpu.memory_space<hbm>> -> memref<4x50x32xf32, #tpu.memory_space<hbm>>
          %dma_wait3A_1560 = arith.constant 0 : i32
          %dma_wait3A_1561 = arith.constant 0 : i32
          %dma_wait3A_1562 = arith.constant 0 : i32
          %dma_wait3A_1563 = tpu.memref_slice %arg16[%dma_wait3A_1545, %dma_wait3A_1546, %dma_wait3A_1560, %dma_wait3A_1561, %dma_wait3A_1562] : memref<2x6x4x50x32xf32, #tpu.memory_space<vmem>> -> memref<1x1x4x50x32xf32, #tpu.memory_space<vmem>>
          %dma_wait3A_1564 = tpu.memref_squeeze %dma_wait3A_1563 : memref<1x1x4x50x32xf32, #tpu.memory_space<vmem>> -> memref<4x50x32xf32, #tpu.memory_space<vmem>>
          tpu.wait_dma2 semaphore(%arg19 : memref<!tpu.dma_semaphore, #tpu.memory_space<semaphore_mem>>) src(%dma_wait3A_1564 : memref<4x50x32xf32, #tpu.memory_space<vmem>>) dst(%dma_wait3A_1559 : memref<4x50x32xf32, #tpu.memory_space<hbm>>)
          %dma_wait3A_1565 = arith.constant 0 : i32
          %dma_wait3A_1566 = arith.constant 4 : i32
          %dma_wait3A_1567 = arith.constant 0 : i32
          %dma_wait3A_1568 = arith.constant 0 : i32
          %dma_wait3A_1569 = arith.constant 0 : i32
          %dma_wait3A_1570 = tpu.memref_slice %arg16[%dma_wait3A_1565, %dma_wait3A_1566, %dma_wait3A_1567, %dma_wait3A_1568, %dma_wait3A_1569] : memref<2x6x4x50x32xf32, #tpu.memory_space<vmem>> -> memref<1x1x4x50x32xf32, #tpu.memory_space<vmem>>
          %dma_wait3A_1571 = tpu.memref_squeeze %dma_wait3A_1570 : memref<1x1x4x50x32xf32, #tpu.memory_space<vmem>> -> memref<4x50x32xf32, #tpu.memory_space<vmem>>
          %dma_wait3A_1572 = arith.constant 0 : i32
          %dma_wait3A_1573 = arith.constant 0 : i32
          %dma_wait3A_1574 = arith.constant 0 : i32
          %dma_wait3A_1575 = tpu.memref_slice %arg14[%dma_wait3A_1572, %dma_wait3A_1573, %dma_wait3A_1574] : memref<4096x50x192xf32, #tpu.memory_space<hbm>> -> memref<4x50x32xf32, #tpu.memory_space<hbm>>
          %dma_wait3A_1576 = arith.constant 0 : i32
          %dma_wait3A_1577 = arith.constant 0 : i32
          %dma_wait3A_1578 = arith.constant 0 : i32
          %dma_wait3A_1579 = tpu.memref_slice %arg14[%dma_wait3A_1576, %dma_wait3A_1577, %dma_wait3A_1578] : memref<4096x50x192xf32, #tpu.memory_space<hbm>> -> memref<4x50x32xf32, #tpu.memory_space<hbm>>
          %dma_wait3A_1580 = arith.constant 0 : i32
          %dma_wait3A_1581 = arith.constant 0 : i32
          %dma_wait3A_1582 = arith.constant 0 : i32
          %dma_wait3A_1583 = tpu.memref_slice %arg16[%dma_wait3A_1565, %dma_wait3A_1566, %dma_wait3A_1580, %dma_wait3A_1581, %dma_wait3A_1582] : memref<2x6x4x50x32xf32, #tpu.memory_space<vmem>> -> memref<1x1x4x50x32xf32, #tpu.memory_space<vmem>>
          %dma_wait3A_1584 = tpu.memref_squeeze %dma_wait3A_1583 : memref<1x1x4x50x32xf32, #tpu.memory_space<vmem>> -> memref<4x50x32xf32, #tpu.memory_space<vmem>>
          tpu.wait_dma2 semaphore(%arg19 : memref<!tpu.dma_semaphore, #tpu.memory_space<semaphore_mem>>) src(%dma_wait3A_1584 : memref<4x50x32xf32, #tpu.memory_space<vmem>>) dst(%dma_wait3A_1579 : memref<4x50x32xf32, #tpu.memory_space<hbm>>)
          %dma_wait3A_1585 = arith.constant 0 : i32
          %dma_wait3A_1586 = arith.constant 5 : i32
          %dma_wait3A_1587 = arith.constant 0 : i32
          %dma_wait3A_1588 = arith.constant 0 : i32
          %dma_wait3A_1589 = arith.constant 0 : i32
          %dma_wait3A_1590 = tpu.memref_slice %arg16[%dma_wait3A_1585, %dma_wait3A_1586, %dma_wait3A_1587, %dma_wait3A_1588, %dma_wait3A_1589] : memref<2x6x4x50x32xf32, #tpu.memory_space<vmem>> -> memref<1x1x4x50x32xf32, #tpu.memory_space<vmem>>
          %dma_wait3A_1591 = tpu.memref_squeeze %dma_wait3A_1590 : memref<1x1x4x50x32xf32, #tpu.memory_space<vmem>> -> memref<4x50x32xf32, #tpu.memory_space<vmem>>
          %dma_wait3A_1592 = arith.constant 0 : i32
          %dma_wait3A_1593 = arith.constant 0 : i32
          %dma_wait3A_1594 = arith.constant 0 : i32
          %dma_wait3A_1595 = tpu.memref_slice %arg14[%dma_wait3A_1592, %dma_wait3A_1593, %dma_wait3A_1594] : memref<4096x50x192xf32, #tpu.memory_space<hbm>> -> memref<4x50x32xf32, #tpu.memory_space<hbm>>
          %dma_wait3A_1596 = arith.constant 0 : i32
          %dma_wait3A_1597 = arith.constant 0 : i32
          %dma_wait3A_1598 = arith.constant 0 : i32
          %dma_wait3A_1599 = tpu.memref_slice %arg14[%dma_wait3A_1596, %dma_wait3A_1597, %dma_wait3A_1598] : memref<4096x50x192xf32, #tpu.memory_space<hbm>> -> memref<4x50x32xf32, #tpu.memory_space<hbm>>
          %dma_wait3A_1600 = arith.constant 0 : i32
          %dma_wait3A_1601 = arith.constant 0 : i32
          %dma_wait3A_1602 = arith.constant 0 : i32
          %dma_wait3A_1603 = tpu.memref_slice %arg16[%dma_wait3A_1585, %dma_wait3A_1586, %dma_wait3A_1600, %dma_wait3A_1601, %dma_wait3A_1602] : memref<2x6x4x50x32xf32, #tpu.memory_space<vmem>> -> memref<1x1x4x50x32xf32, #tpu.memory_space<vmem>>
          %dma_wait3A_1604 = tpu.memref_squeeze %dma_wait3A_1603 : memref<1x1x4x50x32xf32, #tpu.memory_space<vmem>> -> memref<4x50x32xf32, #tpu.memory_space<vmem>>
          tpu.wait_dma2 semaphore(%arg19 : memref<!tpu.dma_semaphore, #tpu.memory_space<semaphore_mem>>) src(%dma_wait3A_1604 : memref<4x50x32xf32, #tpu.memory_space<vmem>>) dst(%dma_wait3A_1599 : memref<4x50x32xf32, #tpu.memory_space<hbm>>)
        } else {
        }
        %add3A_1097 = arith.constant 1 : i32
        %add3A_1098 = arith.addi %add3A_854, %add3A_1097 : i32
        %mul3A_1099 = arith.constant 4 : i32
        %mul3A_1100 = arith.muli %add3A_1098, %mul3A_1099 : i32
        %add3A_1101 = arith.constant 0 : i32
        %add3A_1102 = arith.addi %mul3A_1100, %add3A_1101 : i32
        %dma_start3A_1103 = arith.constant 0 : i32
        %dma_start3A_1104 = arith.constant 0 : i32
        %dma_start3A_1105 = arith.constant 0 : i32
        %dma_start3A_1106 = arith.constant 0 : i32
        %dma_start3A_1107 = arith.constant 0 : i32
        %dma_start3A_1108 = arith.constant 0 : i32
        %dma_start3A_1109 = tpu.memref_slice %arg16[%dma_start3A_1104, %dma_start3A_1105, %dma_start3A_1106, %dma_start3A_1107, %dma_start3A_1108] : memref<2x6x4x50x32xf32, #tpu.memory_space<vmem>> -> memref<1x1x1x50x32xf32, #tpu.memory_space<vmem>>
        %dma_start3A_1110 = tpu.memref_squeeze %dma_start3A_1109 : memref<1x1x1x50x32xf32, #tpu.memory_space<vmem>> -> memref<50x32xf32, #tpu.memory_space<vmem>>
        %dma_start3A_1111 = arith.constant 0 : i32
        %dma_start3A_1112 = tpu.memref_slice %arg15[%dma_start3A_1103, %add3A_1102, %dma_start3A_1111] : memref<6x128x50xi32, #tpu.memory_space<vmem>> -> memref<1x1x50xi32, #tpu.memory_space<vmem>>
        %dma_start3A_1113 = tpu.memref_squeeze %dma_start3A_1112 : memref<1x1x50xi32, #tpu.memory_space<vmem>> -> memref<50xi32, #tpu.memory_space<vmem>>
        %dma_start3A_1114 = arith.constant 0 : i32
        %dma_start3A_1115 = arith.constant 0 : i32
        %dma_start3A_1116 = tpu.memref_slice %arg2[%dma_start3A_1114, %dma_start3A_1115] : memref<100000x32xf32, #tpu.memory_space<hbm>> -> memref<100000x32xf32, #tpu.memory_space<hbm>>
        tpu.enqueue_indirect_dma source(%dma_start3A_1116 : memref<100000x32xf32, #tpu.memory_space<hbm>>) target(%dma_start3A_1110 : memref<50x32xf32, #tpu.memory_space<vmem>>) offsets(%dma_start3A_1113 : memref<50xi32, #tpu.memory_space<vmem>>) semaphore(%arg17 : memref<!tpu.dma_semaphore, #tpu.memory_space<semaphore_mem>>)
        %add3A_1117 = arith.constant 1 : i32
        %add3A_1118 = arith.addi %mul3A_1100, %add3A_1117 : i32
        %dma_start3A_1119 = arith.constant 0 : i32
        %dma_start3A_1120 = arith.constant 0 : i32
        %dma_start3A_1121 = arith.constant 0 : i32
        %dma_start3A_1122 = arith.constant 1 : i32
        %dma_start3A_1123 = arith.constant 0 : i32
        %dma_start3A_1124 = arith.constant 0 : i32
        %dma_start3A_1125 = tpu.memref_slice %arg16[%dma_start3A_1120, %dma_start3A_1121, %dma_start3A_1122, %dma_start3A_1123, %dma_start3A_1124] : memref<2x6x4x50x32xf32, #tpu.memory_space<vmem>> -> memref<1x1x1x50x32xf32, #tpu.memory_space<vmem>>
        %dma_start3A_1126 = tpu.memref_squeeze %dma_start3A_1125 : memref<1x1x1x50x32xf32, #tpu.memory_space<vmem>> -> memref<50x32xf32, #tpu.memory_space<vmem>>
        %dma_start3A_1127 = arith.constant 0 : i32
        %dma_start3A_1128 = tpu.memref_slice %arg15[%dma_start3A_1119, %add3A_1118, %dma_start3A_1127] : memref<6x128x50xi32, #tpu.memory_space<vmem>> -> memref<1x1x50xi32, #tpu.memory_space<vmem>>
        %dma_start3A_1129 = tpu.memref_squeeze %dma_start3A_1128 : memref<1x1x50xi32, #tpu.memory_space<vmem>> -> memref<50xi32, #tpu.memory_space<vmem>>
        %dma_start3A_1130 = arith.constant 0 : i32
        %dma_start3A_1131 = arith.constant 0 : i32
        %dma_start3A_1132 = tpu.memref_slice %arg2[%dma_start3A_1130, %dma_start3A_1131] : memref<100000x32xf32, #tpu.memory_space<hbm>> -> memref<100000x32xf32, #tpu.memory_space<hbm>>
        tpu.enqueue_indirect_dma source(%dma_start3A_1132 : memref<100000x32xf32, #tpu.memory_space<hbm>>) target(%dma_start3A_1126 : memref<50x32xf32, #tpu.memory_space<vmem>>) offsets(%dma_start3A_1129 : memref<50xi32, #tpu.memory_space<vmem>>) semaphore(%arg17 : memref<!tpu.dma_semaphore, #tpu.memory_space<semaphore_mem>>)
        %add3A_1133 = arith.constant 2 : i32
        %add3A_1134 = arith.addi %mul3A_1100, %add3A_1133 : i32
        %dma_start3A_1135 = arith.constant 0 : i32
        %dma_start3A_1136 = arith.constant 0 : i32
        %dma_start3A_1137 = arith.constant 0 : i32
        %dma_start3A_1138 = arith.constant 2 : i32
        %dma_start3A_1139 = arith.constant 0 : i32
        %dma_start3A_1140 = arith.constant 0 : i32
        %dma_start3A_1141 = tpu.memref_slice %arg16[%dma_start3A_1136, %dma_start3A_1137, %dma_start3A_1138, %dma_start3A_1139, %dma_start3A_1140] : memref<2x6x4x50x32xf32, #tpu.memory_space<vmem>> -> memref<1x1x1x50x32xf32, #tpu.memory_space<vmem>>
        %dma_start3A_1142 = tpu.memref_squeeze %dma_start3A_1141 : memref<1x1x1x50x32xf32, #tpu.memory_space<vmem>> -> memref<50x32xf32, #tpu.memory_space<vmem>>
        %dma_start3A_1143 = arith.constant 0 : i32
        %dma_start3A_1144 = tpu.memref_slice %arg15[%dma_start3A_1135, %add3A_1134, %dma_start3A_1143] : memref<6x128x50xi32, #tpu.memory_space<vmem>> -> memref<1x1x50xi32, #tpu.memory_space<vmem>>
        %dma_start3A_1145 = tpu.memref_squeeze %dma_start3A_1144 : memref<1x1x50xi32, #tpu.memory_space<vmem>> -> memref<50xi32, #tpu.memory_space<vmem>>
        %dma_start3A_1146 = arith.constant 0 : i32
        %dma_start3A_1147 = arith.constant 0 : i32
        %dma_start3A_1148 = tpu.memref_slice %arg2[%dma_start3A_1146, %dma_start3A_1147] : memref<100000x32xf32, #tpu.memory_space<hbm>> -> memref<100000x32xf32, #tpu.memory_space<hbm>>
        tpu.enqueue_indirect_dma source(%dma_start3A_1148 : memref<100000x32xf32, #tpu.memory_space<hbm>>) target(%dma_start3A_1142 : memref<50x32xf32, #tpu.memory_space<vmem>>) offsets(%dma_start3A_1145 : memref<50xi32, #tpu.memory_space<vmem>>) semaphore(%arg17 : memref<!tpu.dma_semaphore, #tpu.memory_space<semaphore_mem>>)
        %add3A_1149 = arith.constant 3 : i32
        %add3A_1150 = arith.addi %mul3A_1100, %add3A_1149 : i32
        %dma_start3A_1151 = arith.constant 0 : i32
        %dma_start3A_1152 = arith.constant 0 : i32
        %dma_start3A_1153 = arith.constant 0 : i32
        %dma_start3A_1154 = arith.constant 3 : i32
        %dma_start3A_1155 = arith.constant 0 : i32
        %dma_start3A_1156 = arith.constant 0 : i32
        %dma_start3A_1157 = tpu.memref_slice %arg16[%dma_start3A_1152, %dma_start3A_1153, %dma_start3A_1154, %dma_start3A_1155, %dma_start3A_1156] : memref<2x6x4x50x32xf32, #tpu.memory_space<vmem>> -> memref<1x1x1x50x32xf32, #tpu.memory_space<vmem>>
        %dma_start3A_1158 = tpu.memref_squeeze %dma_start3A_1157 : memref<1x1x1x50x32xf32, #tpu.memory_space<vmem>> -> memref<50x32xf32, #tpu.memory_space<vmem>>
        %dma_start3A_1159 = arith.constant 0 : i32
        %dma_start3A_1160 = tpu.memref_slice %arg15[%dma_start3A_1151, %add3A_1150, %dma_start3A_1159] : memref<6x128x50xi32, #tpu.memory_space<vmem>> -> memref<1x1x50xi32, #tpu.memory_space<vmem>>
        %dma_start3A_1161 = tpu.memref_squeeze %dma_start3A_1160 : memref<1x1x50xi32, #tpu.memory_space<vmem>> -> memref<50xi32, #tpu.memory_space<vmem>>
        %dma_start3A_1162 = arith.constant 0 : i32
        %dma_start3A_1163 = arith.constant 0 : i32
        %dma_start3A_1164 = tpu.memref_slice %arg2[%dma_start3A_1162, %dma_start3A_1163] : memref<100000x32xf32, #tpu.memory_space<hbm>> -> memref<100000x32xf32, #tpu.memory_space<hbm>>
        tpu.enqueue_indirect_dma source(%dma_start3A_1164 : memref<100000x32xf32, #tpu.memory_space<hbm>>) target(%dma_start3A_1158 : memref<50x32xf32, #tpu.memory_space<vmem>>) offsets(%dma_start3A_1161 : memref<50xi32, #tpu.memory_space<vmem>>) semaphore(%arg17 : memref<!tpu.dma_semaphore, #tpu.memory_space<semaphore_mem>>)
        %add3A_1165 = arith.constant 0 : i32
        %add3A_1166 = arith.addi %mul3A_1100, %add3A_1165 : i32
        %dma_start3A_1167 = arith.constant 1 : i32
        %dma_start3A_1168 = arith.constant 0 : i32
        %dma_start3A_1169 = arith.constant 1 : i32
        %dma_start3A_1170 = arith.constant 0 : i32
        %dma_start3A_1171 = arith.constant 0 : i32
        %dma_start3A_1172 = arith.constant 0 : i32
        %dma_start3A_1173 = tpu.memref_slice %arg16[%dma_start3A_1168, %dma_start3A_1169, %dma_start3A_1170, %dma_start3A_1171, %dma_start3A_1172] : memref<2x6x4x50x32xf32, #tpu.memory_space<vmem>> -> memref<1x1x1x50x32xf32, #tpu.memory_space<vmem>>
        %dma_start3A_1174 = tpu.memref_squeeze %dma_start3A_1173 : memref<1x1x1x50x32xf32, #tpu.memory_space<vmem>> -> memref<50x32xf32, #tpu.memory_space<vmem>>
        %dma_start3A_1175 = arith.constant 0 : i32
        %dma_start3A_1176 = tpu.memref_slice %arg15[%dma_start3A_1167, %add3A_1166, %dma_start3A_1175] : memref<6x128x50xi32, #tpu.memory_space<vmem>> -> memref<1x1x50xi32, #tpu.memory_space<vmem>>
        %dma_start3A_1177 = tpu.memref_squeeze %dma_start3A_1176 : memref<1x1x50xi32, #tpu.memory_space<vmem>> -> memref<50xi32, #tpu.memory_space<vmem>>
        %dma_start3A_1178 = arith.constant 0 : i32
        %dma_start3A_1179 = arith.constant 0 : i32
        %dma_start3A_1180 = tpu.memref_slice %arg3[%dma_start3A_1178, %dma_start3A_1179] : memref<1000000x32xf32, #tpu.memory_space<hbm>> -> memref<1000000x32xf32, #tpu.memory_space<hbm>>
        tpu.enqueue_indirect_dma source(%dma_start3A_1180 : memref<1000000x32xf32, #tpu.memory_space<hbm>>) target(%dma_start3A_1174 : memref<50x32xf32, #tpu.memory_space<vmem>>) offsets(%dma_start3A_1177 : memref<50xi32, #tpu.memory_space<vmem>>) semaphore(%arg17 : memref<!tpu.dma_semaphore, #tpu.memory_space<semaphore_mem>>)
        %add3A_1181 = arith.constant 1 : i32
        %add3A_1182 = arith.addi %mul3A_1100, %add3A_1181 : i32
        %dma_start3A_1183 = arith.constant 1 : i32
        %dma_start3A_1184 = arith.constant 0 : i32
        %dma_start3A_1185 = arith.constant 1 : i32
        %dma_start3A_1186 = arith.constant 1 : i32
        %dma_start3A_1187 = arith.constant 0 : i32
        %dma_start3A_1188 = arith.constant 0 : i32
        %dma_start3A_1189 = tpu.memref_slice %arg16[%dma_start3A_1184, %dma_start3A_1185, %dma_start3A_1186, %dma_start3A_1187, %dma_start3A_1188] : memref<2x6x4x50x32xf32, #tpu.memory_space<vmem>> -> memref<1x1x1x50x32xf32, #tpu.memory_space<vmem>>
        %dma_start3A_1190 = tpu.memref_squeeze %dma_start3A_1189 : memref<1x1x1x50x32xf32, #tpu.memory_space<vmem>> -> memref<50x32xf32, #tpu.memory_space<vmem>>
        %dma_start3A_1191 = arith.constant 0 : i32
        %dma_start3A_1192 = tpu.memref_slice %arg15[%dma_start3A_1183, %add3A_1182, %dma_start3A_1191] : memref<6x128x50xi32, #tpu.memory_space<vmem>> -> memref<1x1x50xi32, #tpu.memory_space<vmem>>
        %dma_start3A_1193 = tpu.memref_squeeze %dma_start3A_1192 : memref<1x1x50xi32, #tpu.memory_space<vmem>> -> memref<50xi32, #tpu.memory_space<vmem>>
        %dma_start3A_1194 = arith.constant 0 : i32
        %dma_start3A_1195 = arith.constant 0 : i32
        %dma_start3A_1196 = tpu.memref_slice %arg3[%dma_start3A_1194, %dma_start3A_1195] : memref<1000000x32xf32, #tpu.memory_space<hbm>> -> memref<1000000x32xf32, #tpu.memory_space<hbm>>
        tpu.enqueue_indirect_dma source(%dma_start3A_1196 : memref<1000000x32xf32, #tpu.memory_space<hbm>>) target(%dma_start3A_1190 : memref<50x32xf32, #tpu.memory_space<vmem>>) offsets(%dma_start3A_1193 : memref<50xi32, #tpu.memory_space<vmem>>) semaphore(%arg17 : memref<!tpu.dma_semaphore, #tpu.memory_space<semaphore_mem>>)
        %add3A_1197 = arith.constant 2 : i32
        %add3A_1198 = arith.addi %mul3A_1100, %add3A_1197 : i32
        %dma_start3A_1199 = arith.constant 1 : i32
        %dma_start3A_1200 = arith.constant 0 : i32
        %dma_start3A_1201 = arith.constant 1 : i32
        %dma_start3A_1202 = arith.constant 2 : i32
        %dma_start3A_1203 = arith.constant 0 : i32
        %dma_start3A_1204 = arith.constant 0 : i32
        %dma_start3A_1205 = tpu.memref_slice %arg16[%dma_start3A_1200, %dma_start3A_1201, %dma_start3A_1202, %dma_start3A_1203, %dma_start3A_1204] : memref<2x6x4x50x32xf32, #tpu.memory_space<vmem>> -> memref<1x1x1x50x32xf32, #tpu.memory_space<vmem>>
        %dma_start3A_1206 = tpu.memref_squeeze %dma_start3A_1205 : memref<1x1x1x50x32xf32, #tpu.memory_space<vmem>> -> memref<50x32xf32, #tpu.memory_space<vmem>>
        %dma_start3A_1207 = arith.constant 0 : i32
        %dma_start3A_1208 = tpu.memref_slice %arg15[%dma_start3A_1199, %add3A_1198, %dma_start3A_1207] : memref<6x128x50xi32, #tpu.memory_space<vmem>> -> memref<1x1x50xi32, #tpu.memory_space<vmem>>
        %dma_start3A_1209 = tpu.memref_squeeze %dma_start3A_1208 : memref<1x1x50xi32, #tpu.memory_space<vmem>> -> memref<50xi32, #tpu.memory_space<vmem>>
        %dma_start3A_1210 = arith.constant 0 : i32
        %dma_start3A_1211 = arith.constant 0 : i32
        %dma_start3A_1212 = tpu.memref_slice %arg3[%dma_start3A_1210, %dma_start3A_1211] : memref<1000000x32xf32, #tpu.memory_space<hbm>> -> memref<1000000x32xf32, #tpu.memory_space<hbm>>
        tpu.enqueue_indirect_dma source(%dma_start3A_1212 : memref<1000000x32xf32, #tpu.memory_space<hbm>>) target(%dma_start3A_1206 : memref<50x32xf32, #tpu.memory_space<vmem>>) offsets(%dma_start3A_1209 : memref<50xi32, #tpu.memory_space<vmem>>) semaphore(%arg17 : memref<!tpu.dma_semaphore, #tpu.memory_space<semaphore_mem>>)
        %add3A_1213 = arith.constant 3 : i32
        %add3A_1214 = arith.addi %mul3A_1100, %add3A_1213 : i32
        %dma_start3A_1215 = arith.constant 1 : i32
        %dma_start3A_1216 = arith.constant 0 : i32
        %dma_start3A_1217 = arith.constant 1 : i32
        %dma_start3A_1218 = arith.constant 3 : i32
        %dma_start3A_1219 = arith.constant 0 : i32
        %dma_start3A_1220 = arith.constant 0 : i32
        %dma_start3A_1221 = tpu.memref_slice %arg16[%dma_start3A_1216, %dma_start3A_1217, %dma_start3A_1218, %dma_start3A_1219, %dma_start3A_1220] : memref<2x6x4x50x32xf32, #tpu.memory_space<vmem>> -> memref<1x1x1x50x32xf32, #tpu.memory_space<vmem>>
        %dma_start3A_1222 = tpu.memref_squeeze %dma_start3A_1221 : memref<1x1x1x50x32xf32, #tpu.memory_space<vmem>> -> memref<50x32xf32, #tpu.memory_space<vmem>>
        %dma_start3A_1223 = arith.constant 0 : i32
        %dma_start3A_1224 = tpu.memref_slice %arg15[%dma_start3A_1215, %add3A_1214, %dma_start3A_1223] : memref<6x128x50xi32, #tpu.memory_space<vmem>> -> memref<1x1x50xi32, #tpu.memory_space<vmem>>
        %dma_start3A_1225 = tpu.memref_squeeze %dma_start3A_1224 : memref<1x1x50xi32, #tpu.memory_space<vmem>> -> memref<50xi32, #tpu.memory_space<vmem>>
        %dma_start3A_1226 = arith.constant 0 : i32
        %dma_start3A_1227 = arith.constant 0 : i32
        %dma_start3A_1228 = tpu.memref_slice %arg3[%dma_start3A_1226, %dma_start3A_1227] : memref<1000000x32xf32, #tpu.memory_space<hbm>> -> memref<1000000x32xf32, #tpu.memory_space<hbm>>
        tpu.enqueue_indirect_dma source(%dma_start3A_1228 : memref<1000000x32xf32, #tpu.memory_space<hbm>>) target(%dma_start3A_1222 : memref<50x32xf32, #tpu.memory_space<vmem>>) offsets(%dma_start3A_1225 : memref<50xi32, #tpu.memory_space<vmem>>) semaphore(%arg17 : memref<!tpu.dma_semaphore, #tpu.memory_space<semaphore_mem>>)
        %add3A_1229 = arith.constant 0 : i32
        %add3A_1230 = arith.addi %mul3A_1100, %add3A_1229 : i32
        %dma_start3A_1231 = arith.constant 2 : i32
        %dma_start3A_1232 = arith.constant 0 : i32
        %dma_start3A_1233 = arith.constant 2 : i32
        %dma_start3A_1234 = arith.constant 0 : i32
        %dma_start3A_1235 = arith.constant 0 : i32
        %dma_start3A_1236 = arith.constant 0 : i32
        %dma_start3A_1237 = tpu.memref_slice %arg16[%dma_start3A_1232, %dma_start3A_1233, %dma_start3A_1234, %dma_start3A_1235, %dma_start3A_1236] : memref<2x6x4x50x32xf32, #tpu.memory_space<vmem>> -> memref<1x1x1x50x32xf32, #tpu.memory_space<vmem>>
        %dma_start3A_1238 = tpu.memref_squeeze %dma_start3A_1237 : memref<1x1x1x50x32xf32, #tpu.memory_space<vmem>> -> memref<50x32xf32, #tpu.memory_space<vmem>>
        %dma_start3A_1239 = arith.constant 0 : i32
        %dma_start3A_1240 = tpu.memref_slice %arg15[%dma_start3A_1231, %add3A_1230, %dma_start3A_1239] : memref<6x128x50xi32, #tpu.memory_space<vmem>> -> memref<1x1x50xi32, #tpu.memory_space<vmem>>
        %dma_start3A_1241 = tpu.memref_squeeze %dma_start3A_1240 : memref<1x1x50xi32, #tpu.memory_space<vmem>> -> memref<50xi32, #tpu.memory_space<vmem>>
        %dma_start3A_1242 = arith.constant 0 : i32
        %dma_start3A_1243 = arith.constant 0 : i32
        %dma_start3A_1244 = tpu.memref_slice %arg4[%dma_start3A_1242, %dma_start3A_1243] : memref<16000x32xf32, #tpu.memory_space<hbm>> -> memref<16000x32xf32, #tpu.memory_space<hbm>>
        tpu.enqueue_indirect_dma source(%dma_start3A_1244 : memref<16000x32xf32, #tpu.memory_space<hbm>>) target(%dma_start3A_1238 : memref<50x32xf32, #tpu.memory_space<vmem>>) offsets(%dma_start3A_1241 : memref<50xi32, #tpu.memory_space<vmem>>) semaphore(%arg17 : memref<!tpu.dma_semaphore, #tpu.memory_space<semaphore_mem>>)
        %add3A_1245 = arith.constant 1 : i32
        %add3A_1246 = arith.addi %mul3A_1100, %add3A_1245 : i32
        %dma_start3A_1247 = arith.constant 2 : i32
        %dma_start3A_1248 = arith.constant 0 : i32
        %dma_start3A_1249 = arith.constant 2 : i32
        %dma_start3A_1250 = arith.constant 1 : i32
        %dma_start3A_1251 = arith.constant 0 : i32
        %dma_start3A_1252 = arith.constant 0 : i32
        %dma_start3A_1253 = tpu.memref_slice %arg16[%dma_start3A_1248, %dma_start3A_1249, %dma_start3A_1250, %dma_start3A_1251, %dma_start3A_1252] : memref<2x6x4x50x32xf32, #tpu.memory_space<vmem>> -> memref<1x1x1x50x32xf32, #tpu.memory_space<vmem>>
        %dma_start3A_1254 = tpu.memref_squeeze %dma_start3A_1253 : memref<1x1x1x50x32xf32, #tpu.memory_space<vmem>> -> memref<50x32xf32, #tpu.memory_space<vmem>>
        %dma_start3A_1255 = arith.constant 0 : i32
        %dma_start3A_1256 = tpu.memref_slice %arg15[%dma_start3A_1247, %add3A_1246, %dma_start3A_1255] : memref<6x128x50xi32, #tpu.memory_space<vmem>> -> memref<1x1x50xi32, #tpu.memory_space<vmem>>
        %dma_start3A_1257 = tpu.memref_squeeze %dma_start3A_1256 : memref<1x1x50xi32, #tpu.memory_space<vmem>> -> memref<50xi32, #tpu.memory_space<vmem>>
        %dma_start3A_1258 = arith.constant 0 : i32
        %dma_start3A_1259 = arith.constant 0 : i32
        %dma_start3A_1260 = tpu.memref_slice %arg4[%dma_start3A_1258, %dma_start3A_1259] : memref<16000x32xf32, #tpu.memory_space<hbm>> -> memref<16000x32xf32, #tpu.memory_space<hbm>>
        tpu.enqueue_indirect_dma source(%dma_start3A_1260 : memref<16000x32xf32, #tpu.memory_space<hbm>>) target(%dma_start3A_1254 : memref<50x32xf32, #tpu.memory_space<vmem>>) offsets(%dma_start3A_1257 : memref<50xi32, #tpu.memory_space<vmem>>) semaphore(%arg17 : memref<!tpu.dma_semaphore, #tpu.memory_space<semaphore_mem>>)
        %add3A_1261 = arith.constant 2 : i32
        %add3A_1262 = arith.addi %mul3A_1100, %add3A_1261 : i32
        %dma_start3A_1263 = arith.constant 2 : i32
        %dma_start3A_1264 = arith.constant 0 : i32
        %dma_start3A_1265 = arith.constant 2 : i32
        %dma_start3A_1266 = arith.constant 2 : i32
        %dma_start3A_1267 = arith.constant 0 : i32
        %dma_start3A_1268 = arith.constant 0 : i32
        %dma_start3A_1269 = tpu.memref_slice %arg16[%dma_start3A_1264, %dma_start3A_1265, %dma_start3A_1266, %dma_start3A_1267, %dma_start3A_1268] : memref<2x6x4x50x32xf32, #tpu.memory_space<vmem>> -> memref<1x1x1x50x32xf32, #tpu.memory_space<vmem>>
        %dma_start3A_1270 = tpu.memref_squeeze %dma_start3A_1269 : memref<1x1x1x50x32xf32, #tpu.memory_space<vmem>> -> memref<50x32xf32, #tpu.memory_space<vmem>>
        %dma_start3A_1271 = arith.constant 0 : i32
        %dma_start3A_1272 = tpu.memref_slice %arg15[%dma_start3A_1263, %add3A_1262, %dma_start3A_1271] : memref<6x128x50xi32, #tpu.memory_space<vmem>> -> memref<1x1x50xi32, #tpu.memory_space<vmem>>
        %dma_start3A_1273 = tpu.memref_squeeze %dma_start3A_1272 : memref<1x1x50xi32, #tpu.memory_space<vmem>> -> memref<50xi32, #tpu.memory_space<vmem>>
        %dma_start3A_1274 = arith.constant 0 : i32
        %dma_start3A_1275 = arith.constant 0 : i32
        %dma_start3A_1276 = tpu.memref_slice %arg4[%dma_start3A_1274, %dma_start3A_1275] : memref<16000x32xf32, #tpu.memory_space<hbm>> -> memref<16000x32xf32, #tpu.memory_space<hbm>>
        tpu.enqueue_indirect_dma source(%dma_start3A_1276 : memref<16000x32xf32, #tpu.memory_space<hbm>>) target(%dma_start3A_1270 : memref<50x32xf32, #tpu.memory_space<vmem>>) offsets(%dma_start3A_1273 : memref<50xi32, #tpu.memory_space<vmem>>) semaphore(%arg17 : memref<!tpu.dma_semaphore, #tpu.memory_space<semaphore_mem>>)
        %add3A_1277 = arith.constant 3 : i32
        %add3A_1278 = arith.addi %mul3A_1100, %add3A_1277 : i32
        %dma_start3A_1279 = arith.constant 2 : i32
        %dma_start3A_1280 = arith.constant 0 : i32
        %dma_start3A_1281 = arith.constant 2 : i32
        %dma_start3A_1282 = arith.constant 3 : i32
        %dma_start3A_1283 = arith.constant 0 : i32
        %dma_start3A_1284 = arith.constant 0 : i32
        %dma_start3A_1285 = tpu.memref_slice %arg16[%dma_start3A_1280, %dma_start3A_1281, %dma_start3A_1282, %dma_start3A_1283, %dma_start3A_1284] : memref<2x6x4x50x32xf32, #tpu.memory_space<vmem>> -> memref<1x1x1x50x32xf32, #tpu.memory_space<vmem>>
        %dma_start3A_1286 = tpu.memref_squeeze %dma_start3A_1285 : memref<1x1x1x50x32xf32, #tpu.memory_space<vmem>> -> memref<50x32xf32, #tpu.memory_space<vmem>>
        %dma_start3A_1287 = arith.constant 0 : i32
        %dma_start3A_1288 = tpu.memref_slice %arg15[%dma_start3A_1279, %add3A_1278, %dma_start3A_1287] : memref<6x128x50xi32, #tpu.memory_space<vmem>> -> memref<1x1x50xi32, #tpu.memory_space<vmem>>
        %dma_start3A_1289 = tpu.memref_squeeze %dma_start3A_1288 : memref<1x1x50xi32, #tpu.memory_space<vmem>> -> memref<50xi32, #tpu.memory_space<vmem>>
        %dma_start3A_1290 = arith.constant 0 : i32
        %dma_start3A_1291 = arith.constant 0 : i32
        %dma_start3A_1292 = tpu.memref_slice %arg4[%dma_start3A_1290, %dma_start3A_1291] : memref<16000x32xf32, #tpu.memory_space<hbm>> -> memref<16000x32xf32, #tpu.memory_space<hbm>>
        tpu.enqueue_indirect_dma source(%dma_start3A_1292 : memref<16000x32xf32, #tpu.memory_space<hbm>>) target(%dma_start3A_1286 : memref<50x32xf32, #tpu.memory_space<vmem>>) offsets(%dma_start3A_1289 : memref<50xi32, #tpu.memory_space<vmem>>) semaphore(%arg17 : memref<!tpu.dma_semaphore, #tpu.memory_space<semaphore_mem>>)
        %add3A_1293 = arith.constant 0 : i32
        %add3A_1294 = arith.addi %mul3A_1100, %add3A_1293 : i32
        %dma_start3A_1295 = arith.constant 3 : i32
        %dma_start3A_1296 = arith.constant 0 : i32
        %dma_start3A_1297 = arith.constant 3 : i32
        %dma_start3A_1298 = arith.constant 0 : i32
        %dma_start3A_1299 = arith.constant 0 : i32
        %dma_start3A_1300 = arith.constant 0 : i32
        %dma_start3A_1301 = tpu.memref_slice %arg16[%dma_start3A_1296, %dma_start3A_1297, %dma_start3A_1298, %dma_start3A_1299, %dma_start3A_1300] : memref<2x6x4x50x32xf32, #tpu.memory_space<vmem>> -> memref<1x1x1x50x32xf32, #tpu.memory_space<vmem>>
        %dma_start3A_1302 = tpu.memref_squeeze %dma_start3A_1301 : memref<1x1x1x50x32xf32, #tpu.memory_space<vmem>> -> memref<50x32xf32, #tpu.memory_space<vmem>>
        %dma_start3A_1303 = arith.constant 0 : i32
        %dma_start3A_1304 = tpu.memref_slice %arg15[%dma_start3A_1295, %add3A_1294, %dma_start3A_1303] : memref<6x128x50xi32, #tpu.memory_space<vmem>> -> memref<1x1x50xi32, #tpu.memory_space<vmem>>
        %dma_start3A_1305 = tpu.memref_squeeze %dma_start3A_1304 : memref<1x1x50xi32, #tpu.memory_space<vmem>> -> memref<50xi32, #tpu.memory_space<vmem>>
        %dma_start3A_1306 = arith.constant 0 : i32
        %dma_start3A_1307 = arith.constant 0 : i32
        %dma_start3A_1308 = tpu.memref_slice %arg5[%dma_start3A_1306, %dma_start3A_1307] : memref<12288x32xf32, #tpu.memory_space<hbm>> -> memref<12288x32xf32, #tpu.memory_space<hbm>>
        tpu.enqueue_indirect_dma source(%dma_start3A_1308 : memref<12288x32xf32, #tpu.memory_space<hbm>>) target(%dma_start3A_1302 : memref<50x32xf32, #tpu.memory_space<vmem>>) offsets(%dma_start3A_1305 : memref<50xi32, #tpu.memory_space<vmem>>) semaphore(%arg17 : memref<!tpu.dma_semaphore, #tpu.memory_space<semaphore_mem>>)
        %add3A_1309 = arith.constant 1 : i32
        %add3A_1310 = arith.addi %mul3A_1100, %add3A_1309 : i32
        %dma_start3A_1311 = arith.constant 3 : i32
        %dma_start3A_1312 = arith.constant 0 : i32
        %dma_start3A_1313 = arith.constant 3 : i32
        %dma_start3A_1314 = arith.constant 1 : i32
        %dma_start3A_1315 = arith.constant 0 : i32
        %dma_start3A_1316 = arith.constant 0 : i32
        %dma_start3A_1317 = tpu.memref_slice %arg16[%dma_start3A_1312, %dma_start3A_1313, %dma_start3A_1314, %dma_start3A_1315, %dma_start3A_1316] : memref<2x6x4x50x32xf32, #tpu.memory_space<vmem>> -> memref<1x1x1x50x32xf32, #tpu.memory_space<vmem>>
        %dma_start3A_1318 = tpu.memref_squeeze %dma_start3A_1317 : memref<1x1x1x50x32xf32, #tpu.memory_space<vmem>> -> memref<50x32xf32, #tpu.memory_space<vmem>>
        %dma_start3A_1319 = arith.constant 0 : i32
        %dma_start3A_1320 = tpu.memref_slice %arg15[%dma_start3A_1311, %add3A_1310, %dma_start3A_1319] : memref<6x128x50xi32, #tpu.memory_space<vmem>> -> memref<1x1x50xi32, #tpu.memory_space<vmem>>
        %dma_start3A_1321 = tpu.memref_squeeze %dma_start3A_1320 : memref<1x1x50xi32, #tpu.memory_space<vmem>> -> memref<50xi32, #tpu.memory_space<vmem>>
        %dma_start3A_1322 = arith.constant 0 : i32
        %dma_start3A_1323 = arith.constant 0 : i32
        %dma_start3A_1324 = tpu.memref_slice %arg5[%dma_start3A_1322, %dma_start3A_1323] : memref<12288x32xf32, #tpu.memory_space<hbm>> -> memref<12288x32xf32, #tpu.memory_space<hbm>>
        tpu.enqueue_indirect_dma source(%dma_start3A_1324 : memref<12288x32xf32, #tpu.memory_space<hbm>>) target(%dma_start3A_1318 : memref<50x32xf32, #tpu.memory_space<vmem>>) offsets(%dma_start3A_1321 : memref<50xi32, #tpu.memory_space<vmem>>) semaphore(%arg17 : memref<!tpu.dma_semaphore, #tpu.memory_space<semaphore_mem>>)
        %add3A_1325 = arith.constant 2 : i32
        %add3A_1326 = arith.addi %mul3A_1100, %add3A_1325 : i32
        %dma_start3A_1327 = arith.constant 3 : i32
        %dma_start3A_1328 = arith.constant 0 : i32
        %dma_start3A_1329 = arith.constant 3 : i32
        %dma_start3A_1330 = arith.constant 2 : i32
        %dma_start3A_1331 = arith.constant 0 : i32
        %dma_start3A_1332 = arith.constant 0 : i32
        %dma_start3A_1333 = tpu.memref_slice %arg16[%dma_start3A_1328, %dma_start3A_1329, %dma_start3A_1330, %dma_start3A_1331, %dma_start3A_1332] : memref<2x6x4x50x32xf32, #tpu.memory_space<vmem>> -> memref<1x1x1x50x32xf32, #tpu.memory_space<vmem>>
        %dma_start3A_1334 = tpu.memref_squeeze %dma_start3A_1333 : memref<1x1x1x50x32xf32, #tpu.memory_space<vmem>> -> memref<50x32xf32, #tpu.memory_space<vmem>>
        %dma_start3A_1335 = arith.constant 0 : i32
        %dma_start3A_1336 = tpu.memref_slice %arg15[%dma_start3A_1327, %add3A_1326, %dma_start3A_1335] : memref<6x128x50xi32, #tpu.memory_space<vmem>> -> memref<1x1x50xi32, #tpu.memory_space<vmem>>
        %dma_start3A_1337 = tpu.memref_squeeze %dma_start3A_1336 : memref<1x1x50xi32, #tpu.memory_space<vmem>> -> memref<50xi32, #tpu.memory_space<vmem>>
        %dma_start3A_1338 = arith.constant 0 : i32
        %dma_start3A_1339 = arith.constant 0 : i32
        %dma_start3A_1340 = tpu.memref_slice %arg5[%dma_start3A_1338, %dma_start3A_1339] : memref<12288x32xf32, #tpu.memory_space<hbm>> -> memref<12288x32xf32, #tpu.memory_space<hbm>>
        tpu.enqueue_indirect_dma source(%dma_start3A_1340 : memref<12288x32xf32, #tpu.memory_space<hbm>>) target(%dma_start3A_1334 : memref<50x32xf32, #tpu.memory_space<vmem>>) offsets(%dma_start3A_1337 : memref<50xi32, #tpu.memory_space<vmem>>) semaphore(%arg17 : memref<!tpu.dma_semaphore, #tpu.memory_space<semaphore_mem>>)
        %add3A_1341 = arith.constant 3 : i32
        %add3A_1342 = arith.addi %mul3A_1100, %add3A_1341 : i32
        %dma_start3A_1343 = arith.constant 3 : i32
        %dma_start3A_1344 = arith.constant 0 : i32
        %dma_start3A_1345 = arith.constant 3 : i32
        %dma_start3A_1346 = arith.constant 3 : i32
        %dma_start3A_1347 = arith.constant 0 : i32
        %dma_start3A_1348 = arith.constant 0 : i32
        %dma_start3A_1349 = tpu.memref_slice %arg16[%dma_start3A_1344, %dma_start3A_1345, %dma_start3A_1346, %dma_start3A_1347, %dma_start3A_1348] : memref<2x6x4x50x32xf32, #tpu.memory_space<vmem>> -> memref<1x1x1x50x32xf32, #tpu.memory_space<vmem>>
        %dma_start3A_1350 = tpu.memref_squeeze %dma_start3A_1349 : memref<1x1x1x50x32xf32, #tpu.memory_space<vmem>> -> memref<50x32xf32, #tpu.memory_space<vmem>>
        %dma_start3A_1351 = arith.constant 0 : i32
        %dma_start3A_1352 = tpu.memref_slice %arg15[%dma_start3A_1343, %add3A_1342, %dma_start3A_1351] : memref<6x128x50xi32, #tpu.memory_space<vmem>> -> memref<1x1x50xi32, #tpu.memory_space<vmem>>
        %dma_start3A_1353 = tpu.memref_squeeze %dma_start3A_1352 : memref<1x1x50xi32, #tpu.memory_space<vmem>> -> memref<50xi32, #tpu.memory_space<vmem>>
        %dma_start3A_1354 = arith.constant 0 : i32
        %dma_start3A_1355 = arith.constant 0 : i32
        %dma_start3A_1356 = tpu.memref_slice %arg5[%dma_start3A_1354, %dma_start3A_1355] : memref<12288x32xf32, #tpu.memory_space<hbm>> -> memref<12288x32xf32, #tpu.memory_space<hbm>>
        tpu.enqueue_indirect_dma source(%dma_start3A_1356 : memref<12288x32xf32, #tpu.memory_space<hbm>>) target(%dma_start3A_1350 : memref<50x32xf32, #tpu.memory_space<vmem>>) offsets(%dma_start3A_1353 : memref<50xi32, #tpu.memory_space<vmem>>) semaphore(%arg17 : memref<!tpu.dma_semaphore, #tpu.memory_space<semaphore_mem>>)
        %add3A_1357 = arith.constant 0 : i32
        %add3A_1358 = arith.addi %mul3A_1100, %add3A_1357 : i32
        %dma_start3A_1359 = arith.constant 4 : i32
        %dma_start3A_1360 = arith.constant 0 : i32
        %dma_start3A_1361 = arith.constant 4 : i32
        %dma_start3A_1362 = arith.constant 0 : i32
        %dma_start3A_1363 = arith.constant 0 : i32
        %dma_start3A_1364 = arith.constant 0 : i32
        %dma_start3A_1365 = tpu.memref_slice %arg16[%dma_start3A_1360, %dma_start3A_1361, %dma_start3A_1362, %dma_start3A_1363, %dma_start3A_1364] : memref<2x6x4x50x32xf32, #tpu.memory_space<vmem>> -> memref<1x1x1x50x32xf32, #tpu.memory_space<vmem>>
        %dma_start3A_1366 = tpu.memref_squeeze %dma_start3A_1365 : memref<1x1x1x50x32xf32, #tpu.memory_space<vmem>> -> memref<50x32xf32, #tpu.memory_space<vmem>>
        %dma_start3A_1367 = arith.constant 0 : i32
        %dma_start3A_1368 = tpu.memref_slice %arg15[%dma_start3A_1359, %add3A_1358, %dma_start3A_1367] : memref<6x128x50xi32, #tpu.memory_space<vmem>> -> memref<1x1x50xi32, #tpu.memory_space<vmem>>
        %dma_start3A_1369 = tpu.memref_squeeze %dma_start3A_1368 : memref<1x1x50xi32, #tpu.memory_space<vmem>> -> memref<50xi32, #tpu.memory_space<vmem>>
        %dma_start3A_1370 = arith.constant 0 : i32
        %dma_start3A_1371 = arith.constant 0 : i32
        %dma_start3A_1372 = tpu.memref_slice %arg6[%dma_start3A_1370, %dma_start3A_1371] : memref<7168x32xf32, #tpu.memory_space<hbm>> -> memref<7168x32xf32, #tpu.memory_space<hbm>>
        tpu.enqueue_indirect_dma source(%dma_start3A_1372 : memref<7168x32xf32, #tpu.memory_space<hbm>>) target(%dma_start3A_1366 : memref<50x32xf32, #tpu.memory_space<vmem>>) offsets(%dma_start3A_1369 : memref<50xi32, #tpu.memory_space<vmem>>) semaphore(%arg17 : memref<!tpu.dma_semaphore, #tpu.memory_space<semaphore_mem>>)
        %add3A_1373 = arith.constant 1 : i32
        %add3A_1374 = arith.addi %mul3A_1100, %add3A_1373 : i32
        %dma_start3A_1375 = arith.constant 4 : i32
        %dma_start3A_1376 = arith.constant 0 : i32
        %dma_start3A_1377 = arith.constant 4 : i32
        %dma_start3A_1378 = arith.constant 1 : i32
        %dma_start3A_1379 = arith.constant 0 : i32
        %dma_start3A_1380 = arith.constant 0 : i32
        %dma_start3A_1381 = tpu.memref_slice %arg16[%dma_start3A_1376, %dma_start3A_1377, %dma_start3A_1378, %dma_start3A_1379, %dma_start3A_1380] : memref<2x6x4x50x32xf32, #tpu.memory_space<vmem>> -> memref<1x1x1x50x32xf32, #tpu.memory_space<vmem>>
        %dma_start3A_1382 = tpu.memref_squeeze %dma_start3A_1381 : memref<1x1x1x50x32xf32, #tpu.memory_space<vmem>> -> memref<50x32xf32, #tpu.memory_space<vmem>>
        %dma_start3A_1383 = arith.constant 0 : i32
        %dma_start3A_1384 = tpu.memref_slice %arg15[%dma_start3A_1375, %add3A_1374, %dma_start3A_1383] : memref<6x128x50xi32, #tpu.memory_space<vmem>> -> memref<1x1x50xi32, #tpu.memory_space<vmem>>
        %dma_start3A_1385 = tpu.memref_squeeze %dma_start3A_1384 : memref<1x1x50xi32, #tpu.memory_space<vmem>> -> memref<50xi32, #tpu.memory_space<vmem>>
        %dma_start3A_1386 = arith.constant 0 : i32
        %dma_start3A_1387 = arith.constant 0 : i32
        %dma_start3A_1388 = tpu.memref_slice %arg6[%dma_start3A_1386, %dma_start3A_1387] : memref<7168x32xf32, #tpu.memory_space<hbm>> -> memref<7168x32xf32, #tpu.memory_space<hbm>>
        tpu.enqueue_indirect_dma source(%dma_start3A_1388 : memref<7168x32xf32, #tpu.memory_space<hbm>>) target(%dma_start3A_1382 : memref<50x32xf32, #tpu.memory_space<vmem>>) offsets(%dma_start3A_1385 : memref<50xi32, #tpu.memory_space<vmem>>) semaphore(%arg17 : memref<!tpu.dma_semaphore, #tpu.memory_space<semaphore_mem>>)
        %add3A_1389 = arith.constant 2 : i32
        %add3A_1390 = arith.addi %mul3A_1100, %add3A_1389 : i32
        %dma_start3A_1391 = arith.constant 4 : i32
        %dma_start3A_1392 = arith.constant 0 : i32
        %dma_start3A_1393 = arith.constant 4 : i32
        %dma_start3A_1394 = arith.constant 2 : i32
        %dma_start3A_1395 = arith.constant 0 : i32
        %dma_start3A_1396 = arith.constant 0 : i32
        %dma_start3A_1397 = tpu.memref_slice %arg16[%dma_start3A_1392, %dma_start3A_1393, %dma_start3A_1394, %dma_start3A_1395, %dma_start3A_1396] : memref<2x6x4x50x32xf32, #tpu.memory_space<vmem>> -> memref<1x1x1x50x32xf32, #tpu.memory_space<vmem>>
        %dma_start3A_1398 = tpu.memref_squeeze %dma_start3A_1397 : memref<1x1x1x50x32xf32, #tpu.memory_space<vmem>> -> memref<50x32xf32, #tpu.memory_space<vmem>>
        %dma_start3A_1399 = arith.constant 0 : i32
        %dma_start3A_1400 = tpu.memref_slice %arg15[%dma_start3A_1391, %add3A_1390, %dma_start3A_1399] : memref<6x128x50xi32, #tpu.memory_space<vmem>> -> memref<1x1x50xi32, #tpu.memory_space<vmem>>
        %dma_start3A_1401 = tpu.memref_squeeze %dma_start3A_1400 : memref<1x1x50xi32, #tpu.memory_space<vmem>> -> memref<50xi32, #tpu.memory_space<vmem>>
        %dma_start3A_1402 = arith.constant 0 : i32
        %dma_start3A_1403 = arith.constant 0 : i32
        %dma_start3A_1404 = tpu.memref_slice %arg6[%dma_start3A_1402, %dma_start3A_1403] : memref<7168x32xf32, #tpu.memory_space<hbm>> -> memref<7168x32xf32, #tpu.memory_space<hbm>>
        tpu.enqueue_indirect_dma source(%dma_start3A_1404 : memref<7168x32xf32, #tpu.memory_space<hbm>>) target(%dma_start3A_1398 : memref<50x32xf32, #tpu.memory_space<vmem>>) offsets(%dma_start3A_1401 : memref<50xi32, #tpu.memory_space<vmem>>) semaphore(%arg17 : memref<!tpu.dma_semaphore, #tpu.memory_space<semaphore_mem>>)
        %add3A_1405 = arith.constant 3 : i32
        %add3A_1406 = arith.addi %mul3A_1100, %add3A_1405 : i32
        %dma_start3A_1407 = arith.constant 4 : i32
        %dma_start3A_1408 = arith.constant 0 : i32
        %dma_start3A_1409 = arith.constant 4 : i32
        %dma_start3A_1410 = arith.constant 3 : i32
        %dma_start3A_1411 = arith.constant 0 : i32
        %dma_start3A_1412 = arith.constant 0 : i32
        %dma_start3A_1413 = tpu.memref_slice %arg16[%dma_start3A_1408, %dma_start3A_1409, %dma_start3A_1410, %dma_start3A_1411, %dma_start3A_1412] : memref<2x6x4x50x32xf32, #tpu.memory_space<vmem>> -> memref<1x1x1x50x32xf32, #tpu.memory_space<vmem>>
        %dma_start3A_1414 = tpu.memref_squeeze %dma_start3A_1413 : memref<1x1x1x50x32xf32, #tpu.memory_space<vmem>> -> memref<50x32xf32, #tpu.memory_space<vmem>>
        %dma_start3A_1415 = arith.constant 0 : i32
        %dma_start3A_1416 = tpu.memref_slice %arg15[%dma_start3A_1407, %add3A_1406, %dma_start3A_1415] : memref<6x128x50xi32, #tpu.memory_space<vmem>> -> memref<1x1x50xi32, #tpu.memory_space<vmem>>
        %dma_start3A_1417 = tpu.memref_squeeze %dma_start3A_1416 : memref<1x1x50xi32, #tpu.memory_space<vmem>> -> memref<50xi32, #tpu.memory_space<vmem>>
        %dma_start3A_1418 = arith.constant 0 : i32
        %dma_start3A_1419 = arith.constant 0 : i32
        %dma_start3A_1420 = tpu.memref_slice %arg6[%dma_start3A_1418, %dma_start3A_1419] : memref<7168x32xf32, #tpu.memory_space<hbm>> -> memref<7168x32xf32, #tpu.memory_space<hbm>>
        tpu.enqueue_indirect_dma source(%dma_start3A_1420 : memref<7168x32xf32, #tpu.memory_space<hbm>>) target(%dma_start3A_1414 : memref<50x32xf32, #tpu.memory_space<vmem>>) offsets(%dma_start3A_1417 : memref<50xi32, #tpu.memory_space<vmem>>) semaphore(%arg17 : memref<!tpu.dma_semaphore, #tpu.memory_space<semaphore_mem>>)
        %add3A_1421 = arith.constant 0 : i32
        %add3A_1422 = arith.addi %mul3A_1100, %add3A_1421 : i32
        %dma_start3A_1423 = arith.constant 5 : i32
        %dma_start3A_1424 = arith.constant 0 : i32
        %dma_start3A_1425 = arith.constant 5 : i32
        %dma_start3A_1426 = arith.constant 0 : i32
        %dma_start3A_1427 = arith.constant 0 : i32
        %dma_start3A_1428 = arith.constant 0 : i32
        %dma_start3A_1429 = tpu.memref_slice %arg16[%dma_start3A_1424, %dma_start3A_1425, %dma_start3A_1426, %dma_start3A_1427, %dma_start3A_1428] : memref<2x6x4x50x32xf32, #tpu.memory_space<vmem>> -> memref<1x1x1x50x32xf32, #tpu.memory_space<vmem>>
        %dma_start3A_1430 = tpu.memref_squeeze %dma_start3A_1429 : memref<1x1x1x50x32xf32, #tpu.memory_space<vmem>> -> memref<50x32xf32, #tpu.memory_space<vmem>>
        %dma_start3A_1431 = arith.constant 0 : i32
        %dma_start3A_1432 = tpu.memref_slice %arg15[%dma_start3A_1423, %add3A_1422, %dma_start3A_1431] : memref<6x128x50xi32, #tpu.memory_space<vmem>> -> memref<1x1x50xi32, #tpu.memory_space<vmem>>
        %dma_start3A_1433 = tpu.memref_squeeze %dma_start3A_1432 : memref<1x1x50xi32, #tpu.memory_space<vmem>> -> memref<50xi32, #tpu.memory_space<vmem>>
        %dma_start3A_1434 = arith.constant 0 : i32
        %dma_start3A_1435 = arith.constant 0 : i32
        %dma_start3A_1436 = tpu.memref_slice %arg7[%dma_start3A_1434, %dma_start3A_1435] : memref<100000x32xf32, #tpu.memory_space<hbm>> -> memref<100000x32xf32, #tpu.memory_space<hbm>>
        tpu.enqueue_indirect_dma source(%dma_start3A_1436 : memref<100000x32xf32, #tpu.memory_space<hbm>>) target(%dma_start3A_1430 : memref<50x32xf32, #tpu.memory_space<vmem>>) offsets(%dma_start3A_1433 : memref<50xi32, #tpu.memory_space<vmem>>) semaphore(%arg17 : memref<!tpu.dma_semaphore, #tpu.memory_space<semaphore_mem>>)
        %add3A_1437 = arith.constant 1 : i32
        %add3A_1438 = arith.addi %mul3A_1100, %add3A_1437 : i32
        %dma_start3A_1439 = arith.constant 5 : i32
        %dma_start3A_1440 = arith.constant 0 : i32
        %dma_start3A_1441 = arith.constant 5 : i32
        %dma_start3A_1442 = arith.constant 1 : i32
        %dma_start3A_1443 = arith.constant 0 : i32
        %dma_start3A_1444 = arith.constant 0 : i32
        %dma_start3A_1445 = tpu.memref_slice %arg16[%dma_start3A_1440, %dma_start3A_1441, %dma_start3A_1442, %dma_start3A_1443, %dma_start3A_1444] : memref<2x6x4x50x32xf32, #tpu.memory_space<vmem>> -> memref<1x1x1x50x32xf32, #tpu.memory_space<vmem>>
        %dma_start3A_1446 = tpu.memref_squeeze %dma_start3A_1445 : memref<1x1x1x50x32xf32, #tpu.memory_space<vmem>> -> memref<50x32xf32, #tpu.memory_space<vmem>>
        %dma_start3A_1447 = arith.constant 0 : i32
        %dma_start3A_1448 = tpu.memref_slice %arg15[%dma_start3A_1439, %add3A_1438, %dma_start3A_1447] : memref<6x128x50xi32, #tpu.memory_space<vmem>> -> memref<1x1x50xi32, #tpu.memory_space<vmem>>
        %dma_start3A_1449 = tpu.memref_squeeze %dma_start3A_1448 : memref<1x1x50xi32, #tpu.memory_space<vmem>> -> memref<50xi32, #tpu.memory_space<vmem>>
        %dma_start3A_1450 = arith.constant 0 : i32
        %dma_start3A_1451 = arith.constant 0 : i32
        %dma_start3A_1452 = tpu.memref_slice %arg7[%dma_start3A_1450, %dma_start3A_1451] : memref<100000x32xf32, #tpu.memory_space<hbm>> -> memref<100000x32xf32, #tpu.memory_space<hbm>>
        tpu.enqueue_indirect_dma source(%dma_start3A_1452 : memref<100000x32xf32, #tpu.memory_space<hbm>>) target(%dma_start3A_1446 : memref<50x32xf32, #tpu.memory_space<vmem>>) offsets(%dma_start3A_1449 : memref<50xi32, #tpu.memory_space<vmem>>) semaphore(%arg17 : memref<!tpu.dma_semaphore, #tpu.memory_space<semaphore_mem>>)
        %add3A_1453 = arith.constant 2 : i32
        %add3A_1454 = arith.addi %mul3A_1100, %add3A_1453 : i32
        %dma_start3A_1455 = arith.constant 5 : i32
        %dma_start3A_1456 = arith.constant 0 : i32
        %dma_start3A_1457 = arith.constant 5 : i32
        %dma_start3A_1458 = arith.constant 2 : i32
        %dma_start3A_1459 = arith.constant 0 : i32
        %dma_start3A_1460 = arith.constant 0 : i32
        %dma_start3A_1461 = tpu.memref_slice %arg16[%dma_start3A_1456, %dma_start3A_1457, %dma_start3A_1458, %dma_start3A_1459, %dma_start3A_1460] : memref<2x6x4x50x32xf32, #tpu.memory_space<vmem>> -> memref<1x1x1x50x32xf32, #tpu.memory_space<vmem>>
        %dma_start3A_1462 = tpu.memref_squeeze %dma_start3A_1461 : memref<1x1x1x50x32xf32, #tpu.memory_space<vmem>> -> memref<50x32xf32, #tpu.memory_space<vmem>>
        %dma_start3A_1463 = arith.constant 0 : i32
        %dma_start3A_1464 = tpu.memref_slice %arg15[%dma_start3A_1455, %add3A_1454, %dma_start3A_1463] : memref<6x128x50xi32, #tpu.memory_space<vmem>> -> memref<1x1x50xi32, #tpu.memory_space<vmem>>
        %dma_start3A_1465 = tpu.memref_squeeze %dma_start3A_1464 : memref<1x1x50xi32, #tpu.memory_space<vmem>> -> memref<50xi32, #tpu.memory_space<vmem>>
        %dma_start3A_1466 = arith.constant 0 : i32
        %dma_start3A_1467 = arith.constant 0 : i32
        %dma_start3A_1468 = tpu.memref_slice %arg7[%dma_start3A_1466, %dma_start3A_1467] : memref<100000x32xf32, #tpu.memory_space<hbm>> -> memref<100000x32xf32, #tpu.memory_space<hbm>>
        tpu.enqueue_indirect_dma source(%dma_start3A_1468 : memref<100000x32xf32, #tpu.memory_space<hbm>>) target(%dma_start3A_1462 : memref<50x32xf32, #tpu.memory_space<vmem>>) offsets(%dma_start3A_1465 : memref<50xi32, #tpu.memory_space<vmem>>) semaphore(%arg17 : memref<!tpu.dma_semaphore, #tpu.memory_space<semaphore_mem>>)
        %add3A_1469 = arith.constant 3 : i32
        %add3A_1470 = arith.addi %mul3A_1100, %add3A_1469 : i32
        %dma_start3A_1471 = arith.constant 5 : i32
        %dma_start3A_1472 = arith.constant 0 : i32
        %dma_start3A_1473 = arith.constant 5 : i32
        %dma_start3A_1474 = arith.constant 3 : i32
        %dma_start3A_1475 = arith.constant 0 : i32
        %dma_start3A_1476 = arith.constant 0 : i32
        %dma_start3A_1477 = tpu.memref_slice %arg16[%dma_start3A_1472, %dma_start3A_1473, %dma_start3A_1474, %dma_start3A_1475, %dma_start3A_1476] : memref<2x6x4x50x32xf32, #tpu.memory_space<vmem>> -> memref<1x1x1x50x32xf32, #tpu.memory_space<vmem>>
        %dma_start3A_1478 = tpu.memref_squeeze %dma_start3A_1477 : memref<1x1x1x50x32xf32, #tpu.memory_space<vmem>> -> memref<50x32xf32, #tpu.memory_space<vmem>>
        %dma_start3A_1479 = arith.constant 0 : i32
        %dma_start3A_1480 = tpu.memref_slice %arg15[%dma_start3A_1471, %add3A_1470, %dma_start3A_1479] : memref<6x128x50xi32, #tpu.memory_space<vmem>> -> memref<1x1x50xi32, #tpu.memory_space<vmem>>
        %dma_start3A_1481 = tpu.memref_squeeze %dma_start3A_1480 : memref<1x1x50xi32, #tpu.memory_space<vmem>> -> memref<50xi32, #tpu.memory_space<vmem>>
        %dma_start3A_1482 = arith.constant 0 : i32
        %dma_start3A_1483 = arith.constant 0 : i32
        %dma_start3A_1484 = tpu.memref_slice %arg7[%dma_start3A_1482, %dma_start3A_1483] : memref<100000x32xf32, #tpu.memory_space<hbm>> -> memref<100000x32xf32, #tpu.memory_space<hbm>>
        tpu.enqueue_indirect_dma source(%dma_start3A_1484 : memref<100000x32xf32, #tpu.memory_space<hbm>>) target(%dma_start3A_1478 : memref<50x32xf32, #tpu.memory_space<vmem>>) offsets(%dma_start3A_1481 : memref<50xi32, #tpu.memory_space<vmem>>) semaphore(%arg17 : memref<!tpu.dma_semaphore, #tpu.memory_space<semaphore_mem>>)
      } else {
      }
    }
    %scan3A_371 = arith.constant 16 : i32
    %dma_wait3A = arith.constant 0 : i32
    %dma_wait3A_372 = arith.constant 0 : i32
    %dma_wait3A_373 = arith.constant 0 : i32
    %dma_wait3A_374 = arith.constant 0 : i32
    %dma_wait3A_375 = arith.constant 0 : i32
    %dma_wait3A_376 = tpu.memref_slice %arg16[%dma_wait3A, %dma_wait3A_372, %dma_wait3A_373, %dma_wait3A_374, %dma_wait3A_375] : memref<2x6x4x50x32xf32, #tpu.memory_space<vmem>> -> memref<1x1x4x50x32xf32, #tpu.memory_space<vmem>>
    %dma_wait3A_377 = tpu.memref_squeeze %dma_wait3A_376 : memref<1x1x4x50x32xf32, #tpu.memory_space<vmem>> -> memref<4x50x32xf32, #tpu.memory_space<vmem>>
    %dma_wait3A_378 = arith.constant 0 : i32
    %dma_wait3A_379 = arith.constant 0 : i32
    %dma_wait3A_380 = arith.constant 0 : i32
    %dma_wait3A_381 = tpu.memref_slice %arg14[%dma_wait3A_378, %dma_wait3A_379, %dma_wait3A_380] : memref<4096x50x192xf32, #tpu.memory_space<hbm>> -> memref<4x50x32xf32, #tpu.memory_space<hbm>>
    %dma_wait3A_382 = arith.constant 0 : i32
    %dma_wait3A_383 = arith.constant 0 : i32
    %dma_wait3A_384 = arith.constant 0 : i32
    %dma_wait3A_385 = tpu.memref_slice %arg14[%dma_wait3A_382, %dma_wait3A_383, %dma_wait3A_384] : memref<4096x50x192xf32, #tpu.memory_space<hbm>> -> memref<4x50x32xf32, #tpu.memory_space<hbm>>
    %dma_wait3A_386 = arith.constant 0 : i32
    %dma_wait3A_387 = arith.constant 0 : i32
    %dma_wait3A_388 = arith.constant 0 : i32
    %dma_wait3A_389 = tpu.memref_slice %arg16[%dma_wait3A, %dma_wait3A_372, %dma_wait3A_386, %dma_wait3A_387, %dma_wait3A_388] : memref<2x6x4x50x32xf32, #tpu.memory_space<vmem>> -> memref<1x1x4x50x32xf32, #tpu.memory_space<vmem>>
    %dma_wait3A_390 = tpu.memref_squeeze %dma_wait3A_389 : memref<1x1x4x50x32xf32, #tpu.memory_space<vmem>> -> memref<4x50x32xf32, #tpu.memory_space<vmem>>
    tpu.wait_dma2 semaphore(%arg19 : memref<!tpu.dma_semaphore, #tpu.memory_space<semaphore_mem>>) src(%dma_wait3A_390 : memref<4x50x32xf32, #tpu.memory_space<vmem>>) dst(%dma_wait3A_385 : memref<4x50x32xf32, #tpu.memory_space<hbm>>)
    %dma_wait3A_391 = arith.constant 0 : i32
    %dma_wait3A_392 = arith.constant 1 : i32
    %dma_wait3A_393 = arith.constant 0 : i32
    %dma_wait3A_394 = arith.constant 0 : i32
    %dma_wait3A_395 = arith.constant 0 : i32
    %dma_wait3A_396 = tpu.memref_slice %arg16[%dma_wait3A_391, %dma_wait3A_392, %dma_wait3A_393, %dma_wait3A_394, %dma_wait3A_395] : memref<2x6x4x50x32xf32, #tpu.memory_space<vmem>> -> memref<1x1x4x50x32xf32, #tpu.memory_space<vmem>>
    %dma_wait3A_397 = tpu.memref_squeeze %dma_wait3A_396 : memref<1x1x4x50x32xf32, #tpu.memory_space<vmem>> -> memref<4x50x32xf32, #tpu.memory_space<vmem>>
    %dma_wait3A_398 = arith.constant 0 : i32
    %dma_wait3A_399 = arith.constant 0 : i32
    %dma_wait3A_400 = arith.constant 0 : i32
    %dma_wait3A_401 = tpu.memref_slice %arg14[%dma_wait3A_398, %dma_wait3A_399, %dma_wait3A_400] : memref<4096x50x192xf32, #tpu.memory_space<hbm>> -> memref<4x50x32xf32, #tpu.memory_space<hbm>>
    %dma_wait3A_402 = arith.constant 0 : i32
    %dma_wait3A_403 = arith.constant 0 : i32
    %dma_wait3A_404 = arith.constant 0 : i32
    %dma_wait3A_405 = tpu.memref_slice %arg14[%dma_wait3A_402, %dma_wait3A_403, %dma_wait3A_404] : memref<4096x50x192xf32, #tpu.memory_space<hbm>> -> memref<4x50x32xf32, #tpu.memory_space<hbm>>
    %dma_wait3A_406 = arith.constant 0 : i32
    %dma_wait3A_407 = arith.constant 0 : i32
    %dma_wait3A_408 = arith.constant 0 : i32
    %dma_wait3A_409 = tpu.memref_slice %arg16[%dma_wait3A_391, %dma_wait3A_392, %dma_wait3A_406, %dma_wait3A_407, %dma_wait3A_408] : memref<2x6x4x50x32xf32, #tpu.memory_space<vmem>> -> memref<1x1x4x50x32xf32, #tpu.memory_space<vmem>>
    %dma_wait3A_410 = tpu.memref_squeeze %dma_wait3A_409 : memref<1x1x4x50x32xf32, #tpu.memory_space<vmem>> -> memref<4x50x32xf32, #tpu.memory_space<vmem>>
    tpu.wait_dma2 semaphore(%arg19 : memref<!tpu.dma_semaphore, #tpu.memory_space<semaphore_mem>>) src(%dma_wait3A_410 : memref<4x50x32xf32, #tpu.memory_space<vmem>>) dst(%dma_wait3A_405 : memref<4x50x32xf32, #tpu.memory_space<hbm>>)
    %dma_wait3A_411 = arith.constant 0 : i32
    %dma_wait3A_412 = arith.constant 2 : i32
    %dma_wait3A_413 = arith.constant 0 : i32
    %dma_wait3A_414 = arith.constant 0 : i32
    %dma_wait3A_415 = arith.constant 0 : i32
    %dma_wait3A_416 = tpu.memref_slice %arg16[%dma_wait3A_411, %dma_wait3A_412, %dma_wait3A_413, %dma_wait3A_414, %dma_wait3A_415] : memref<2x6x4x50x32xf32, #tpu.memory_space<vmem>> -> memref<1x1x4x50x32xf32, #tpu.memory_space<vmem>>
    %dma_wait3A_417 = tpu.memref_squeeze %dma_wait3A_416 : memref<1x1x4x50x32xf32, #tpu.memory_space<vmem>> -> memref<4x50x32xf32, #tpu.memory_space<vmem>>
    %dma_wait3A_418 = arith.constant 0 : i32
    %dma_wait3A_419 = arith.constant 0 : i32
    %dma_wait3A_420 = arith.constant 0 : i32
    %dma_wait3A_421 = tpu.memref_slice %arg14[%dma_wait3A_418, %dma_wait3A_419, %dma_wait3A_420] : memref<4096x50x192xf32, #tpu.memory_space<hbm>> -> memref<4x50x32xf32, #tpu.memory_space<hbm>>
    %dma_wait3A_422 = arith.constant 0 : i32
    %dma_wait3A_423 = arith.constant 0 : i32
    %dma_wait3A_424 = arith.constant 0 : i32
    %dma_wait3A_425 = tpu.memref_slice %arg14[%dma_wait3A_422, %dma_wait3A_423, %dma_wait3A_424] : memref<4096x50x192xf32, #tpu.memory_space<hbm>> -> memref<4x50x32xf32, #tpu.memory_space<hbm>>
    %dma_wait3A_426 = arith.constant 0 : i32
    %dma_wait3A_427 = arith.constant 0 : i32
    %dma_wait3A_428 = arith.constant 0 : i32
    %dma_wait3A_429 = tpu.memref_slice %arg16[%dma_wait3A_411, %dma_wait3A_412, %dma_wait3A_426, %dma_wait3A_427, %dma_wait3A_428] : memref<2x6x4x50x32xf32, #tpu.memory_space<vmem>> -> memref<1x1x4x50x32xf32, #tpu.memory_space<vmem>>
    %dma_wait3A_430 = tpu.memref_squeeze %dma_wait3A_429 : memref<1x1x4x50x32xf32, #tpu.memory_space<vmem>> -> memref<4x50x32xf32, #tpu.memory_space<vmem>>
    tpu.wait_dma2 semaphore(%arg19 : memref<!tpu.dma_semaphore, #tpu.memory_space<semaphore_mem>>) src(%dma_wait3A_430 : memref<4x50x32xf32, #tpu.memory_space<vmem>>) dst(%dma_wait3A_425 : memref<4x50x32xf32, #tpu.memory_space<hbm>>)
    %dma_wait3A_431 = arith.constant 0 : i32
    %dma_wait3A_432 = arith.constant 3 : i32
    %dma_wait3A_433 = arith.constant 0 : i32
    %dma_wait3A_434 = arith.constant 0 : i32
    %dma_wait3A_435 = arith.constant 0 : i32
    %dma_wait3A_436 = tpu.memref_slice %arg16[%dma_wait3A_431, %dma_wait3A_432, %dma_wait3A_433, %dma_wait3A_434, %dma_wait3A_435] : memref<2x6x4x50x32xf32, #tpu.memory_space<vmem>> -> memref<1x1x4x50x32xf32, #tpu.memory_space<vmem>>
    %dma_wait3A_437 = tpu.memref_squeeze %dma_wait3A_436 : memref<1x1x4x50x32xf32, #tpu.memory_space<vmem>> -> memref<4x50x32xf32, #tpu.memory_space<vmem>>
    %dma_wait3A_438 = arith.constant 0 : i32
    %dma_wait3A_439 = arith.constant 0 : i32
    %dma_wait3A_440 = arith.constant 0 : i32
    %dma_wait3A_441 = tpu.memref_slice %arg14[%dma_wait3A_438, %dma_wait3A_439, %dma_wait3A_440] : memref<4096x50x192xf32, #tpu.memory_space<hbm>> -> memref<4x50x32xf32, #tpu.memory_space<hbm>>
    %dma_wait3A_442 = arith.constant 0 : i32
    %dma_wait3A_443 = arith.constant 0 : i32
    %dma_wait3A_444 = arith.constant 0 : i32
    %dma_wait3A_445 = tpu.memref_slice %arg14[%dma_wait3A_442, %dma_wait3A_443, %dma_wait3A_444] : memref<4096x50x192xf32, #tpu.memory_space<hbm>> -> memref<4x50x32xf32, #tpu.memory_space<hbm>>
    %dma_wait3A_446 = arith.constant 0 : i32
    %dma_wait3A_447 = arith.constant 0 : i32
    %dma_wait3A_448 = arith.constant 0 : i32
    %dma_wait3A_449 = tpu.memref_slice %arg16[%dma_wait3A_431, %dma_wait3A_432, %dma_wait3A_446, %dma_wait3A_447, %dma_wait3A_448] : memref<2x6x4x50x32xf32, #tpu.memory_space<vmem>> -> memref<1x1x4x50x32xf32, #tpu.memory_space<vmem>>
    %dma_wait3A_450 = tpu.memref_squeeze %dma_wait3A_449 : memref<1x1x4x50x32xf32, #tpu.memory_space<vmem>> -> memref<4x50x32xf32, #tpu.memory_space<vmem>>
    tpu.wait_dma2 semaphore(%arg19 : memref<!tpu.dma_semaphore, #tpu.memory_space<semaphore_mem>>) src(%dma_wait3A_450 : memref<4x50x32xf32, #tpu.memory_space<vmem>>) dst(%dma_wait3A_445 : memref<4x50x32xf32, #tpu.memory_space<hbm>>)
    %dma_wait3A_451 = arith.constant 0 : i32
    %dma_wait3A_452 = arith.constant 4 : i32
    %dma_wait3A_453 = arith.constant 0 : i32
    %dma_wait3A_454 = arith.constant 0 : i32
    %dma_wait3A_455 = arith.constant 0 : i32
    %dma_wait3A_456 = tpu.memref_slice %arg16[%dma_wait3A_451, %dma_wait3A_452, %dma_wait3A_453, %dma_wait3A_454, %dma_wait3A_455] : memref<2x6x4x50x32xf32, #tpu.memory_space<vmem>> -> memref<1x1x4x50x32xf32, #tpu.memory_space<vmem>>
    %dma_wait3A_457 = tpu.memref_squeeze %dma_wait3A_456 : memref<1x1x4x50x32xf32, #tpu.memory_space<vmem>> -> memref<4x50x32xf32, #tpu.memory_space<vmem>>
    %dma_wait3A_458 = arith.constant 0 : i32
    %dma_wait3A_459 = arith.constant 0 : i32
    %dma_wait3A_460 = arith.constant 0 : i32
    %dma_wait3A_461 = tpu.memref_slice %arg14[%dma_wait3A_458, %dma_wait3A_459, %dma_wait3A_460] : memref<4096x50x192xf32, #tpu.memory_space<hbm>> -> memref<4x50x32xf32, #tpu.memory_space<hbm>>
    %dma_wait3A_462 = arith.constant 0 : i32
    %dma_wait3A_463 = arith.constant 0 : i32
    %dma_wait3A_464 = arith.constant 0 : i32
    %dma_wait3A_465 = tpu.memref_slice %arg14[%dma_wait3A_462, %dma_wait3A_463, %dma_wait3A_464] : memref<4096x50x192xf32, #tpu.memory_space<hbm>> -> memref<4x50x32xf32, #tpu.memory_space<hbm>>
    %dma_wait3A_466 = arith.constant 0 : i32
    %dma_wait3A_467 = arith.constant 0 : i32
    %dma_wait3A_468 = arith.constant 0 : i32
    %dma_wait3A_469 = tpu.memref_slice %arg16[%dma_wait3A_451, %dma_wait3A_452, %dma_wait3A_466, %dma_wait3A_467, %dma_wait3A_468] : memref<2x6x4x50x32xf32, #tpu.memory_space<vmem>> -> memref<1x1x4x50x32xf32, #tpu.memory_space<vmem>>
    %dma_wait3A_470 = tpu.memref_squeeze %dma_wait3A_469 : memref<1x1x4x50x32xf32, #tpu.memory_space<vmem>> -> memref<4x50x32xf32, #tpu.memory_space<vmem>>
    tpu.wait_dma2 semaphore(%arg19 : memref<!tpu.dma_semaphore, #tpu.memory_space<semaphore_mem>>) src(%dma_wait3A_470 : memref<4x50x32xf32, #tpu.memory_space<vmem>>) dst(%dma_wait3A_465 : memref<4x50x32xf32, #tpu.memory_space<hbm>>)
    %dma_wait3A_471 = arith.constant 0 : i32
    %dma_wait3A_472 = arith.constant 5 : i32
    %dma_wait3A_473 = arith.constant 0 : i32
    %dma_wait3A_474 = arith.constant 0 : i32
    %dma_wait3A_475 = arith.constant 0 : i32
    %dma_wait3A_476 = tpu.memref_slice %arg16[%dma_wait3A_471, %dma_wait3A_472, %dma_wait3A_473, %dma_wait3A_474, %dma_wait3A_475] : memref<2x6x4x50x32xf32, #tpu.memory_space<vmem>> -> memref<1x1x4x50x32xf32, #tpu.memory_space<vmem>>
    %dma_wait3A_477 = tpu.memref_squeeze %dma_wait3A_476 : memref<1x1x4x50x32xf32, #tpu.memory_space<vmem>> -> memref<4x50x32xf32, #tpu.memory_space<vmem>>
    %dma_wait3A_478 = arith.constant 0 : i32
    %dma_wait3A_479 = arith.constant 0 : i32
    %dma_wait3A_480 = arith.constant 0 : i32
    %dma_wait3A_481 = tpu.memref_slice %arg14[%dma_wait3A_478, %dma_wait3A_479, %dma_wait3A_480] : memref<4096x50x192xf32, #tpu.memory_space<hbm>> -> memref<4x50x32xf32, #tpu.memory_space<hbm>>
    %dma_wait3A_482 = arith.constant 0 : i32
    %dma_wait3A_483 = arith.constant 0 : i32
    %dma_wait3A_484 = arith.constant 0 : i32
    %dma_wait3A_485 = tpu.memref_slice %arg14[%dma_wait3A_482, %dma_wait3A_483, %dma_wait3A_484] : memref<4096x50x192xf32, #tpu.memory_space<hbm>> -> memref<4x50x32xf32, #tpu.memory_space<hbm>>
    %dma_wait3A_486 = arith.constant 0 : i32
    %dma_wait3A_487 = arith.constant 0 : i32
    %dma_wait3A_488 = arith.constant 0 : i32
    %dma_wait3A_489 = tpu.memref_slice %arg16[%dma_wait3A_471, %dma_wait3A_472, %dma_wait3A_486, %dma_wait3A_487, %dma_wait3A_488] : memref<2x6x4x50x32xf32, #tpu.memory_space<vmem>> -> memref<1x1x4x50x32xf32, #tpu.memory_space<vmem>>
    %dma_wait3A_490 = tpu.memref_squeeze %dma_wait3A_489 : memref<1x1x4x50x32xf32, #tpu.memory_space<vmem>> -> memref<4x50x32xf32, #tpu.memory_space<vmem>>
    tpu.wait_dma2 semaphore(%arg19 : memref<!tpu.dma_semaphore, #tpu.memory_space<semaphore_mem>>) src(%dma_wait3A_490 : memref<4x50x32xf32, #tpu.memory_space<vmem>>) dst(%dma_wait3A_485 : memref<4x50x32xf32, #tpu.memory_space<hbm>>)
    %dma_wait3A_491 = arith.constant 1 : i32
    %dma_wait3A_492 = arith.constant 0 : i32
    %dma_wait3A_493 = arith.constant 0 : i32
    %dma_wait3A_494 = arith.constant 0 : i32
    %dma_wait3A_495 = arith.constant 0 : i32
    %dma_wait3A_496 = tpu.memref_slice %arg16[%dma_wait3A_491, %dma_wait3A_492, %dma_wait3A_493, %dma_wait3A_494, %dma_wait3A_495] : memref<2x6x4x50x32xf32, #tpu.memory_space<vmem>> -> memref<1x1x4x50x32xf32, #tpu.memory_space<vmem>>
    %dma_wait3A_497 = tpu.memref_squeeze %dma_wait3A_496 : memref<1x1x4x50x32xf32, #tpu.memory_space<vmem>> -> memref<4x50x32xf32, #tpu.memory_space<vmem>>
    %dma_wait3A_498 = arith.constant 0 : i32
    %dma_wait3A_499 = arith.constant 0 : i32
    %dma_wait3A_500 = arith.constant 0 : i32
    %dma_wait3A_501 = tpu.memref_slice %arg14[%dma_wait3A_498, %dma_wait3A_499, %dma_wait3A_500] : memref<4096x50x192xf32, #tpu.memory_space<hbm>> -> memref<4x50x32xf32, #tpu.memory_space<hbm>>
    %dma_wait3A_502 = arith.constant 0 : i32
    %dma_wait3A_503 = arith.constant 0 : i32
    %dma_wait3A_504 = arith.constant 0 : i32
    %dma_wait3A_505 = tpu.memref_slice %arg14[%dma_wait3A_502, %dma_wait3A_503, %dma_wait3A_504] : memref<4096x50x192xf32, #tpu.memory_space<hbm>> -> memref<4x50x32xf32, #tpu.memory_space<hbm>>
    %dma_wait3A_506 = arith.constant 0 : i32
    %dma_wait3A_507 = arith.constant 0 : i32
    %dma_wait3A_508 = arith.constant 0 : i32
    %dma_wait3A_509 = tpu.memref_slice %arg16[%dma_wait3A_491, %dma_wait3A_492, %dma_wait3A_506, %dma_wait3A_507, %dma_wait3A_508] : memref<2x6x4x50x32xf32, #tpu.memory_space<vmem>> -> memref<1x1x4x50x32xf32, #tpu.memory_space<vmem>>
    %dma_wait3A_510 = tpu.memref_squeeze %dma_wait3A_509 : memref<1x1x4x50x32xf32, #tpu.memory_space<vmem>> -> memref<4x50x32xf32, #tpu.memory_space<vmem>>
    tpu.wait_dma2 semaphore(%arg20 : memref<!tpu.dma_semaphore, #tpu.memory_space<semaphore_mem>>) src(%dma_wait3A_510 : memref<4x50x32xf32, #tpu.memory_space<vmem>>) dst(%dma_wait3A_505 : memref<4x50x32xf32, #tpu.memory_space<hbm>>)
    %dma_wait3A_511 = arith.constant 1 : i32
    %dma_wait3A_512 = arith.constant 1 : i32
    %dma_wait3A_513 = arith.constant 0 : i32
    %dma_wait3A_514 = arith.constant 0 : i32
    %dma_wait3A_515 = arith.constant 0 : i32
    %dma_wait3A_516 = tpu.memref_slice %arg16[%dma_wait3A_511, %dma_wait3A_512, %dma_wait3A_513, %dma_wait3A_514, %dma_wait3A_515] : memref<2x6x4x50x32xf32, #tpu.memory_space<vmem>> -> memref<1x1x4x50x32xf32, #tpu.memory_space<vmem>>
    %dma_wait3A_517 = tpu.memref_squeeze %dma_wait3A_516 : memref<1x1x4x50x32xf32, #tpu.memory_space<vmem>> -> memref<4x50x32xf32, #tpu.memory_space<vmem>>
    %dma_wait3A_518 = arith.constant 0 : i32
    %dma_wait3A_519 = arith.constant 0 : i32
    %dma_wait3A_520 = arith.constant 0 : i32
    %dma_wait3A_521 = tpu.memref_slice %arg14[%dma_wait3A_518, %dma_wait3A_519, %dma_wait3A_520] : memref<4096x50x192xf32, #tpu.memory_space<hbm>> -> memref<4x50x32xf32, #tpu.memory_space<hbm>>
    %dma_wait3A_522 = arith.constant 0 : i32
    %dma_wait3A_523 = arith.constant 0 : i32
    %dma_wait3A_524 = arith.constant 0 : i32
    %dma_wait3A_525 = tpu.memref_slice %arg14[%dma_wait3A_522, %dma_wait3A_523, %dma_wait3A_524] : memref<4096x50x192xf32, #tpu.memory_space<hbm>> -> memref<4x50x32xf32, #tpu.memory_space<hbm>>
    %dma_wait3A_526 = arith.constant 0 : i32
    %dma_wait3A_527 = arith.constant 0 : i32
    %dma_wait3A_528 = arith.constant 0 : i32
    %dma_wait3A_529 = tpu.memref_slice %arg16[%dma_wait3A_511, %dma_wait3A_512, %dma_wait3A_526, %dma_wait3A_527, %dma_wait3A_528] : memref<2x6x4x50x32xf32, #tpu.memory_space<vmem>> -> memref<1x1x4x50x32xf32, #tpu.memory_space<vmem>>
    %dma_wait3A_530 = tpu.memref_squeeze %dma_wait3A_529 : memref<1x1x4x50x32xf32, #tpu.memory_space<vmem>> -> memref<4x50x32xf32, #tpu.memory_space<vmem>>
    tpu.wait_dma2 semaphore(%arg20 : memref<!tpu.dma_semaphore, #tpu.memory_space<semaphore_mem>>) src(%dma_wait3A_530 : memref<4x50x32xf32, #tpu.memory_space<vmem>>) dst(%dma_wait3A_525 : memref<4x50x32xf32, #tpu.memory_space<hbm>>)
    %dma_wait3A_531 = arith.constant 1 : i32
    %dma_wait3A_532 = arith.constant 2 : i32
    %dma_wait3A_533 = arith.constant 0 : i32
    %dma_wait3A_534 = arith.constant 0 : i32
    %dma_wait3A_535 = arith.constant 0 : i32
    %dma_wait3A_536 = tpu.memref_slice %arg16[%dma_wait3A_531, %dma_wait3A_532, %dma_wait3A_533, %dma_wait3A_534, %dma_wait3A_535] : memref<2x6x4x50x32xf32, #tpu.memory_space<vmem>> -> memref<1x1x4x50x32xf32, #tpu.memory_space<vmem>>
    %dma_wait3A_537 = tpu.memref_squeeze %dma_wait3A_536 : memref<1x1x4x50x32xf32, #tpu.memory_space<vmem>> -> memref<4x50x32xf32, #tpu.memory_space<vmem>>
    %dma_wait3A_538 = arith.constant 0 : i32
    %dma_wait3A_539 = arith.constant 0 : i32
    %dma_wait3A_540 = arith.constant 0 : i32
    %dma_wait3A_541 = tpu.memref_slice %arg14[%dma_wait3A_538, %dma_wait3A_539, %dma_wait3A_540] : memref<4096x50x192xf32, #tpu.memory_space<hbm>> -> memref<4x50x32xf32, #tpu.memory_space<hbm>>
    %dma_wait3A_542 = arith.constant 0 : i32
    %dma_wait3A_543 = arith.constant 0 : i32
    %dma_wait3A_544 = arith.constant 0 : i32
    %dma_wait3A_545 = tpu.memref_slice %arg14[%dma_wait3A_542, %dma_wait3A_543, %dma_wait3A_544] : memref<4096x50x192xf32, #tpu.memory_space<hbm>> -> memref<4x50x32xf32, #tpu.memory_space<hbm>>
    %dma_wait3A_546 = arith.constant 0 : i32
    %dma_wait3A_547 = arith.constant 0 : i32
    %dma_wait3A_548 = arith.constant 0 : i32
    %dma_wait3A_549 = tpu.memref_slice %arg16[%dma_wait3A_531, %dma_wait3A_532, %dma_wait3A_546, %dma_wait3A_547, %dma_wait3A_548] : memref<2x6x4x50x32xf32, #tpu.memory_space<vmem>> -> memref<1x1x4x50x32xf32, #tpu.memory_space<vmem>>
    %dma_wait3A_550 = tpu.memref_squeeze %dma_wait3A_549 : memref<1x1x4x50x32xf32, #tpu.memory_space<vmem>> -> memref<4x50x32xf32, #tpu.memory_space<vmem>>
    tpu.wait_dma2 semaphore(%arg20 : memref<!tpu.dma_semaphore, #tpu.memory_space<semaphore_mem>>) src(%dma_wait3A_550 : memref<4x50x32xf32, #tpu.memory_space<vmem>>) dst(%dma_wait3A_545 : memref<4x50x32xf32, #tpu.memory_space<hbm>>)
    %dma_wait3A_551 = arith.constant 1 : i32
    %dma_wait3A_552 = arith.constant 3 : i32
    %dma_wait3A_553 = arith.constant 0 : i32
    %dma_wait3A_554 = arith.constant 0 : i32
    %dma_wait3A_555 = arith.constant 0 : i32
    %dma_wait3A_556 = tpu.memref_slice %arg16[%dma_wait3A_551, %dma_wait3A_552, %dma_wait3A_553, %dma_wait3A_554, %dma_wait3A_555] : memref<2x6x4x50x32xf32, #tpu.memory_space<vmem>> -> memref<1x1x4x50x32xf32, #tpu.memory_space<vmem>>
    %dma_wait3A_557 = tpu.memref_squeeze %dma_wait3A_556 : memref<1x1x4x50x32xf32, #tpu.memory_space<vmem>> -> memref<4x50x32xf32, #tpu.memory_space<vmem>>
    %dma_wait3A_558 = arith.constant 0 : i32
    %dma_wait3A_559 = arith.constant 0 : i32
    %dma_wait3A_560 = arith.constant 0 : i32
    %dma_wait3A_561 = tpu.memref_slice %arg14[%dma_wait3A_558, %dma_wait3A_559, %dma_wait3A_560] : memref<4096x50x192xf32, #tpu.memory_space<hbm>> -> memref<4x50x32xf32, #tpu.memory_space<hbm>>
    %dma_wait3A_562 = arith.constant 0 : i32
    %dma_wait3A_563 = arith.constant 0 : i32
    %dma_wait3A_564 = arith.constant 0 : i32
    %dma_wait3A_565 = tpu.memref_slice %arg14[%dma_wait3A_562, %dma_wait3A_563, %dma_wait3A_564] : memref<4096x50x192xf32, #tpu.memory_space<hbm>> -> memref<4x50x32xf32, #tpu.memory_space<hbm>>
    %dma_wait3A_566 = arith.constant 0 : i32
    %dma_wait3A_567 = arith.constant 0 : i32
    %dma_wait3A_568 = arith.constant 0 : i32
    %dma_wait3A_569 = tpu.memref_slice %arg16[%dma_wait3A_551, %dma_wait3A_552, %dma_wait3A_566, %dma_wait3A_567, %dma_wait3A_568] : memref<2x6x4x50x32xf32, #tpu.memory_space<vmem>> -> memref<1x1x4x50x32xf32, #tpu.memory_space<vmem>>
    %dma_wait3A_570 = tpu.memref_squeeze %dma_wait3A_569 : memref<1x1x4x50x32xf32, #tpu.memory_space<vmem>> -> memref<4x50x32xf32, #tpu.memory_space<vmem>>
    tpu.wait_dma2 semaphore(%arg20 : memref<!tpu.dma_semaphore, #tpu.memory_space<semaphore_mem>>) src(%dma_wait3A_570 : memref<4x50x32xf32, #tpu.memory_space<vmem>>) dst(%dma_wait3A_565 : memref<4x50x32xf32, #tpu.memory_space<hbm>>)
    %dma_wait3A_571 = arith.constant 1 : i32
    %dma_wait3A_572 = arith.constant 4 : i32
    %dma_wait3A_573 = arith.constant 0 : i32
    %dma_wait3A_574 = arith.constant 0 : i32
    %dma_wait3A_575 = arith.constant 0 : i32
    %dma_wait3A_576 = tpu.memref_slice %arg16[%dma_wait3A_571, %dma_wait3A_572, %dma_wait3A_573, %dma_wait3A_574, %dma_wait3A_575] : memref<2x6x4x50x32xf32, #tpu.memory_space<vmem>> -> memref<1x1x4x50x32xf32, #tpu.memory_space<vmem>>
    %dma_wait3A_577 = tpu.memref_squeeze %dma_wait3A_576 : memref<1x1x4x50x32xf32, #tpu.memory_space<vmem>> -> memref<4x50x32xf32, #tpu.memory_space<vmem>>
    %dma_wait3A_578 = arith.constant 0 : i32
    %dma_wait3A_579 = arith.constant 0 : i32
    %dma_wait3A_580 = arith.constant 0 : i32
    %dma_wait3A_581 = tpu.memref_slice %arg14[%dma_wait3A_578, %dma_wait3A_579, %dma_wait3A_580] : memref<4096x50x192xf32, #tpu.memory_space<hbm>> -> memref<4x50x32xf32, #tpu.memory_space<hbm>>
    %dma_wait3A_582 = arith.constant 0 : i32
    %dma_wait3A_583 = arith.constant 0 : i32
    %dma_wait3A_584 = arith.constant 0 : i32
    %dma_wait3A_585 = tpu.memref_slice %arg14[%dma_wait3A_582, %dma_wait3A_583, %dma_wait3A_584] : memref<4096x50x192xf32, #tpu.memory_space<hbm>> -> memref<4x50x32xf32, #tpu.memory_space<hbm>>
    %dma_wait3A_586 = arith.constant 0 : i32
    %dma_wait3A_587 = arith.constant 0 : i32
    %dma_wait3A_588 = arith.constant 0 : i32
    %dma_wait3A_589 = tpu.memref_slice %arg16[%dma_wait3A_571, %dma_wait3A_572, %dma_wait3A_586, %dma_wait3A_587, %dma_wait3A_588] : memref<2x6x4x50x32xf32, #tpu.memory_space<vmem>> -> memref<1x1x4x50x32xf32, #tpu.memory_space<vmem>>
    %dma_wait3A_590 = tpu.memref_squeeze %dma_wait3A_589 : memref<1x1x4x50x32xf32, #tpu.memory_space<vmem>> -> memref<4x50x32xf32, #tpu.memory_space<vmem>>
    tpu.wait_dma2 semaphore(%arg20 : memref<!tpu.dma_semaphore, #tpu.memory_space<semaphore_mem>>) src(%dma_wait3A_590 : memref<4x50x32xf32, #tpu.memory_space<vmem>>) dst(%dma_wait3A_585 : memref<4x50x32xf32, #tpu.memory_space<hbm>>)
    %dma_wait3A_591 = arith.constant 1 : i32
    %dma_wait3A_592 = arith.constant 5 : i32
    %dma_wait3A_593 = arith.constant 0 : i32
    %dma_wait3A_594 = arith.constant 0 : i32
    %dma_wait3A_595 = arith.constant 0 : i32
    %dma_wait3A_596 = tpu.memref_slice %arg16[%dma_wait3A_591, %dma_wait3A_592, %dma_wait3A_593, %dma_wait3A_594, %dma_wait3A_595] : memref<2x6x4x50x32xf32, #tpu.memory_space<vmem>> -> memref<1x1x4x50x32xf32, #tpu.memory_space<vmem>>
    %dma_wait3A_597 = tpu.memref_squeeze %dma_wait3A_596 : memref<1x1x4x50x32xf32, #tpu.memory_space<vmem>> -> memref<4x50x32xf32, #tpu.memory_space<vmem>>
    %dma_wait3A_598 = arith.constant 0 : i32
    %dma_wait3A_599 = arith.constant 0 : i32
    %dma_wait3A_600 = arith.constant 0 : i32
    %dma_wait3A_601 = tpu.memref_slice %arg14[%dma_wait3A_598, %dma_wait3A_599, %dma_wait3A_600] : memref<4096x50x192xf32, #tpu.memory_space<hbm>> -> memref<4x50x32xf32, #tpu.memory_space<hbm>>
    %dma_wait3A_602 = arith.constant 0 : i32
    %dma_wait3A_603 = arith.constant 0 : i32
    %dma_wait3A_604 = arith.constant 0 : i32
    %dma_wait3A_605 = tpu.memref_slice %arg14[%dma_wait3A_602, %dma_wait3A_603, %dma_wait3A_604] : memref<4096x50x192xf32, #tpu.memory_space<hbm>> -> memref<4x50x32xf32, #tpu.memory_space<hbm>>
    %dma_wait3A_606 = arith.constant 0 : i32
    %dma_wait3A_607 = arith.constant 0 : i32
    %dma_wait3A_608 = arith.constant 0 : i32
    %dma_wait3A_609 = tpu.memref_slice %arg16[%dma_wait3A_591, %dma_wait3A_592, %dma_wait3A_606, %dma_wait3A_607, %dma_wait3A_608] : memref<2x6x4x50x32xf32, #tpu.memory_space<vmem>> -> memref<1x1x4x50x32xf32, #tpu.memory_space<vmem>>
    %dma_wait3A_610 = tpu.memref_squeeze %dma_wait3A_609 : memref<1x1x4x50x32xf32, #tpu.memory_space<vmem>> -> memref<4x50x32xf32, #tpu.memory_space<vmem>>
    tpu.wait_dma2 semaphore(%arg20 : memref<!tpu.dma_semaphore, #tpu.memory_space<semaphore_mem>>) src(%dma_wait3A_610 : memref<4x50x32xf32, #tpu.memory_space<vmem>>) dst(%dma_wait3A_605 : memref<4x50x32xf32, #tpu.memory_space<hbm>>)
    return
  }
}

</mosaic_0001>

<sc_bundles>
// kernel: kernel.3.cloned.1.call-start
scs
__scs_entry_jumppad:
0x0: {  	(pc) =	sbr.rel $0x88, $3  }
0x1: {  	(tag) =	ssettag $0x0;
	lr =	simm.s32 $0x1  }
0x2: {  	[smem:$0x3F95] =	sst lr;
	_ =	strace $0xD0000000  }
0x3: {  	_ = 	snop  }
0x4: {  	_ = 	snop  }
0x5: {  	_ = 	snop  }
0x6: {  	_ = 	snop  }
0x7: {  	_ = 	snop  }
__scs_overlays_trampoline_lowered:
0x8: {  	[smem:$0x3FA4] =	sst s0  }
0x9: {  	[smem:$0x3FA5] =	sst s1  }
0xa: {  	[smem:$0x3FA6] =	sst s2  }
0xb: {  	[smem:$0x3FA7] =	sst s3  }
0xc: {  	[smem:$0x3FA8] =	sst s4  }
0xd: {  	[smem:$0x3FA9] =	sst s5  }
0xe: {  	[smem:$0x3FAA] =	sst s6  }
0xf: {  	[smem:$0x3FAB] =	sst s7  }
0x10: {  	[smem:$0x3FAC] =	sst s8  }
0x11: {  	[smem:$0x3FAD] =	sst s9;
	s0 =	simm.s32 @!p0 $0x0  }
0x12: {  	s1 =	sld [smem:$0x3F93];
	s0 =	simm.s32 @p0 $0x1  }
0x13: {  	[smem:$0x3FAE] =	sst s0;
	s0 =	simm.s32 @!p1 $0x0  }
0x14: {  	s2 =	sld [smem:$0x3F92];
	s0 =	simm.s32 @p1 $0x1  }
0x15: {  	[smem:$0x3FAF] =	sst s0;
	s0 =	simm.s32 @!p2 $0x0  }
0x16: {  	s3 =	sld [smem:$0x3FDB];
	s0 =	simm.s32 @p2 $0x1  }
0x17: {  	s4 =	simm.s32 $0x1BF5;
	[smem:$0x3FB1] =	sst s0  }
0x18: {  	s0 =	sld [smem:$0x3F94];
	_ =	swait.ge [sflag:s4], $0x0  }
0x19: {  	s7 =	sld [smem:$0x3F95]  }
0x1a: {  	s8 =	sadd.s32 $0xFFFFE003, lr  }
0x1b: {  	s9 =	sadd.s32 $0xFFFFFEF7, lr;
	s5 =	simm.s32 $0xFFFFFFFF;
	p2 =	slt.u32 s8, $0xFFFFF086  }
0x1c: {  	p1 =	slt.u32 s9, $0xF7A;
	s5 =	simm.s32 @!p2 $0x0  }
0x1d: {  	s5 =	simm.s32 @p1 $0x1;
	p0 =	seq.s32 s7, s2  }
0x1e: {  	s7 =	smul.u32 @!p0 $0xF7A, s2;
	p2 =	seq.s32 @!p0 s5, $0x0  }
0x1f: {  	s9 =	smul.u32 $0xF7A, s1;
	s8 =	simm.s32 @!p0 $0x1BF5;
	p2 =	por !p2, p0  }
0x20: {  	[sflag:s8] =	ssyncset.s32 @!p0 $0xFFFFF086;
	s6 =	sadd.s32 @!p0 s3, s7;
	s7 =	simm.s32 @!p0 $0x108  }
0x21: {  	s3 =	sadd.s32 s3, s9;
	s6 =	sadd.s32 @!p0 $0x88, s6;
	s7 =	simm.s32 @p2 $0x1082  }
0x22: {  	[simem:s7], [sflag:s8] =	dma.local @!p0 [hbm:s6], $0xF7A  }
0x23: {  	s9 =	sor.u32 $0xD0000000, s2;
	s6 =	simm.s32 $0x108;
	_ =	swait.ge @!p0 [sflag:s8], $0x0  }
0x24: {  	s3 =	sadd.s32 $0x88, s3;
	s6 =	simm.s32 @!p1 $0x1082;
	[sflag:s4] =	ssyncset.s32 $0xFFFFF086  }
0x25: {  	[simem:s6], [sflag:s4] =	dma.local [hbm:s3], $0xF7A  }
0x26: {  	[smem:$0x3F95] =	sst s1;
	(tag) =	ssettag s2;
	_ =	strace s9  }
0x27: {  	s1 =	sld [smem:$0x3FA5]  }
0x28: {  	s2 =	sld [smem:$0x3FA6]  }
0x29: {  	s4 =	sld [smem:$0x3FA8]  }
0x2a: {  	p0 =	seq.s32 s5, $0x0;
	s5 =	sld [smem:$0x3FA9]  }
0x2b: {  	s6 =	sld [smem:$0x3FAA]  }
0x2c: {  	s7 =	sld [smem:$0x3FAB]  }
0x2d: {  	s3 =	simm.s32 $0x108;
	s8 =	sld [smem:$0x3FAC]  }
0x2e: {  	s3 =	simm.s32 @!p0 $0x1082;
	s9 =	sld [smem:$0x3FAD]  }
0x2f: {  	lr =	sadd.s32 s0, s3;
	s0 =	sld [smem:$0x3FA4]  }
0x30: {  	s3 =	sld [smem:$0x3FA7]  }
0x31: {  	[smem:$0x3FB0] =	sst s10  }
0x32: {  	s10 =	sld [smem:$0x3FAE];
	_ =	sdelay $0x3  }
0x33: {  	p0 =	seq.s32 s10, $0x1;
	s10 =	sld [smem:$0x3FB0];
	_ =	sdelay $0x3  }
0x34: {  	[smem:$0x3FB0] =	sst s10  }
0x35: {  	s10 =	sld [smem:$0x3FAF];
	_ =	sdelay $0x3  }
0x36: {  	p1 =	seq.s32 s10, $0x1;
	s10 =	sld [smem:$0x3FB0];
	_ =	sdelay $0x3  }
0x37: {  	[smem:$0x3FB0] =	sst s10  }
0x38: {  	s10 =	sld [smem:$0x3FB1]  }
0x39: {  	_ = 	snop;
	(pc) =	sbr.ind lr, $3  }
0x3a: {  	_ = 	snop  }
0x3b: {  	_ = 	snop  }
0x3c: {  	p2 =	seq.s32 s10, $0x1;
	s10 =	sld [smem:$0x3FB0]  }
0x3d: {  	_ =	shalt  }
0x3e: {  	_ =	shalt  }
0x3f: {  	_ =	shalt  }
0x40: {  	_ =	shalt  }
0x41: {  	_ =	shalt  }
0x42: {  	_ =	shalt  }
0x43: {  	_ =	shalt  }
0x44: {  	_ =	shalt  }
0x45: {  	_ =	shalt  }
0x46: {  	_ =	shalt  }
0x47: {  	_ =	shalt  }
0x48: {  	_ =	shalt  }
0x49: {  	_ =	shalt  }
0x4a: {  	_ =	shalt  }
0x4b: {  	_ =	shalt  }
0x4c: {  	_ =	shalt  }
0x4d: {  	_ =	shalt  }
0x4e: {  	_ =	shalt  }
0x4f: {  	_ =	shalt  }
0x50: {  	_ =	shalt  }
0x51: {  	_ =	shalt  }
0x52: {  	_ =	shalt  }
0x53: {  	_ =	shalt  }
0x54: {  	_ =	shalt  }
0x55: {  	_ =	shalt  }
0x56: {  	_ =	shalt  }
0x57: {  	_ =	shalt  }
0x58: {  	_ =	shalt  }
0x59: {  	_ =	shalt  }
0x5a: {  	_ =	shalt  }
0x5b: {  	_ =	shalt  }
0x5c: {  	_ =	shalt  }
0x5d: {  	_ =	shalt  }
0x5e: {  	_ =	shalt  }
0x5f: {  	_ =	shalt  }
0x60: {  	_ =	shalt  }
0x61: {  	_ =	shalt  }
0x62: {  	_ =	shalt  }
0x63: {  	_ =	shalt  }
0x64: {  	_ =	shalt  }
0x65: {  	_ =	shalt  }
0x66: {  	_ =	shalt  }
0x67: {  	_ =	shalt  }
0x68: {  	_ =	shalt  }
0x69: {  	_ =	shalt  }
0x6a: {  	_ =	shalt  }
0x6b: {  	_ =	shalt  }
0x6c: {  	_ =	shalt  }
0x6d: {  	_ =	shalt  }
0x6e: {  	_ =	shalt  }
0x6f: {  	_ =	shalt  }
0x70: {  	_ =	shalt  }
0x71: {  	_ =	shalt  }
0x72: {  	_ =	shalt  }
0x73: {  	_ =	shalt  }
0x74: {  	_ =	shalt  }
0x75: {  	_ =	shalt  }
0x76: {  	_ =	shalt  }
0x77: {  	_ =	shalt  }
0x78: {  	_ =	shalt  }
0x79: {  	_ =	shalt  }
0x7a: {  	_ =	shalt  }
0x7b: {  	_ =	shalt  }
0x7c: {  	_ =	shalt  }
0x7d: {  	_ =	shalt  }
0x7e: {  	_ =	shalt  }
0x7f: {  	_ =	shalt  }
0x80: {  	_ =	shalt  }
0x81: {  	_ =	shalt  }
0x82: {  	_ =	shalt  }
0x83: {  	_ =	shalt  }
0x84: {  	_ =	shalt  }
0x85: {  	_ =	shalt  }
0x86: {  	_ =	shalt  }
0x87: {  	_ =	shalt  }
.Lfunc_end0:
.L_simem_size_0:
called_computation.1_lowered:
.L_overlay_start_0:
0x88: {  	s2 =	sld [smem:$0x3FD9]  }
0x89: {  	s3 =	sld [smem:$0x3FFE];
	_ =	sdelay $0x1  }
0x8a: {  	s1 =	srdreg.scid  }
0x8b: {  	s0 =	sand.u32 $0x1, s1  }
0x8c: {  	s17 =	sshll.u32 s0, $0xA;
	s2 =	sadd.s32 s3, s2  }
0x8d: {  	s2 =	sadd.s32 s2, s17  }
0x8e: {  	[smem:$0x3FBC] =	sst s2  }
0x8f: {  	_ = 	snop  }
0x90: {  	s2 =	sld [smem:$0x3FD0];
	(tm) =	ssettm $0x1  }
0x91: {  	s18 =	sld [smem:$0x3FFB];
	_ =	sdelay $0x3  }
0x92: {  	_ =	strace s18  }
0x93: {  	s3 =	sld [smem:$0x3FFC];
	_ =	sdelay $0x3  }
0x94: {  	_ =	strace s3  }
0x95: {  	s3 =	sld [smem:$0x3FFD];
	_ =	sdelay $0x3  }
0x96: {  	_ =	strace s3  }
0x97: {  	_ =	strace $0x8FFFFFFF  }
0x98: {  	s19 =	sld [smem:$0x3FDB];
	_ =	sdelay $0x1  }
0x99: {  	s4 =	simm.s32 $_scs_section_size  }
0x9a: {  	s5 =	simm.s32 $_size__tile_overlayer_lowered;
	s6 =	simm.s32 $_tile_overlayer_lowered  }
0x9b: {  	s22 =	simm.s32 $0x1BFF;
	s21 =	sshll.u32 s6, $0x1;
	s3 =	sadd.s32 s4, s19  }
0x9c: {  	s7 =	simm.s32 $0x0;
	s20 =	sshll.u32 s5, $0x1;
	s5 =	sadd.s32 s21, s3  }
0x9d: {  	[timem:s7], [sflag:s22] =	dma.local [hbm:s5], s20  }
0x9e: {  	_ =	swait.ge [sflag:s22], s20  }
0x9f: {  	s4 =	ssub.s32 $0x0, s20;
	[sflag:s22] =	ssyncset.done $0x0  }
0xa0: {  	[sflag:s22] =	ssyncadd.s32 s4;
	_ =	sdelay $0x1  }
0xa1: {  	s23 =	simm.s32 $0x1B8B  }
0xa2: {  	_ =	swait.ge [sflag:s23], $0x1  }
0xa3: {  	[sflag:s23] =	ssyncset.done $0x0  }
0xa4: {  	s25 =	simm.s32 $0x1B8E;
	s24 =	sld [smem:$0x3FFE];
	[sflag:s23] =	ssyncadd.s32 $0xFFFFFFFF  }
0xa5: {  	s26 =	simm.s32 $execute0_lowered;
	[smem:$0x3FD2] =	sst s25  }
0xa6: {  	s5 =	sshll.u32 s26, $0x1;
	_ =	strace $0x80000046;
	[dreg:$0x1] =	wrdreg $0xFFFFFFFF  }
0xa7: {  	s28 =	simm.s32 $_size_execute0_lowered;
	s3 =	sadd.s32 s3, s5;
	[dreg:$0x0] =	wrdreg $0x0  }
0xa8: {  	s5 =	sshll.u32 s28, $0x1;
	[dreg:$0x2] =	wrdreg s3  }
0xa9: {  	[dreg:$0x3] =	wrdreg s5  }
0xaa: {  	[dreg:$0x4] =	wrdreg $0xC0  }
0xab: {  	_ =	task [dreg:s7], $0x5FFFF  }
0xac: {  	[dreg:$0x1] =	wrdreg $0xFFFFFFFF  }
0xad: {  	[dreg:$0x0] =	wrdreg $0x60  }
0xae: {  	[dreg:$0x2] =	wrdreg s24  }
0xaf: {  	[dreg:$0x3] =	wrdreg s2  }
0xb0: {  	[dreg:$0x4] =	wrdreg $0x9  }
0xb1: {  	_ =	task.clear_ibuf [dreg:s7], $0x5FFFF;
	_ =	strace $0x90000046  }
0xb2: {  	s29 =	simm.s32 $0x9;
	_ =	strace $0x80000048  }
0xb3: {  	_ =	swait.ge [sflag:s29], $0x1  }
0xb4: {  	[sflag:s29] =	ssyncadd.s32 $0xFFFFFFFF  }
0xb5: {  	_ =	strace $0x90000048  }
0xb6: {  	_ =	sfence  }
0xb7: {  	s30 =	sld [smem:$0x0];
	_ =	sdelay $0x2  }
0xb8: {  	s31 =	sshll.u32 s1, $0xD;
	s1 =	sshrl.u32 s1, $0x2  }
0xb9: {  	s3 =	sand.u32 $0x4000, s31;
	s1 =	sadd.s32 s1, s30  }
0xba: {  	s0 =	sor.u32 s3, s0;
	s1 =	sshll.u32 s1, $0x11  }
0xbb: {  	s0 =	sor.u32 s1, s0  }
0xbc: {  	s0 =	sadd.s32 $0x8F2B, s0  }
0xbd: {  	[sflag:s0] =	ssyncadd.remote.s32 $0x1  }
0xbe: {  	_ =	sfence.sel $0xFFFF  }
0xbf: {  	[dreg:$0x0] =	wrdreg $0xFFFFFFFF;
	(pc) =	sbr.abs _section_cstart, $3  }
0xc0: {  	[dreg:$0x1] =	wrdreg $0xFFFFFFFF  }
0xc1: {  	_ =	task.clear_ibuf [dreg:s7], $0x2FFFF;
	_ =	strace $0x9FFFFFFF  }
0xc2: {  	(tm) =	ssettm $0x7FFFFFFF  }
0xc3: {  	_ =	shalt  }
tec
execute0_lowered:
.L_overlay_start_1:
0x0: {  	(tag) =	ssettag $0x1  }
0x1: {  	s0 =	rddreg [dreg:$0x0]  }
0x2: {  	s1 =	rddreg [dreg:$0x1];
	s2 =	srdreg.scid  }
0x3: {  	s3 =	simm.s32 $0x0;
	s12 =	stileid.u32;
	s29 =	simm.s32 $0x20  }
0x4: {  	s31 =	simm.s32 $0xC0;
	s14 =	simm.s32 $0x17000;
	s16 =	simm.s32 $0x18900  }
0x5: {  	s28 =	simm.s32 $0x1A200;
	s18 =	simm.s32 $0x1BB00;
	s17 =	simm.s32 $0x3  }
0x6: {  	s13 =	simm.s32 $0x0;
	s2 =	sand.u32 $0x1, s2;
	[smem:$0x7FF] =	sst s3  }
0x7: {  	s19 =	sshll.u32 s12, $0x8;
	s3 =	sadd.s32 $0x2A00, s0;
	s6 =	sadd.s32 $0xD5C00, s0  }
0x8: {  	s7 =	sadd.s32 $0x10BC00, s0;
	s24 =	smul.u32 $0x4B000, s12;
	s4 =	sshll.u32 s2, $0x7  }
0x9: {  	s12 =	simm.s32 $0xF300;
	s9 =	ssub.s32 $0x2, s2;
	s5 =	sor.u32 s4, s19  }
0xa: {  	_ =	strace $0x80000047;
	s11 =	sshrl.u32 s9, $0x1;
	s8 =	smul.u32 $0x7, s5  }
0xb: {  	s4 =	sadd.s32 $0xF44E00, s0;
	s5 =	sadd.s32 $0xC6200, s0;
	s20 =	ssub.s32 s9, s11  }
0xc: {  	s10 =	sadd.s32 s8, s0;
	s8 =	sadd.s32 $0x64600, s0;
	s0 =	smax.u32 s20, $0x1  }
0xd: {  	s2 =	smul.u32 $0x25800, s2;
	s21 =	sadd.s32 $0x104C00, s10;
	[dreg:$0x9] =	wrdreg s0  }
0xe: {  	s30 =	sadd.s32 s24, s1;
	s22 =	sadd.s32 $0xFDC00, s10;
	[dreg:$0x3] =	wrdreg s21  }
0xf: {  	s24 =	simm.s32 $0xA800;
	s23 =	sadd.s32 $0xF6C00, s10;
	[dreg:$0x4] =	wrdreg s22  }
0x10: {  	s1 =	simm.s32 $0xDA00;
	s25 =	sadd.s32 $0xEFC00, s10;
	[dreg:$0x5] =	wrdreg s23  }
0x11: {  	s19 =	simm.s32 $0x10C00;
	s26 =	sadd.s32 $0xE8C00, s10;
	[dreg:$0x6] =	wrdreg s25  }
.Ltmp0:
0x12: {  	s10 =	sadd.s32 $0xE1C00, s10;
	[dreg:$0x7] =	wrdreg s26;
	(pc) =	sbr.rel .LBB2_1-.Ltmp0, $4  }
0x13: {  	s20 =	simm.s32 $0x1C780;
	s0 =	sadd.s32 s2, s30;
	[dreg:$0x8] =	wrdreg s10  }
0x14: {  	s2 =	simm.s32 $0x2;
	[dreg:$0xa] =	wrdreg s0;
	s23 =	simm.s32 $0x32  }
0x15: {  	s0 =	simm.s32 $0xC100;
	s22 =	simm.s32 $0x12500;
	s26 =	simm.s32 $0x1  }
0x16: {  	s25 =	simm.s32 $0x13E00;
	s10 =	simm.s32 $0x15700;
	s21 =	simm.s32 $0x1CDC0  }
.LBB2_4:
0x17: {  	s11 =	simm.s32 $0x4  }
0x18: {  	_ =	swait.ge [sflag:s11], $0x1900  }
0x19: {  	[sflag:s11] =	ssyncset.done $0x0  }
0x1a: {  	[sflag:s11] =	ssyncadd.s32 $0xFFFFE700  }
0x1b: {  	_ =	swait.ge [sflag:s11], $0x1900  }
0x1c: {  	[sflag:s11] =	ssyncset.done $0x0  }
0x1d: {  	[sflag:s11] =	ssyncadd.s32 $0xFFFFE700  }
0x1e: {  	_ =	swait.ge [sflag:s11], $0x1900  }
0x1f: {  	[sflag:s11] =	ssyncset.done $0x0  }
0x20: {  	[sflag:s11] =	ssyncadd.s32 $0xFFFFE700  }
0x21: {  	_ =	swait.ge [sflag:s11], $0x1900  }
0x22: {  	[sflag:s11] =	ssyncset.done $0x0  }
0x23: {  	[sflag:s11] =	ssyncadd.s32 $0xFFFFE700  }
0x24: {  	_ =	swait.ge [sflag:s11], $0x1900  }
0x25: {  	[sflag:s11] =	ssyncset.done $0x0  }
0x26: {  	[sflag:s11] =	ssyncadd.s32 $0xFFFFE700  }
0x27: {  	_ =	swait.ge [sflag:s11], $0x1900  }
0x28: {  	s13 =	rddreg [dreg:$0xb]  }
0x29: {  	s9 =	rddreg [dreg:$0x9];
	s13 =	sadd.s32 $0x1, s13  }
0x2a: {  	p0 =	sne.s32 s13, s9  }
.Ltmp1:
0x2b: {  	_ = 	snop;
	(pc) =	sbr.rel @!p0 .LBB2_5-.Ltmp1, $3  }
0x2c: {  	_ =	sdelay $0x1  }
0x2d: {  	[sflag:s11] =	ssyncset.done $0x0  }
0x2e: {  	[sflag:s11] =	ssyncadd.s32 $0xFFFFE700  }
.LBB2_1:
0x2f: {  	[dreg:$0xb] =	wrdreg s13  }
0x30: {  	s9 =	simm.s32 $0x0;
	s11 =	rddreg [dreg:$0x3];
	s13 =	simm.s32 $0x5  }
0x31: {  	[tilespmem:s9], [sflag:$0x5] =	stream.linear.gather [hbm4b:s11+s9], $0x1C00, $0x38;
	[tilespmem:$0x1D400] =	vst v63  }
0x32: {  	_ =	swait.ge [sflag:s13], $0x1C00  }
0x33: {  	[sflag:s13] =	ssyncset.done $0x0  }
0x34: {  	s30 =	simm.s32 $0x1C00;
	s15 =	rddreg [dreg:$0x4];
	[sflag:s13] =	ssyncadd.s32 $0xFFFFE400  }
0x35: {  	[tilespmem:s30], [sflag:$0x5] =	stream.linear.gather [hbm4b:s15+s9], $0x1C00, $0x38;
	[tilespmem:$0x1D400] =	vst v63  }
0x36: {  	_ =	swait.ge [sflag:s13], $0x1C00  }
0x37: {  	[sflag:s13] =	ssyncset.done $0x0  }
0x38: {  	s15 =	simm.s32 $0x3800;
	s11 =	rddreg [dreg:$0x5];
	[sflag:s13] =	ssyncadd.s32 $0xFFFFE400  }
0x39: {  	[tilespmem:s15], [sflag:$0x5] =	stream.linear.gather [hbm4b:s11+s9], $0x1C00, $0x38;
	[tilespmem:$0x1D400] =	vst v63  }
0x3a: {  	_ =	swait.ge [sflag:s13], $0x1C00  }
0x3b: {  	[sflag:s13] =	ssyncset.done $0x0  }
0x3c: {  	s15 =	simm.s32 $0x5400;
	s11 =	rddreg [dreg:$0x6];
	[sflag:s13] =	ssyncadd.s32 $0xFFFFE400  }
0x3d: {  	[tilespmem:s15], [sflag:$0x5] =	stream.linear.gather [hbm4b:s11+s9], $0x1C00, $0x38;
	[tilespmem:$0x1D400] =	vst v63  }
0x3e: {  	_ =	swait.ge [sflag:s13], $0x1C00  }
0x3f: {  	[sflag:s13] =	ssyncset.done $0x0  }
0x40: {  	s15 =	simm.s32 $0x7000;
	s11 =	rddreg [dreg:$0x7];
	[sflag:s13] =	ssyncadd.s32 $0xFFFFE400  }
0x41: {  	[tilespmem:s15], [sflag:$0x5] =	stream.linear.gather [hbm4b:s11+s9], $0x1C00, $0x38;
	[tilespmem:$0x1D400] =	vst v63  }
0x42: {  	_ =	swait.ge [sflag:s13], $0x1C00  }
0x43: {  	[sflag:s13] =	ssyncset.done $0x0  }
0x44: {  	s15 =	simm.s32 $0x8C00;
	s11 =	rddreg [dreg:$0x8];
	[sflag:s13] =	ssyncadd.s32 $0xFFFFE400  }
0x45: {  	[tilespmem:s15], [sflag:$0x5] =	stream.linear.gather [hbm4b:s11+s9], $0x1C00, $0x38;
	[tilespmem:$0x1D400] =	vst v63  }
0x46: {  	_ =	swait.ge [sflag:s13], $0x1C00  }
0x47: {  	[sflag:s13] =	ssyncset.done $0x0  }
0x48: {  	[sflag:s13] =	ssyncadd.s32 $0xFFFFE400  }
0x49: {  	[tilespmem:s24], [sflag:$0x1] =	stream.indirect.gather [hbm4b:s3+s23], $0x20, s9, s23, $0xb8;
	[tilespmem:$0x1D400] =	vst v63  }
0x4a: {  	s11 =	simm.s32 $0x38;
	s13 =	simm.s32 $0xAE40  }
0x4b: {  	[tilespmem:s13], [sflag:$0x1] =	stream.indirect.gather [hbm4b:s3+s23], $0x20, s11, s23, $0xb8;
	[tilespmem:$0x1D400] =	vst v63  }
0x4c: {  	s11 =	simm.s32 $0x70;
	s13 =	simm.s32 $0xB480  }
0x4d: {  	[tilespmem:s13], [sflag:$0x1] =	stream.indirect.gather [hbm4b:s3+s23], $0x20, s11, s23, $0xb8;
	[tilespmem:$0x1D400] =	vst v63  }
0x4e: {  	s11 =	simm.s32 $0xA8;
	s13 =	simm.s32 $0xBAC0  }
0x4f: {  	[tilespmem:s13], [sflag:$0x1] =	stream.indirect.gather [hbm4b:s3+s23], $0x20, s11, s23, $0xb8;
	[tilespmem:$0x1D400] =	vst v63  }
0x50: {  	_ = 	snop  }
0x51: {  	[tilespmem:s0], [sflag:$0x1] =	stream.indirect.gather [hbm4b:s4+s23], $0x20, s30, s23, $0xb8;
	[tilespmem:$0x1D400] =	vst v63  }
0x52: {  	s11 =	simm.s32 $0x1C38;
	s13 =	simm.s32 $0xC740  }
0x53: {  	[tilespmem:s13], [sflag:$0x1] =	stream.indirect.gather [hbm4b:s4+s23], $0x20, s11, s23, $0xb8;
	[tilespmem:$0x1D400] =	vst v63  }
0x54: {  	s11 =	simm.s32 $0x1C70;
	s13 =	simm.s32 $0xCD80  }
0x55: {  	[tilespmem:s13], [sflag:$0x1] =	stream.indirect.gather [hbm4b:s4+s23], $0x20, s11, s23, $0xb8;
	[tilespmem:$0x1D400] =	vst v63  }
0x56: {  	s11 =	simm.s32 $0x1CA8;
	s13 =	simm.s32 $0xD3C0  }
0x57: {  	[tilespmem:s13], [sflag:$0x1] =	stream.indirect.gather [hbm4b:s4+s23], $0x20, s11, s23, $0xb8;
	[tilespmem:$0x1D400] =	vst v63  }
0x58: {  	s13 =	simm.s32 $0x3800  }
0x59: {  	[tilespmem:s1], [sflag:$0x1] =	stream.indirect.gather [hbm4b:s5+s23], $0x20, s13, s23, $0xb8;
	[tilespmem:$0x1D400] =	vst v63  }
0x5a: {  	s11 =	simm.s32 $0x3838;
	s13 =	simm.s32 $0xE040  }
0x5b: {  	[tilespmem:s13], [sflag:$0x1] =	stream.indirect.gather [hbm4b:s5+s23], $0x20, s11, s23, $0xb8;
	[tilespmem:$0x1D400] =	vst v63  }
0x5c: {  	s11 =	simm.s32 $0x3870;
	s13 =	simm.s32 $0xE680  }
0x5d: {  	[tilespmem:s13], [sflag:$0x1] =	stream.indirect.gather [hbm4b:s5+s23], $0x20, s11, s23, $0xb8;
	[tilespmem:$0x1D400] =	vst v63  }
0x5e: {  	s11 =	simm.s32 $0x38A8;
	s13 =	simm.s32 $0xECC0  }
0x5f: {  	[tilespmem:s13], [sflag:$0x1] =	stream.indirect.gather [hbm4b:s5+s23], $0x20, s11, s23, $0xb8;
	[tilespmem:$0x1D400] =	vst v63  }
0x60: {  	s13 =	simm.s32 $0x5400  }
0x61: {  	[tilespmem:s12], [sflag:$0x1] =	stream.indirect.gather [hbm4b:s6+s23], $0x20, s13, s23, $0xb8;
	[tilespmem:$0x1D400] =	vst v63  }
0x62: {  	s11 =	simm.s32 $0x5438;
	s13 =	simm.s32 $0xF940  }
0x63: {  	[tilespmem:s13], [sflag:$0x1] =	stream.indirect.gather [hbm4b:s6+s23], $0x20, s11, s23, $0xb8;
	[tilespmem:$0x1D400] =	vst v63  }
0x64: {  	s11 =	simm.s32 $0x5470;
	s13 =	simm.s32 $0xFF80  }
0x65: {  	[tilespmem:s13], [sflag:$0x1] =	stream.indirect.gather [hbm4b:s6+s23], $0x20, s11, s23, $0xb8;
	[tilespmem:$0x1D400] =	vst v63  }
0x66: {  	s11 =	simm.s32 $0x54A8;
	s13 =	simm.s32 $0x105C0  }
0x67: {  	[tilespmem:s13], [sflag:$0x1] =	stream.indirect.gather [hbm4b:s6+s23], $0x20, s11, s23, $0xb8;
	[tilespmem:$0x1D400] =	vst v63  }
0x68: {  	s13 =	simm.s32 $0x7000  }
0x69: {  	[tilespmem:s19], [sflag:$0x1] =	stream.indirect.gather [hbm4b:s7+s23], $0x20, s13, s23, $0xb8;
	[tilespmem:$0x1D400] =	vst v63  }
0x6a: {  	s11 =	simm.s32 $0x7038;
	s13 =	simm.s32 $0x11240  }
0x6b: {  	[tilespmem:s13], [sflag:$0x1] =	stream.indirect.gather [hbm4b:s7+s23], $0x20, s11, s23, $0xb8;
	[tilespmem:$0x1D400] =	vst v63  }
0x6c: {  	s11 =	simm.s32 $0x7070;
	s13 =	simm.s32 $0x11880  }
0x6d: {  	[tilespmem:s13], [sflag:$0x1] =	stream.indirect.gather [hbm4b:s7+s23], $0x20, s11, s23, $0xb8;
	[tilespmem:$0x1D400] =	vst v63  }
0x6e: {  	s11 =	simm.s32 $0x70A8;
	s13 =	simm.s32 $0x11EC0  }
0x6f: {  	[tilespmem:s13], [sflag:$0x1] =	stream.indirect.gather [hbm4b:s7+s23], $0x20, s11, s23, $0xb8;
	[tilespmem:$0x1D400] =	vst v63  }
0x70: {  	s15 =	simm.s32 $0x8C00  }
0x71: {  	[tilespmem:s22], [sflag:$0x1] =	stream.indirect.gather [hbm4b:s8+s23], $0x20, s15, s23, $0xb8;
	[tilespmem:$0x1D400] =	vst v63  }
0x72: {  	s13 =	simm.s32 $0x8C38;
	s15 =	simm.s32 $0x12B40  }
0x73: {  	[tilespmem:s15], [sflag:$0x1] =	stream.indirect.gather [hbm4b:s8+s23], $0x20, s13, s23, $0xb8;
	[tilespmem:$0x1D400] =	vst v63  }
0x74: {  	s9 =	simm.s32 $0x0;
	s13 =	simm.s32 $0x8C70;
	s15 =	simm.s32 $0x13180  }
0x75: {  	[tilespmem:s15], [sflag:$0x1] =	stream.indirect.gather [hbm4b:s8+s23], $0x20, s13, s23, $0xb8;
	[tilespmem:$0x1D400] =	vst v63  }
0x76: {  	s30 =	rddreg [dreg:$0xa];
	s13 =	simm.s32 $0x8CA8;
	s15 =	simm.s32 $0x137C0  }
0x77: {  	[tilespmem:s15], [sflag:$0x1] =	stream.indirect.gather [hbm4b:s8+s23], $0x20, s13, s23, $0xb8;
	[tilespmem:$0x1D400] =	vst v63  }
.LBB2_2:
0x78: {  	_ =	swait.ge [sflag:s26], $0x1900  }
0x79: {  	[sflag:s26] =	ssyncset.done $0x0  }
0x7a: {  	[sflag:s26] =	ssyncadd.s32 $0xFFFFE700  }
0x7b: {  	_ =	swait.ge [sflag:s26], $0x1900  }
0x7c: {  	[sflag:s26] =	ssyncset.done $0x0  }
0x7d: {  	[sflag:s26] =	ssyncadd.s32 $0xFFFFE700  }
0x7e: {  	_ =	swait.ge [sflag:s26], $0x1900  }
0x7f: {  	[sflag:s26] =	ssyncset.done $0x0  }
0x80: {  	[sflag:s26] =	ssyncadd.s32 $0xFFFFE700  }
0x81: {  	_ =	swait.ge [sflag:s26], $0x1900  }
0x82: {  	[sflag:s26] =	ssyncset.done $0x0  }
0x83: {  	[sflag:s26] =	ssyncadd.s32 $0xFFFFE700  }
0x84: {  	_ =	swait.ge [sflag:s26], $0x1900  }
0x85: {  	[sflag:s26] =	ssyncset.done $0x0  }
0x86: {  	[sflag:s26] =	ssyncadd.s32 $0xFFFFE700  }
0x87: {  	_ =	swait.ge [sflag:s26], $0x1900  }
0x88: {  	[sflag:s26] =	ssyncset.done $0x0  }
0x89: {  	[sflag:s26] =	ssyncadd.s32 $0xFFFFE700  }
0x8a: {  	[hbm4b:s30+s29] =	stream.strided.scatter [tilespmem:s24], [sflag:$0x3], $0x1900, s31, s29, $0x38;
	[tilespmem:$0x1D400] =	vst v63  }
0x8b: {  	s11 =	sadd.s32 $0x4, s30  }
0x8c: {  	[hbm4b:s11+s29] =	stream.strided.scatter [tilespmem:s0], [sflag:$0x3], $0x1900, s31, s29, $0x38;
	[tilespmem:$0x1D400] =	vst v63  }
0x8d: {  	s15 =	sadd.s32 $0x8, s30  }
0x8e: {  	[hbm4b:s15+s29] =	stream.strided.scatter [tilespmem:s1], [sflag:$0x3], $0x1900, s31, s29, $0x38;
	[tilespmem:$0x1D400] =	vst v63  }
0x8f: {  	s13 =	sadd.s32 $0xC, s30  }
0x90: {  	[hbm4b:s13+s29] =	stream.strided.scatter [tilespmem:s12], [sflag:$0x3], $0x1900, s31, s29, $0x38;
	[tilespmem:$0x1D400] =	vst v63  }
0x91: {  	s15 =	sadd.s32 $0x10, s30  }
0x92: {  	[hbm4b:s15+s29] =	stream.strided.scatter [tilespmem:s19], [sflag:$0x3], $0x1900, s31, s29, $0x38;
	[tilespmem:$0x1D400] =	vst v63  }
0x93: {  	p0 =	seq.s32 s9, $0x0;
	s13 =	sadd.s32 $0x14, s30  }
0x94: {  	[hbm4b:s13+s29] =	stream.strided.scatter [tilespmem:s22], [sflag:$0x3], $0x1900, s31, s29, $0x38;
	[tilespmem:$0x1D400] =	vst v63  }
0x95: {  	s13 =	simm.s32 @!p0 $0x4  }
0x96: {  	_ =	swait.ge @!p0 [sflag:s13], $0x1900  }
0x97: {  	[sflag:s13] =	ssyncset.done @!p0 $0x0  }
0x98: {  	[sflag:s13] =	ssyncadd.s32 @!p0 $0xFFFFE700  }
0x99: {  	_ =	swait.ge @!p0 [sflag:s13], $0x1900  }
0x9a: {  	[sflag:s13] =	ssyncset.done @!p0 $0x0  }
0x9b: {  	[sflag:s13] =	ssyncadd.s32 @!p0 $0xFFFFE700  }
0x9c: {  	_ =	swait.ge @!p0 [sflag:s13], $0x1900  }
0x9d: {  	[sflag:s13] =	ssyncset.done @!p0 $0x0  }
0x9e: {  	[sflag:s13] =	ssyncadd.s32 @!p0 $0xFFFFE700  }
0x9f: {  	_ =	swait.ge @!p0 [sflag:s13], $0x1900  }
0xa0: {  	[sflag:s13] =	ssyncset.done @!p0 $0x0  }
0xa1: {  	[sflag:s13] =	ssyncadd.s32 @!p0 $0xFFFFE700  }
0xa2: {  	_ =	swait.ge @!p0 [sflag:s13], $0x1900  }
0xa3: {  	[sflag:s13] =	ssyncset.done @!p0 $0x0  }
0xa4: {  	[sflag:s13] =	ssyncadd.s32 @!p0 $0xFFFFE700  }
0xa5: {  	_ =	swait.ge @!p0 [sflag:s13], $0x1900  }
0xa6: {  	s11 =	sshra.s32 s9, $0x2;
	[sflag:s13] =	ssyncset.done @!p0 $0x0  }
0xa7: {  	s15 =	sadd.s32 $0xE0, s11;
	[sflag:s13] =	ssyncadd.s32 @!p0 $0xFFFFE700  }
0xa8: {  	[tilespmem:s25], [sflag:$0x2] =	stream.indirect.gather [hbm4b:s3+s23], $0x20, s15, s23, $0xb8;
	[tilespmem:$0x1D400] =	vst v63  }
0xa9: {  	s13 =	sadd.s32 $0x118, s11;
	s15 =	simm.s32 $0x14440  }
0xaa: {  	[tilespmem:s15], [sflag:$0x2] =	stream.indirect.gather [hbm4b:s3+s23], $0x20, s13, s23, $0xb8;
	[tilespmem:$0x1D400] =	vst v63  }
0xab: {  	s13 =	sadd.s32 $0x150, s11;
	s15 =	simm.s32 $0x14A80  }
0xac: {  	[tilespmem:s15], [sflag:$0x2] =	stream.indirect.gather [hbm4b:s3+s23], $0x20, s13, s23, $0xb8;
	[tilespmem:$0x1D400] =	vst v63  }
0xad: {  	s13 =	sadd.s32 $0x188, s11;
	s15 =	simm.s32 $0x150C0  }
0xae: {  	[tilespmem:s15], [sflag:$0x2] =	stream.indirect.gather [hbm4b:s3+s23], $0x20, s13, s23, $0xb8;
	[tilespmem:$0x1D400] =	vst v63  }
0xaf: {  	s15 =	sadd.s32 $0x1CE0, s11  }
0xb0: {  	[tilespmem:s10], [sflag:$0x2] =	stream.indirect.gather [hbm4b:s4+s23], $0x20, s15, s23, $0xb8;
	[tilespmem:$0x1D400] =	vst v63  }
0xb1: {  	s13 =	sadd.s32 $0x1D18, s11;
	s15 =	simm.s32 $0x15D40  }
0xb2: {  	[tilespmem:s15], [sflag:$0x2] =	stream.indirect.gather [hbm4b:s4+s23], $0x20, s13, s23, $0xb8;
	[tilespmem:$0x1D400] =	vst v63  }
0xb3: {  	s13 =	sadd.s32 $0x1D50, s11;
	s15 =	simm.s32 $0x16380  }
0xb4: {  	[tilespmem:s15], [sflag:$0x2] =	stream.indirect.gather [hbm4b:s4+s23], $0x20, s13, s23, $0xb8;
	[tilespmem:$0x1D400] =	vst v63  }
0xb5: {  	s13 =	sadd.s32 $0x1D88, s11;
	s15 =	simm.s32 $0x169C0  }
0xb6: {  	[tilespmem:s15], [sflag:$0x2] =	stream.indirect.gather [hbm4b:s4+s23], $0x20, s13, s23, $0xb8;
	[tilespmem:$0x1D400] =	vst v63  }
0xb7: {  	s15 =	sadd.s32 $0x38E0, s11  }
0xb8: {  	[tilespmem:s14], [sflag:$0x2] =	stream.indirect.gather [hbm4b:s5+s23], $0x20, s15, s23, $0xb8;
	[tilespmem:$0x1D400] =	vst v63  }
0xb9: {  	s13 =	sadd.s32 $0x3918, s11;
	s15 =	simm.s32 $0x17640  }
0xba: {  	[tilespmem:s15], [sflag:$0x2] =	stream.indirect.gather [hbm4b:s5+s23], $0x20, s13, s23, $0xb8;
	[tilespmem:$0x1D400] =	vst v63  }
0xbb: {  	s13 =	sadd.s32 $0x3950, s11;
	s15 =	simm.s32 $0x17C80  }
0xbc: {  	[tilespmem:s15], [sflag:$0x2] =	stream.indirect.gather [hbm4b:s5+s23], $0x20, s13, s23, $0xb8;
	[tilespmem:$0x1D400] =	vst v63  }
0xbd: {  	s13 =	sadd.s32 $0x3988, s11;
	s15 =	simm.s32 $0x182C0  }
0xbe: {  	[tilespmem:s15], [sflag:$0x2] =	stream.indirect.gather [hbm4b:s5+s23], $0x20, s13, s23, $0xb8;
	[tilespmem:$0x1D400] =	vst v63  }
0xbf: {  	s15 =	sadd.s32 $0x54E0, s11  }
0xc0: {  	[tilespmem:s16], [sflag:$0x2] =	stream.indirect.gather [hbm4b:s6+s23], $0x20, s15, s23, $0xb8;
	[tilespmem:$0x1D400] =	vst v63  }
0xc1: {  	s13 =	sadd.s32 $0x5518, s11;
	s15 =	simm.s32 $0x18F40  }
0xc2: {  	[tilespmem:s15], [sflag:$0x2] =	stream.indirect.gather [hbm4b:s6+s23], $0x20, s13, s23, $0xb8;
	[tilespmem:$0x1D400] =	vst v63  }
0xc3: {  	s13 =	sadd.s32 $0x5550, s11;
	s15 =	simm.s32 $0x19580  }
0xc4: {  	[tilespmem:s15], [sflag:$0x2] =	stream.indirect.gather [hbm4b:s6+s23], $0x20, s13, s23, $0xb8;
	[tilespmem:$0x1D400] =	vst v63  }
0xc5: {  	s13 =	sadd.s32 $0x5588, s11;
	s15 =	simm.s32 $0x19BC0  }
0xc6: {  	[tilespmem:s15], [sflag:$0x2] =	stream.indirect.gather [hbm4b:s6+s23], $0x20, s13, s23, $0xb8;
	[tilespmem:$0x1D400] =	vst v63  }
0xc7: {  	s15 =	sadd.s32 $0x70E0, s11  }
0xc8: {  	[tilespmem:s28], [sflag:$0x2] =	stream.indirect.gather [hbm4b:s7+s23], $0x20, s15, s23, $0xb8;
	[tilespmem:$0x1D400] =	vst v63  }
0xc9: {  	s13 =	sadd.s32 $0x7118, s11;
	s15 =	simm.s32 $0x1A840  }
0xca: {  	[tilespmem:s15], [sflag:$0x2] =	stream.indirect.gather [hbm4b:s7+s23], $0x20, s13, s23, $0xb8;
	[tilespmem:$0x1D400] =	vst v63  }
0xcb: {  	s13 =	sadd.s32 $0x7150, s11;
	s15 =	simm.s32 $0x1AE80  }
0xcc: {  	[tilespmem:s15], [sflag:$0x2] =	stream.indirect.gather [hbm4b:s7+s23], $0x20, s13, s23, $0xb8;
	[tilespmem:$0x1D400] =	vst v63  }
0xcd: {  	s13 =	sadd.s32 $0x7188, s11;
	s15 =	simm.s32 $0x1B4C0  }
0xce: {  	[tilespmem:s15], [sflag:$0x2] =	stream.indirect.gather [hbm4b:s7+s23], $0x20, s13, s23, $0xb8;
	[tilespmem:$0x1D400] =	vst v63  }
0xcf: {  	s15 =	sadd.s32 $0x8CE0, s11  }
0xd0: {  	[tilespmem:s18], [sflag:$0x2] =	stream.indirect.gather [hbm4b:s8+s23], $0x20, s15, s23, $0xb8;
	[tilespmem:$0x1D400] =	vst v63  }
0xd1: {  	s13 =	sadd.s32 $0x8D18, s11;
	s15 =	simm.s32 $0x1C140  }
0xd2: {  	[tilespmem:s15], [sflag:$0x2] =	stream.indirect.gather [hbm4b:s8+s23], $0x20, s13, s23, $0xb8;
	[tilespmem:$0x1D400] =	vst v63  }
0xd3: {  	s15 =	sadd.s32 $0x8D50, s11  }
0xd4: {  	[tilespmem:s20], [sflag:$0x2] =	stream.indirect.gather [hbm4b:s8+s23], $0x20, s15, s23, $0xb8;
	[tilespmem:$0x1D400] =	vst v63  }
0xd5: {  	s15 =	sadd.s32 $0x8D88, s11  }
0xd6: {  	[tilespmem:s21], [sflag:$0x2] =	stream.indirect.gather [hbm4b:s8+s23], $0x20, s15, s23, $0xb8;
	[tilespmem:$0x1D400] =	vst v63  }
0xd7: {  	_ =	swait.ge [sflag:s2], $0x1900  }
0xd8: {  	[sflag:s2] =	ssyncset.done $0x0  }
0xd9: {  	[sflag:s2] =	ssyncadd.s32 $0xFFFFE700  }
0xda: {  	_ =	swait.ge [sflag:s2], $0x1900  }
0xdb: {  	[sflag:s2] =	ssyncset.done $0x0  }
0xdc: {  	[sflag:s2] =	ssyncadd.s32 $0xFFFFE700  }
0xdd: {  	_ =	swait.ge [sflag:s2], $0x1900  }
0xde: {  	[sflag:s2] =	ssyncset.done $0x0  }
0xdf: {  	[sflag:s2] =	ssyncadd.s32 $0xFFFFE700  }
0xe0: {  	_ =	swait.ge [sflag:s2], $0x1900  }
0xe1: {  	[sflag:s2] =	ssyncset.done $0x0  }
0xe2: {  	[sflag:s2] =	ssyncadd.s32 $0xFFFFE700  }
0xe3: {  	_ =	swait.ge [sflag:s2], $0x1900  }
0xe4: {  	[sflag:s2] =	ssyncset.done $0x0  }
0xe5: {  	[sflag:s2] =	ssyncadd.s32 $0xFFFFE700  }
0xe6: {  	_ =	swait.ge [sflag:s2], $0x1900  }
0xe7: {  	[sflag:s2] =	ssyncset.done $0x0  }
0xe8: {  	s15 =	sadd.s32 $0x12C0, s30;
	[sflag:s2] =	ssyncadd.s32 $0xFFFFE700  }
0xe9: {  	[hbm4b:s15+s29] =	stream.strided.scatter [tilespmem:s25], [sflag:$0x4], $0x1900, s31, s29, $0x38;
	[tilespmem:$0x1D400] =	vst v63  }
0xea: {  	s15 =	sadd.s32 $0x12C4, s30  }
0xeb: {  	[hbm4b:s15+s29] =	stream.strided.scatter [tilespmem:s10], [sflag:$0x4], $0x1900, s31, s29, $0x38;
	[tilespmem:$0x1D400] =	vst v63  }
0xec: {  	s15 =	sadd.s32 $0x12C8, s30  }
0xed: {  	[hbm4b:s15+s29] =	stream.strided.scatter [tilespmem:s14], [sflag:$0x4], $0x1900, s31, s29, $0x38;
	[tilespmem:$0x1D400] =	vst v63  }
0xee: {  	s15 =	sadd.s32 $0x12CC, s30  }
0xef: {  	[hbm4b:s15+s29] =	stream.strided.scatter [tilespmem:s16], [sflag:$0x4], $0x1900, s31, s29, $0x38;
	[tilespmem:$0x1D400] =	vst v63  }
0xf0: {  	s15 =	sadd.s32 $0x12D0, s30  }
0xf1: {  	[hbm4b:s15+s29] =	stream.strided.scatter [tilespmem:s28], [sflag:$0x4], $0x1900, s31, s29, $0x38;
	[tilespmem:$0x1D400] =	vst v63  }
0xf2: {  	s15 =	sadd.s32 $0x12D4, s30  }
0xf3: {  	[hbm4b:s15+s29] =	stream.strided.scatter [tilespmem:s18], [sflag:$0x4], $0x1900, s31, s29, $0x38;
	[tilespmem:$0x1D400] =	vst v63  }
0xf4: {  	_ =	swait.ge [sflag:s17], $0x1900  }
0xf5: {  	[sflag:s17] =	ssyncset.done $0x0  }
0xf6: {  	[sflag:s17] =	ssyncadd.s32 $0xFFFFE700  }
0xf7: {  	_ =	swait.ge [sflag:s17], $0x1900  }
0xf8: {  	[sflag:s17] =	ssyncset.done $0x0  }
0xf9: {  	[sflag:s17] =	ssyncadd.s32 $0xFFFFE700  }
0xfa: {  	_ =	swait.ge [sflag:s17], $0x1900  }
0xfb: {  	[sflag:s17] =	ssyncset.done $0x0  }
0xfc: {  	[sflag:s17] =	ssyncadd.s32 $0xFFFFE700  }
0xfd: {  	_ =	swait.ge [sflag:s17], $0x1900  }
0xfe: {  	[sflag:s17] =	ssyncset.done $0x0  }
0xff: {  	[sflag:s17] =	ssyncadd.s32 $0xFFFFE700  }
0x100: {  	p0 =	seq.s32 s9, $0x6900;
	_ =	swait.ge [sflag:s17], $0x1900  }
.Ltmp2:
0x101: {  	[sflag:s17] =	ssyncset.done $0x0;
	(pc) =	sbr.rel @p0 .LBB2_4-.Ltmp2, $4  }
0x102: {  	[sflag:s17] =	ssyncadd.s32 $0xFFFFE700  }
0x103: {  	_ =	swait.ge [sflag:s17], $0x1900  }
0x104: {  	[sflag:s17] =	ssyncset.done $0x0  }
0x105: {  	[sflag:s17] =	ssyncadd.s32 $0xFFFFE700  }
0x106: {  	s13 =	sadd.s32 $0x1C0, s11  }
0x107: {  	[tilespmem:s24], [sflag:$0x1] =	stream.indirect.gather [hbm4b:s3+s23], $0x20, s13, s23, $0xb8;
	[tilespmem:$0x1D400] =	vst v63  }
0x108: {  	s15 =	simm.s32 $0xAE40;
	s13 =	sadd.s32 $0x1F8, s11  }
0x109: {  	[tilespmem:s15], [sflag:$0x1] =	stream.indirect.gather [hbm4b:s3+s23], $0x20, s13, s23, $0xb8;
	[tilespmem:$0x1D400] =	vst v63  }
0x10a: {  	s13 =	sadd.s32 $0x230, s11;
	s15 =	simm.s32 $0xB480  }
0x10b: {  	[tilespmem:s15], [sflag:$0x1] =	stream.indirect.gather [hbm4b:s3+s23], $0x20, s13, s23, $0xb8;
	[tilespmem:$0x1D400] =	vst v63  }
0x10c: {  	s13 =	sadd.s32 $0x268, s11;
	s15 =	simm.s32 $0xBAC0  }
0x10d: {  	[tilespmem:s15], [sflag:$0x1] =	stream.indirect.gather [hbm4b:s3+s23], $0x20, s13, s23, $0xb8;
	[tilespmem:$0x1D400] =	vst v63  }
0x10e: {  	s15 =	sadd.s32 $0x1DC0, s11  }
0x10f: {  	[tilespmem:s0], [sflag:$0x1] =	stream.indirect.gather [hbm4b:s4+s23], $0x20, s15, s23, $0xb8;
	[tilespmem:$0x1D400] =	vst v63  }
0x110: {  	s13 =	sadd.s32 $0x1DF8, s11;
	s15 =	simm.s32 $0xC740  }
0x111: {  	[tilespmem:s15], [sflag:$0x1] =	stream.indirect.gather [hbm4b:s4+s23], $0x20, s13, s23, $0xb8;
	[tilespmem:$0x1D400] =	vst v63  }
0x112: {  	s13 =	sadd.s32 $0x1E30, s11;
	s15 =	simm.s32 $0xCD80  }
0x113: {  	[tilespmem:s15], [sflag:$0x1] =	stream.indirect.gather [hbm4b:s4+s23], $0x20, s13, s23, $0xb8;
	[tilespmem:$0x1D400] =	vst v63  }
0x114: {  	s13 =	sadd.s32 $0x1E68, s11;
	s15 =	simm.s32 $0xD3C0  }
0x115: {  	[tilespmem:s15], [sflag:$0x1] =	stream.indirect.gather [hbm4b:s4+s23], $0x20, s13, s23, $0xb8;
	[tilespmem:$0x1D400] =	vst v63  }
0x116: {  	s15 =	sadd.s32 $0x39C0, s11  }
0x117: {  	[tilespmem:s1], [sflag:$0x1] =	stream.indirect.gather [hbm4b:s5+s23], $0x20, s15, s23, $0xb8;
	[tilespmem:$0x1D400] =	vst v63  }
0x118: {  	s13 =	sadd.s32 $0x39F8, s11;
	s15 =	simm.s32 $0xE040  }
0x119: {  	[tilespmem:s15], [sflag:$0x1] =	stream.indirect.gather [hbm4b:s5+s23], $0x20, s13, s23, $0xb8;
	[tilespmem:$0x1D400] =	vst v63  }
0x11a: {  	s13 =	sadd.s32 $0x3A30, s11;
	s15 =	simm.s32 $0xE680  }
0x11b: {  	[tilespmem:s15], [sflag:$0x1] =	stream.indirect.gather [hbm4b:s5+s23], $0x20, s13, s23, $0xb8;
	[tilespmem:$0x1D400] =	vst v63  }
0x11c: {  	s13 =	sadd.s32 $0x3A68, s11;
	s15 =	simm.s32 $0xECC0  }
0x11d: {  	[tilespmem:s15], [sflag:$0x1] =	stream.indirect.gather [hbm4b:s5+s23], $0x20, s13, s23, $0xb8;
	[tilespmem:$0x1D400] =	vst v63  }
0x11e: {  	s15 =	sadd.s32 $0x55C0, s11  }
0x11f: {  	[tilespmem:s12], [sflag:$0x1] =	stream.indirect.gather [hbm4b:s6+s23], $0x20, s15, s23, $0xb8;
	[tilespmem:$0x1D400] =	vst v63  }
0x120: {  	s13 =	sadd.s32 $0x55F8, s11;
	s15 =	simm.s32 $0xF940  }
0x121: {  	[tilespmem:s15], [sflag:$0x1] =	stream.indirect.gather [hbm4b:s6+s23], $0x20, s13, s23, $0xb8;
	[tilespmem:$0x1D400] =	vst v63  }
0x122: {  	s13 =	sadd.s32 $0x5630, s11;
	s15 =	simm.s32 $0xFF80  }
0x123: {  	[tilespmem:s15], [sflag:$0x1] =	stream.indirect.gather [hbm4b:s6+s23], $0x20, s13, s23, $0xb8;
	[tilespmem:$0x1D400] =	vst v63  }
0x124: {  	s13 =	sadd.s32 $0x5668, s11;
	s15 =	simm.s32 $0x105C0  }
0x125: {  	[tilespmem:s15], [sflag:$0x1] =	stream.indirect.gather [hbm4b:s6+s23], $0x20, s13, s23, $0xb8;
	[tilespmem:$0x1D400] =	vst v63  }
0x126: {  	s15 =	sadd.s32 $0x71C0, s11  }
0x127: {  	[tilespmem:s19], [sflag:$0x1] =	stream.indirect.gather [hbm4b:s7+s23], $0x20, s15, s23, $0xb8;
	[tilespmem:$0x1D400] =	vst v63  }
0x128: {  	s13 =	sadd.s32 $0x71F8, s11;
	s15 =	simm.s32 $0x11240  }
0x129: {  	[tilespmem:s15], [sflag:$0x1] =	stream.indirect.gather [hbm4b:s7+s23], $0x20, s13, s23, $0xb8;
	[tilespmem:$0x1D400] =	vst v63  }
0x12a: {  	s13 =	sadd.s32 $0x7230, s11;
	s15 =	simm.s32 $0x11880  }
0x12b: {  	[tilespmem:s15], [sflag:$0x1] =	stream.indirect.gather [hbm4b:s7+s23], $0x20, s13, s23, $0xb8;
	[tilespmem:$0x1D400] =	vst v63  }
0x12c: {  	s13 =	sadd.s32 $0x7268, s11;
	s15 =	simm.s32 $0x11EC0  }
0x12d: {  	[tilespmem:s15], [sflag:$0x1] =	stream.indirect.gather [hbm4b:s7+s23], $0x20, s13, s23, $0xb8;
	[tilespmem:$0x1D400] =	vst v63  }
0x12e: {  	s15 =	sadd.s32 $0x8DC0, s11  }
0x12f: {  	[tilespmem:s22], [sflag:$0x1] =	stream.indirect.gather [hbm4b:s8+s23], $0x20, s15, s23, $0xb8;
	[tilespmem:$0x1D400] =	vst v63  }
0x130: {  	s13 =	sadd.s32 $0x8DF8, s11;
	s15 =	simm.s32 $0x12B40  }
0x131: {  	[tilespmem:s15], [sflag:$0x1] =	stream.indirect.gather [hbm4b:s8+s23], $0x20, s13, s23, $0xb8;
	[tilespmem:$0x1D400] =	vst v63  }
.Ltmp3:
0x132: {  	_ = 	snop;
	(pc) =	sbr.rel .LBB2_2-.Ltmp3, $4  }
0x133: {  	s9 =	sadd.s32 $0x700, s9;
	s13 =	sadd.s32 $0x8E30, s11;
	s15 =	simm.s32 $0x13180  }
0x134: {  	[tilespmem:s15], [sflag:$0x1] =	stream.indirect.gather [hbm4b:s8+s23], $0x20, s13, s23, $0xb8;
	[tilespmem:$0x1D400] =	vst v63  }
0x135: {  	s30 =	sadd.s32 $0x2580, s30;
	s13 =	sadd.s32 $0x8E68, s11;
	s15 =	simm.s32 $0x137C0  }
0x136: {  	[tilespmem:s15], [sflag:$0x1] =	stream.indirect.gather [hbm4b:s8+s23], $0x20, s13, s23, $0xb8;
	[tilespmem:$0x1D400] =	vst v63  }
.LBB2_5:
0x137: {  	_ =	sfence.sel $0x180000  }
0x138: {  	[bflag:$0x0] =	sbarrier.arrive $0xFFFF  }
0x139: {  	_ =	strace $0x90000047  }
0x13a: {  	s0 =	stileid.u32;
	[bflag:$0x2] =	sbarrier.arrive $0xFFFF  }
0x13b: {  	p0 =	sne.s32 s0, $0x0;
	s0 =	rddreg [dreg:$0x2]  }
0x13c: {  	s0 =	sadd.s32 @!p0 $0x100000, s0  }
0x13d: {  	[sflag:s0] =	ssyncadd.tile.s32 @!p0 $0x1;
	_ =	shalt  }
.Lfunc_end2:
_tile_overlayer_lowered:
.L_overlay_start_2:
0x13e: {  	(tag) =	ssettag $0x2  }
0x13f: {  	s0 =	rddreg [dreg:$0x0];
	s2 =	stileid.u32  }
0x140: {  	s1 =	rddreg [dreg:$0x1];
	p0 =	sne.s32 s2, $0x0  }
0x141: {  	s3 =	rddreg [dreg:$0x2];
	[bflag:$0x3] =	sbarrier.arrive $0xFFFF;
	s2 =	simm.s32 @!p0 $0x1C05  }
0x142: {  	[timem:s3], [sflag:s2] =	dma.local @!p0 [hbm:s0], s1  }
0x143: {  	s0 =	simm.s32 @!p0 $0x5  }
0x144: {  	_ =	swait.ge @!p0 [sflag:s0], s1  }
0x145: {  	s1 =	ssub.s32 @!p0 $0x0, s1;
	[sflag:s0] =	ssyncset.done @!p0 $0x0  }
0x146: {  	[sflag:s0] =	ssyncadd.s32 @!p0 s1  }
0x147: {  	[bflag:$0x3] =	sbarrier.arrive $0xFFFF  }
0x148: {  	_ =	shalt  }

// kernel: sparse-core-data-format-call.cloned.1.call-start
scs
called_computation_lowered:
.L_overlay_start_0:
0x0: {  	s2 =	sld [smem:$0x3FD9]  }
0x1: {  	s3 =	sld [smem:$0x3FFE];
	_ =	sdelay $0x1  }
0x2: {  	s1 =	srdreg.scid  }
0x3: {  	s0 =	sand.u32 $0x1, s1  }
0x4: {  	s18 =	sshll.u32 s0, $0xA;
	s2 =	sadd.s32 s3, s2  }
0x5: {  	s2 =	sadd.s32 s2, s18  }
0x6: {  	[smem:$0x3FBC] =	sst s2  }
0x7: {  	_ = 	snop  }
0x8: {  	s2 =	sld [smem:$0x3FD0];
	(tm) =	ssettm $0x1  }
0x9: {  	s19 =	sld [smem:$0x3FFB];
	_ =	sdelay $0x3  }
0xa: {  	_ =	strace s19  }
0xb: {  	s3 =	sld [smem:$0x3FFC];
	_ =	sdelay $0x3  }
0xc: {  	_ =	strace s3  }
0xd: {  	s3 =	sld [smem:$0x3FFD];
	_ =	sdelay $0x3  }
0xe: {  	_ =	strace s3  }
0xf: {  	_ =	strace $0x8FFFFFFF  }
0x10: {  	s20 =	sld [smem:$0x3FDB];
	_ =	sdelay $0x1  }
0x11: {  	s4 =	simm.s32 $_scs_section_size  }
0x12: {  	s5 =	simm.s32 $_size__tile_overlayer_lowered;
	s6 =	simm.s32 $_tile_overlayer_lowered  }
0x13: {  	s23 =	simm.s32 $0x1BFF;
	s22 =	sshll.u32 s6, $0x1;
	s3 =	sadd.s32 s4, s20  }
0x14: {  	s7 =	simm.s32 $0x0;
	s21 =	sshll.u32 s5, $0x1;
	s5 =	sadd.s32 s22, s3  }
0x15: {  	[timem:s7], [sflag:s23] =	dma.local [hbm:s5], s21  }
0x16: {  	_ =	swait.ge [sflag:s23], s21  }
0x17: {  	s4 =	ssub.s32 $0x0, s21;
	[sflag:s23] =	ssyncset.done $0x0  }
0x18: {  	[sflag:s23] =	ssyncadd.s32 s4;
	_ =	sdelay $0x1  }
0x19: {  	s24 =	simm.s32 $0x1B8B  }
0x1a: {  	_ =	swait.ge [sflag:s24], $0x1  }
0x1b: {  	[sflag:s24] =	ssyncset.done $0x0  }
0x1c: {  	s26 =	simm.s32 $0x1B8E;
	s25 =	sld [smem:$0x3FFE];
	[sflag:s24] =	ssyncadd.s32 $0xFFFFFFFF  }
0x1d: {  	s27 =	simm.s32 $execute0_lowered;
	[smem:$0x3FD2] =	sst s26  }
0x1e: {  	s5 =	sshll.u32 s27, $0x1;
	_ =	strace $0x80000049;
	[dreg:$0x1] =	wrdreg $0xFFFFFFFF  }
0x1f: {  	s28 =	simm.s32 $_size_execute0_lowered;
	s3 =	sadd.s32 s3, s5;
	[dreg:$0x0] =	wrdreg $0x0  }
0x20: {  	s5 =	sshll.u32 s28, $0x1;
	[dreg:$0x2] =	wrdreg s3  }
0x21: {  	[dreg:$0x3] =	wrdreg s5  }
0x22: {  	[dreg:$0x4] =	wrdreg $0xC0  }
0x23: {  	_ =	task [dreg:s7], $0x5FFFF  }
0x24: {  	[dreg:$0x1] =	wrdreg $0xFFFFFFFF  }
0x25: {  	[dreg:$0x0] =	wrdreg $0x60  }
0x26: {  	[dreg:$0x2] =	wrdreg s25  }
0x27: {  	[dreg:$0x3] =	wrdreg s2  }
0x28: {  	[dreg:$0x4] =	wrdreg $0x9  }
0x29: {  	_ =	task.clear_ibuf [dreg:s7], $0x5FFFF;
	_ =	strace $0x90000049  }
0x2a: {  	s29 =	simm.s32 $0x9;
	_ =	strace $0x8000004B  }
0x2b: {  	_ =	swait.ge [sflag:s29], $0x1  }
0x2c: {  	[sflag:s29] =	ssyncadd.s32 $0xFFFFFFFF  }
0x2d: {  	_ =	strace $0x9000004B  }
0x2e: {  	_ =	sfence  }
0x2f: {  	s30 =	sld [smem:$0x0];
	_ =	sdelay $0x2  }
0x30: {  	s31 =	sshll.u32 s1, $0xD;
	s1 =	sshrl.u32 s1, $0x2  }
0x31: {  	s3 =	sand.u32 $0x4000, s31;
	s1 =	sadd.s32 s1, s30  }
0x32: {  	s0 =	sor.u32 s3, s0;
	s1 =	sshll.u32 s1, $0x11  }
0x33: {  	s0 =	sor.u32 s1, s0  }
0x34: {  	s0 =	sadd.s32 $0x8F2B, s0  }
0x35: {  	[sflag:s0] =	ssyncadd.remote.s32 $0x1  }
0x36: {  	_ =	sfence.sel $0xFFFF  }
0x37: {  	[dreg:$0x0] =	wrdreg $0xFFFFFFFF;
	(pc) =	sbr.abs _section_cstart, $3  }
0x38: {  	[dreg:$0x1] =	wrdreg $0xFFFFFFFF  }
0x39: {  	_ =	task.clear_ibuf [dreg:s7], $0x2FFFF;
	_ =	strace $0x9FFFFFFF  }
0x3a: {  	(tm) =	ssettm $0x7FFFFFFF  }
0x3b: {  	_ =	shalt  }
tec
execute0_lowered:
.L_overlay_start_1:
0x0: {  	(tag) =	ssettag $0x1  }
0x1: {  	s0 =	srdreg.scid;
	s6 =	rddreg [dreg:$0x0]  }
0x2: {  	s3 =	rddreg [dreg:$0x1];
	s1 =	sshll.u32 s0, $0x4  }
0x3: {  	s5 =	simm.s32 $0x1;
	s0 =	stileid.u32;
	s1 =	sand.u32 $0x10, s1  }
0x4: {  	s31 =	simm.s32 $0x2;
	s16 =	simm.s32 $0x0;
	s1 =	sor.u32 s0, s1  }
0x5: {  	s8 =	simm.s32 $0x8000;
	s18 =	simm.s32 $0x0;
	s2 =	sshll.u32 s1, $0x7  }
0x6: {  	s17 =	simm.s32 $0x0;
	s9 =	simm.s32 $0x0;
	s4 =	ssub.s32 $0x1000, s2  }
0x7: {  	s10 =	simm.s32 $0x0;
	s11 =	simm.s32 $0x0;
	s30 =	sand.u32 $0xF80, s4  }
0x8: {  	s12 =	simm.s32 $0x0;
	s13 =	simm.s32 $0x0;
	p0 =	sne.s32 s30, $0x0  }
.Ltmp0:
0x9: {  	s7 =	sshrl.u32 s4, $0xC;
	s5 =	simm.s32 @!p0 $0x0;
	(pc) =	sbr.rel .LBB1_1-.Ltmp0, $4  }
0xa: {  	s15 =	simm.s32 $0x0;
	s1 =	rddreg [dreg:$0x2];
	s5 =	sadd.s32 s5, s7  }
0xb: {  	_ =	strace $0x8000004A;
	s4 =	simm.s32 $0x1;
	s5 =	smul.u32 $0x64, s5  }
0xc: {  	s6 =	sadd.s32 $0x2A00, s6;
	s14 =	smov.u32 s2;
	[sflag:s4] =	ssyncpa.u1 $0x0  }
0xd: {  	[sflag:s31] =	ssyncpa.u1 $0x0;
	p0 =	por $0x0, $0x0;
	s7 =	sor.u32 $0x1, s5  }
.LBB1_4:
0xe: {  	s23 =	sshra.s32 s23, $0x2;
	s30 =	sshll.u32 s9, $0xC  }
0xf: {  	p1 =	sgt.s32 s10, $0x31;
	s24 =	smov.u32 s10;
	s25 =	sshra.s32 s10, $0x1F  }
0x10: {  	s26 =	sshll.u32 s11, $0x3;
	s28 =	smov.u32 s11;
	s29 =	sshra.s32 s11, $0x1F  }
0x11: {  	s22 =	sadd.s32 s23, s22;
	s24 =	simm.s32 @!p1 $0x31;
	s25 =	sand.u32 s25, s10  }
0x12: {  	s23 =	sand.u32 $0xFFFF8000, s30;
	s27 =	sand.u32 $0xFFFFFC00, s26;
	p1 =	sgt.s32 s9, $0x40  }
0x13: {  	s31 =	sand.u32 s29, s11;
	s29 =	sshll.u32 s9, $0x7;
	s30 =	sshra.s32 s9, $0x1F  }
0x14: {  	[tilespmem:s21+$0x2040 ss:$0x81] =	vst.msk $0xffff, v4;
	s24 =	ssub.s32 s24, s25;
	s23 =	sadd.s32 s27, s23;
	s27 =	smov.u32 s9  }
0x15: {  	[tilespmem:s21+$0x2850 ss:$0x81] =	vst.msk $0xffff, v3;
	s29 =	sand.u32 $0x380, s29;
	s25 =	sadd.s32 $0xFFFFFFCF, s24;
	s27 =	simm.s32 @!p1 $0x40  }
0x16: {  	v5 =	vld [tilespmem:s20+$0xFFFFFFD0];
	[tilespmem:s21+$0x3060 ss:$0x81] =	vst.msk $0xffff, v2;
	p1 =	sgt.s32 s11, $0xF80;
	s23 =	sshrl.u32 s23, $0xC;
	s24 =	ssub.s32 $0x32, s24  }
0x17: {  	v58 =	vld [tilespmem:s20+$0xFFFFFFE0];
	[tilespmem:s21+$0x0 ss:$0x81] =	vst.msk $0xffff, v1;
	s28 =	simm.s32 @!p1 $0xF80;
	p1 =	sgt.s32 s25, $0x0;
	s21 =	smulhi.u32 $0x1555556, s23  }
0x18: {  	v59 =	vld [tilespmem:s20+$0xFFFFFFF0];
	s25 =	ssub.s32 s28, s31;
	s28 =	sand.u32 s30, s9;
	s24 =	simm.s32 @p1 $0x0  }
0x19: {  	v60 =	vld [tilespmem:s20+$0x0];
	s27 =	ssub.s32 s27, s28;
	s31 =	sadd.s32 $0xFFFFF080, s25;
	s25 =	ssub.s32 $0x1000, s25  }
0x1a: {  	v61 =	vld [tilespmem:s20+$0x10];
	[tilespmem:s22+$0x3870 ss:$0x81] =	vst.msk $0xffff, v0;
	s21 =	smul.u32 $0xC0, s21;
	s28 =	sand.u32 $0x7, s11;
	p1 =	sgt.s32 s31, $0x7F  }
0x1b: {  	v62 =	vld [tilespmem:s20+$0x20];
	[tilespmem:s22+$0x810 ss:$0x81] =	vst.msk $0xffff, v5;
	s30 =	sadd.s32 $0xFFFFFFC0, s27;
	s31 =	sand.u32 $0x78, s11;
	s25 =	simm.s32 @p1 $0x0  }
0x1c: {  	v63 =	vld [tilespmem:s20+$0xFFFFFFC0];
	[tilespmem:s22+$0x1020 ss:$0x81] =	vst.msk $0xffff, v58;
	p1 =	sgt.s32 s30, $0x7F;
	s30 =	sand.u32 $0xC00, s26;
	s24 =	smul.u32 s25, s24  }
0x1d: {  	[tilespmem:s22+$0x1830 ss:$0x81] =	vst.msk $0xffff, v59;
	s26 =	ssub.s32 $0xC0, s27;
	s20 =	sor.u32 s31, s30;
	s31 =	smul.u32 $0x18000, s10  }
0x1e: {  	[tilespmem:s22+$0x2040 ss:$0x81] =	vst.msk $0xffff, v60;
	s21 =	ssub.s32 s23, s21;
	s26 =	simm.s32 @p1 $0x0;
	s20 =	sor.u32 s29, s20  }
0x1f: {  	[tilespmem:s22+$0x2850 ss:$0x81] =	vst.msk $0xffff, v61;
	s26 =	smul.u32 s26, s24;
	s20 =	sshrl.u32 s20, $0x3;
	s27 =	sadd.s32 s3, s31  }
0x20: {  	[tilespmem:s22+$0x3060 ss:$0x81] =	vst.msk $0xffff, v62;
	s21 =	sshll.u32 s21, $0x9;
	s29 =	sshll.u32 s28, $0x12;
	s20 =	sadd.s32 s20, s27  }
0x21: {  	[tilespmem:s22+$0x0 ss:$0x81] =	vst.msk $0xffff, v63;
	s31 =	sor.u32 $0x400, s29;
	s30 =	sand.u32 $0x3FFFFFFF, s26;
	s20 =	sadd.s32 s21, s20  }
0x22: {  	[hbm4b:s20+s31] =	stream.strided.scatter [tilespmem:s19], [sflag:$0x2], s30, s8, s31, $0x20;
	[tilespmem:$0x10100] =	vst v63  }
.LBB1_5:
0x23: {  	p1 =	slt.u32 s15, $0x2  }
0x24: {  	p2 =	sgt.s32 @!p1 s18, $0x31  }
0x25: {  	s19 =	smov.u32 s18;
	s20 =	sshra.s32 @!p1 s18, $0x1F;
	p2 =	por !p2, p1  }
0x26: {  	s18 =	sand.u32 @!p1 s20, s18;
	s19 =	simm.s32 @p2 $0x31  }
0x27: {  	p3 =	sgt.s32 @!p1 s16, $0x40;
	s18 =	ssub.s32 @!p1 s19, s18  }
0x28: {  	p4 =	sgt.s32 @!p1 s17, $0xF80;
	s21 =	sshra.s32 @!p1 s17, $0x1F;
	s19 =	sadd.s32 @!p1 $0xFFFFFFCF, s18  }
0x29: {  	s20 =	smov.u32 s16;
	p2 =	sgt.s32 @!p1 s19, $0x0;
	s19 =	sshra.s32 @!p1 s16, $0x1F  }
0x2a: {  	p4 =	por !p4, p1;
	s16 =	sand.u32 @!p1 s19, s16;
	s19 =	smov.u32 s17  }
0x2b: {  	p3 =	por !p3, p1;
	s17 =	sand.u32 @!p1 s21, s17;
	s19 =	simm.s32 @p4 $0xF80  }
0x2c: {  	s20 =	simm.s32 @p3 $0x40;
	s18 =	ssub.s32 @!p1 $0x32, s18;
	s17 =	ssub.s32 @!p1 s19, s17  }
0x2d: {  	p2 =	por !p2, p1;
	s16 =	ssub.s32 @!p1 s20, s16;
	s20 =	sadd.s32 @!p1 $0xFFFFF080, s17  }
0x2e: {  	s18 =	simm.s32 @!p2 $0x0;
	p3 =	sgt.s32 @!p1 s20, $0x7F  }
0x2f: {  	s19 =	sadd.s32 @!p1 $0xFFFFFFC0, s16;
	s17 =	ssub.s32 @!p1 $0x1000, s17;
	p3 =	por !p3, p1  }
0x30: {  	p2 =	sgt.s32 @!p1 s19, $0x7F;
	s19 =	sadd.s32 $0x80, s12;
	s17 =	simm.s32 @!p3 $0x0  }
0x31: {  	p3 =	sgt.s32 s19, $0xBF;
	s17 =	smul.u32 @!p1 s17, s18;
	s18 =	simm.s32 $0x1  }
0x32: {  	s16 =	ssub.s32 @!p1 $0xC0, s16;
	p2 =	por !p2, p1;
	s18 =	simm.s32 @!p3 $0x0  }
0x33: {  	s21 =	smov.u32 s14;
	s16 =	simm.s32 @!p2 $0x0;
	s20 =	sadd.s32 s18, s13  }
0x34: {  	s16 =	smul.u32 @!p1 s16, s17;
	s17 =	sadd.s32 $0x1000, s14;
	p2 =	sgt.s32 s20, $0x31  }
0x35: {  	p0 =	por !p0, !p0;
	s22 =	simm.s32 @!p1 $0x2;
	s21 =	smov.u32 @p2 s17  }
0x36: {  	s19 =	simm.s32 @p3 $0x0;
	s20 =	simm.s32 @p2 $0x0;
	p2 =	sgt.s32 s21, $0xFFF  }
0x37: {  	s18 =	smov.u32 s10;
	s21 =	smov.u32 @p2 s2;
	p2 =	sne.s32 s15, s7  }
.Ltmp1:
0x38: {  	s10 =	smov.u32 s13;
	s16 =	sand.u32 @!p1 $0x3FFFFFFF, s16;
	(pc) =	sbr.rel @!p2 .LBB1_6-.Ltmp1, $4  }
0x39: {  	s17 =	smov.u32 s11;
	s11 =	smov.u32 s14;
	_ =	swait.ge @!p1 [sflag:s22], s16  }
0x3a: {  	s23 =	ssub.s32 @!p1 $0x0, s16;
	s16 =	smov.u32 s9;
	s9 =	smov.u32 s12  }
0x3b: {  	s12 =	smov.u32 s19;
	s13 =	smov.u32 s20;
	[sflag:s22] =	ssyncset.done @!p1 $0x0  }
0x3c: {  	s15 =	sadd.s32 $0x1, s15;
	[sflag:s22] =	ssyncadd.s32 @!p1 s23;
	s14 =	smov.u32 s21  }
.LBB1_1:
0x3d: {  	p1 =	sge.u32 s15, s5  }
0x3e: {  	s19 =	sshll.u32 @!p1 s13, $0x8;
	s20 =	sshll.u32 @!p1 s12, $0x3  }
0x3f: {  	s21 =	sshll.u32 @!p1 s13, $0x7;
	s19 =	sand.u32 @!p1 $0xFFFFF800, s19;
	s20 =	sand.u32 @!p1 $0xFFFFFC00, s20  }
0x40: {  	s19 =	sadd.s32 @!p1 s19, s20;
	s20 =	sand.u32 @!p1 $0x300, s21  }
0x41: {  	s19 =	sor.u32 @!p1 s20, s19  }
0x42: {  	s19 =	sshrl.u32 @!p1 s19, $0x8  }
0x43: {  	s31 =	sadd.s32 $0xFFFFFFFF, s15;
	s20 =	smulhi.u32 @!p1 $0x4924925, s19  }
0x44: {  	s22 =	sxor.u32 @!p1 $0xFFFFFFFF, s15;
	s23 =	sand.u32 @!p1 $0x78, s12;
	s24 =	smul.u32 @!p1 $0x700, s14  }
0x45: {  	s22 =	sshll.u32 @!p1 s22, $0xE;
	s21 =	sand.u32 @!p1 $0x80, s21;
	s20 =	smul.u32 @!p1 $0x38, s20  }
0x46: {  	s22 =	sand.u32 @!p1 $0x4000, s22;
	s21 =	sor.u32 @!p1 s23, s21;
	s23 =	sand.u32 @!p1 $0x7, s12  }
0x47: {  	s19 =	ssub.s32 @!p1 s19, s20;
	s20 =	sshrl.u32 @!p1 s21, $0x3;
	s21 =	sadd.s32 @!p1 s6, s24  }
0x48: {  	s19 =	sshll.u32 @!p1 s19, $0x5;
	s20 =	sadd.s32 @!p1 s20, s21;
	s21 =	sshll.u32 @!p1 s23, $0x12  }
0x49: {  	s19 =	sadd.s32 @!p1 s19, s20;
	s20 =	sor.u32 @!p1 $0x80, s21;
	s21 =	simm.s32 @!p1 $0x3800  }
0x4a: {  	[tilespmem:s22], [sflag:$0x1] =	stream.strided.gather @!p1 [hbm4b:s19+s20], $0x4000, s21, s20, $0x38;
	[tilespmem:$0x10100] =	vst v63  }
0x4b: {  	p1 =	sge.u32 s31, s5  }
.Ltmp2:
0x4c: {  	_ = 	snop;
	(pc) =	sbr.rel @p1 .LBB1_5-.Ltmp2, $1  }
0x4d: {  	_ =	sdelay $0x3  }
0x4e: {  	s19 =	simm.s32 $0x1  }
0x4f: {  	_ =	swait.ge [sflag:s4], $0x4000;
	s19 =	simm.s32 @!p0 $0x0  }
0x50: {  	[sflag:s4] =	ssyncset.done $0x0;
	s20 =	sshll.u32 s19, $0xE  }
0x51: {  	[sflag:s4] =	ssyncadd.s32 $0xFFFFC000;
	s20 =	sor.u32 $0x40, s20  }
0x52: {  	s19 =	smul.u32 $0x10200, s19;
	v0 =	vld [tilespmem:s20+$0x30]  }
0x53: {  	v1 =	vld [tilespmem:s20+$0xFFFFFFD0]  }
0x54: {  	s19 =	sshrl.u32 s19, $0x2;
	v5 =	vld [tilespmem:s20+$0xFFFFFFE0]  }
0x55: {  	v6 =	vld [tilespmem:s20+$0xFFFFFFF0];
	s22 =	sor.u32 $0x8000, s19  }
0x56: {  	s31 =	sand.u32 $0x1, s15;
	v4 =	vld [tilespmem:s20+$0x0];
	s21 =	sadd.s32 $0x0, s22  }
0x57: {  	v3 =	vld [tilespmem:s20+$0x10];
	s19 =	smul.u32 $0x10200, s31;
	[tilespmem:s21+$0x3870 ss:$0x81] =	vst.msk $0xffff, v0  }
0x58: {  	v2 =	vld [tilespmem:s20+$0x20];
	[tilespmem:s21+$0x810 ss:$0x81] =	vst.msk $0xffff, v1  }
0x59: {  	s19 =	sshrl.u32 s19, $0x2;
	v1 =	vld [tilespmem:s20+$0xFFFFFFC0];
	[tilespmem:s21+$0x1020 ss:$0x81] =	vst.msk $0xffff, v5;
	s20 =	sadd.s32 $0x80, s20  }
0x5a: {  	s23 =	simm.s32 $0x4;
	s24 =	simm.s32 $0x8;
	s19 =	sor.u32 $0x8000, s19;
	[tilespmem:s21+$0x1830 ss:$0x81] =	vst.msk $0xffff, v6;
	v0 =	vld [tilespmem:s20+$0x30]  }
.LBB1_3:
0x5b: {  	p1 =	sne.s32 s24, $0x1FC;
	v5 =	vld [tilespmem:s20+$0xFFFFFFD0];
	[tilespmem:s21+$0x2040 ss:$0x81] =	vst.msk $0xffff, v4  }
0x5c: {  	v6 =	vld [tilespmem:s20+$0xFFFFFFE0];
	[tilespmem:s21+$0x2850 ss:$0x81] =	vst.msk $0xffff, v3  }
0x5d: {  	s25 =	sshra.s32 s23, $0x2;
	s23 =	smov.u32 s24;
	v7 =	vld [tilespmem:s20+$0xFFFFFFF0];
	[tilespmem:s21+$0x3060 ss:$0x81] =	vst.msk $0xffff, v2  }
.Ltmp3:
0x5e: {  	v4 =	vld [tilespmem:s20+$0x0];
	[tilespmem:s21+$0x0 ss:$0x81] =	vst.msk $0xffff, v1;
	s21 =	sadd.s32 s25, s22;
	(pc) =	sbr.rel @p1 .LBB1_3-.Ltmp3, $4  }
0x5f: {  	v3 =	vld [tilespmem:s20+$0x10];
	[tilespmem:s21+$0x3870 ss:$0x81] =	vst.msk $0xffff, v0  }
0x60: {  	[tilespmem:s21+$0x810 ss:$0x81] =	vst.msk $0xffff, v5;
	v2 =	vld [tilespmem:s20+$0x20]  }
0x61: {  	v1 =	vld [tilespmem:s20+$0xFFFFFFC0];
	[tilespmem:s21+$0x1020 ss:$0x81] =	vst.msk $0xffff, v6;
	s20 =	sadd.s32 $0x80, s20  }
0x62: {  	s24 =	sadd.s32 $0x4, s24;
	v0 =	vld [tilespmem:s20+$0x30];
	[tilespmem:s21+$0x1830 ss:$0x81] =	vst.msk $0xffff, v7  }
.Ltmp4:
0x63: {  	_ = 	snop;
	(pc) =	sbr.rel .LBB1_4-.Ltmp4, $1  }
0x64: {  	_ =	sdelay $0x3  }
.LBB1_6:
0x65: {  	_ =	sfence.sel $0x180000  }
0x66: {  	s2 =	simm.s32 $0x1;
	[bflag:$0x0] =	sbarrier.arrive $0xFFFF  }
0x67: {  	s31 =	simm.s32 $0x2;
	[sflag:s2] =	ssyncpa.u1 $0x1  }
0x68: {  	[sflag:s31] =	ssyncpa.u1 $0x1  }
0x69: {  	p0 =	sne.s32 s0, $0x0;
	_ =	strace $0x9000004A  }
0x6a: {  	s0 =	sadd.s32 @!p0 $0x100000, s1;
	[bflag:$0x2] =	sbarrier.arrive $0xFFFF  }
0x6b: {  	[sflag:s0] =	ssyncadd.tile.s32 @!p0 $0x1;
	_ =	shalt  }
.Lfunc_end1:
_tile_overlayer_lowered:
.L_overlay_start_2:
0x6c: {  	(tag) =	ssettag $0x2  }
0x6d: {  	s0 =	rddreg [dreg:$0x0];
	s2 =	stileid.u32  }
0x6e: {  	s1 =	rddreg [dreg:$0x1];
	p0 =	sne.s32 s2, $0x0  }
0x6f: {  	s3 =	rddreg [dreg:$0x2];
	[bflag:$0x3] =	sbarrier.arrive $0xFFFF;
	s2 =	simm.s32 @!p0 $0x1C01  }
0x70: {  	[timem:s3], [sflag:s2] =	dma.local @!p0 [hbm:s0], s1  }
0x71: {  	s0 =	simm.s32 @!p0 $0x1  }
0x72: {  	_ =	swait.ge @!p0 [sflag:s0], s1  }
0x73: {  	s1 =	ssub.s32 @!p0 $0x0, s1;
	[sflag:s0] =	ssyncset.done @!p0 $0x0  }
0x74: {  	[sflag:s0] =	ssyncadd.s32 @!p0 s1  }
0x75: {  	[bflag:$0x3] =	sbarrier.arrive $0xFFFF  }
0x76: {  	_ =	shalt  }

</sc_bundles>
